<compile_context>
chip_gen: v7x
topology: tpu7x:2x2x1
jax: 0.10.2.dev20260603
libtpu: 0.0.44.dev20260713+nightly
codegen_flags: <defaults>
</compile_context>

<pallas_src>
import functools

import jax
import jax.numpy as jnp
from jax import lax
from jax.experimental import pallas as pl
from jax.experimental.pallas import tpu as pltpu
from jax.experimental.pallas import tpu_sc as plsc

N = 10000
E = 320000
D = 128
W = 64
A = 40000
S = 5000

NC = 2
NT = 16
CH = 128

NPAD = 10112
SPAD = 5120

ECHUNKS_PER_TILE = 80
ACHUNKS_PER_TILE = 10

BM = 632


def _elu(v):
    return jnp.where(v > 0, v, jnp.exp(jnp.minimum(v, 0.0)) - 1.0)


def _make_sc_segment_sum(npad, chunks_per_tile):
    mesh = plsc.VectorSubcoreMesh(core_axis_name="c", subcore_axis_name="s")
    zr = npad // NT
    tr = NPAD // NT
    nb = chunks_per_tile // 2

    @functools.partial(
        pl.kernel,
        out_type=jax.ShapeDtypeStruct((NC * npad, W), jnp.float32),
        mesh=mesh,
        scratch_types=[
            pltpu.VMEM((chunks_per_tile, 2, CH), jnp.int32),
            pltpu.VMEM((CH, W), jnp.float32),
            pltpu.VMEM((CH, W), jnp.float32),
            pltpu.SemaphoreType.DMA,
            pltpu.SemaphoreType.DMA,
            pltpu.SemaphoreType.DMA,
            pltpu.SemaphoreType.DMA,
            pltpu.SemaphoreType.DMA,
            pltpu.SemaphoreType.DMA,
            pltpu.VMEM_SHARED((NPAD, W), jnp.float32),
            pltpu.VMEM_SHARED((npad, W), jnp.float32),
        ],
        compiler_params=pltpu.CompilerParams(use_tc_tiling_on_sc=False),
    )
    def seg(table_hbm, idx_hbm, out_hbm, idxall, rows0, rows1,
            sem_i, sem_t, sem_g0, sem_g1, sem_s0, sem_s1, tbl, acc):
        cid = lax.axis_index("c")
        sid = lax.axis_index("s")
        c0 = (cid * NT + sid) * chunks_per_tile

        idx_cp = pltpu.async_copy(idx_hbm.at[pl.ds(c0, chunks_per_tile)],
                                  idxall, sem_i)
        tbase = pl.multiple_of(sid * tr, 8)
        tbl_cp = pltpu.async_copy(table_hbm.at[pl.ds(tbase, tr)],
                                  tbl.at[pl.ds(tbase, tr)], sem_t)
        z16 = jnp.zeros((16,), jnp.float32)

        def zbody(i, carry):
            for k in range(W // 16):
                rows0[i, pl.ds(k * 16, 16)] = z16
            return carry

        lax.fori_loop(0, CH, zbody, 0)
        zbase = pl.multiple_of(sid * zr, 8)
        nfull, rem = zr // CH, zr % CH
        for q in range(nfull):
            pltpu.sync_copy(rows0, acc.at[pl.ds(zbase + q * CH, CH)])
        if rem:
            pltpu.sync_copy(rows0.at[pl.ds(0, rem)],
                            acc.at[pl.ds(zbase + nfull * CH, rem)])
        idx_cp.wait()
        tbl_cp.wait()
        plsc.subcore_barrier()
        pltpu.async_copy(tbl.at[idxall.at[0, 0]], rows0, sem_g0)

        def body(k, carry):
            j0 = 2 * k
            j1 = j0 + 1
            pltpu.make_async_copy(tbl.at[idxall.at[j0, 0]],
                                  rows0, sem_g0).wait()
            pltpu.async_copy(rows0, acc.at[idxall.at[j0, 1]], sem_s0, add=True)

            @pl.when(k > 0)
            def _():
                pltpu.make_async_copy(rows1, acc.at[idxall.at[j1, 1]],
                                      sem_s1).wait()

            pltpu.async_copy(tbl.at[idxall.at[j1, 0]], rows1, sem_g1)
            pltpu.make_async_copy(tbl.at[idxall.at[j1, 0]],
                                  rows1, sem_g1).wait()
            pltpu.async_copy(rows1, acc.at[idxall.at[j1, 1]], sem_s1, add=True)
            pltpu.make_async_copy(rows0, acc.at[idxall.at[j0, 1]],
                                  sem_s0).wait()

            @pl.when(k < nb - 1)
            def _():
                pltpu.async_copy(tbl.at[idxall.at[j0 + 2, 0]],
                                 rows0, sem_g0)

            return carry

        lax.fori_loop(0, nb, body, 0)
        pltpu.make_async_copy(rows1, acc.at[idxall.at[0, 1]], sem_s1).wait()
        plsc.subcore_barrier()

        pltpu.sync_copy(acc.at[pl.ds(zbase, zr)],
                        out_hbm.at[pl.ds(pl.multiple_of(cid * npad + zbase, 8), zr)])

    return seg


_seg_edge = _make_sc_segment_sum(NPAD, ECHUNKS_PER_TILE)
_seg_pool = _make_sc_segment_sum(SPAD, ACHUNKS_PER_TILE)


def _make_sc_l0():
    mesh = plsc.VectorSubcoreMesh(core_axis_name="c", subcore_axis_name="s")
    cpt = NC * ECHUNKS_PER_TILE
    hcpt = cpt // 2
    zr = NPAD // NT
    nb = hcpt // 2

    @functools.partial(
        pl.kernel,
        out_type=jax.ShapeDtypeStruct((NC * NPAD, W), jnp.float32),
        mesh=mesh,
        scratch_types=[
            pltpu.VMEM((hcpt, 2, CH), jnp.int32),
            pltpu.VMEM((CH, W), jnp.float32),
            pltpu.VMEM((CH, W), jnp.float32),
            pltpu.SemaphoreType.DMA,
            pltpu.SemaphoreType.DMA,
            pltpu.SemaphoreType.DMA,
            pltpu.SemaphoreType.DMA,
            pltpu.SemaphoreType.DMA,
            pltpu.SemaphoreType.DMA,
            pltpu.VMEM_SHARED((NPAD, W), jnp.float32),
            pltpu.VMEM_SHARED((NPAD, W), jnp.float32),
        ],
        compiler_params=pltpu.CompilerParams(use_tc_tiling_on_sc=False),
    )
    def seg(x_hbm, idx_hbm, out_hbm, idxall, rows0, rows1,
            sem_i, sem_t, sem_g0, sem_g1, sem_s0, sem_s1, tbl, acc):
        cid = lax.axis_index("c")
        sid = lax.axis_index("s")
        c0 = sid * cpt

        idx_cp = pltpu.async_copy(idx_hbm.at[pl.ds(c0, hcpt)], idxall, sem_i)
        tbase = pl.multiple_of(sid * zr, 8)
        tbl_cp = pltpu.async_copy(
            x_hbm.at[pl.ds(tbase, zr), pl.ds(pl.multiple_of(cid * W, W), W)],
            tbl.at[pl.ds(tbase, zr)], sem_t)
        z16 = jnp.zeros((16,), jnp.float32)

        def zbody(i, carry):
            for k in range(W // 16):
                rows0[i, pl.ds(k * 16, 16)] = z16
            return carry

        lax.fori_loop(0, CH, zbody, 0)
        zbase = pl.multiple_of(sid * zr, 8)
        nfull, rem = zr // CH, zr % CH
        for q in range(nfull):
            pltpu.sync_copy(rows0, acc.at[pl.ds(zbase + q * CH, CH)])
        if rem:
            pltpu.sync_copy(rows0.at[pl.ds(0, rem)],
                            acc.at[pl.ds(zbase + nfull * CH, rem)])
        idx_cp.wait()
        tbl_cp.wait()
        plsc.subcore_barrier()

        def body(k, carry):
            j0 = 2 * k
            j1 = j0 + 1
            pltpu.make_async_copy(tbl.at[idxall.at[j0, 0]],
                                  rows0, sem_g0).wait()
            pltpu.async_copy(rows0, acc.at[idxall.at[j0, 1]], sem_s0, add=True)

            @pl.when(k > 0)
            def _():
                pltpu.make_async_copy(rows1, acc.at[idxall.at[j1, 1]],
                                      sem_s1).wait()

            pltpu.async_copy(tbl.at[idxall.at[j1, 0]], rows1, sem_g1)
            pltpu.make_async_copy(tbl.at[idxall.at[j1, 0]],
                                  rows1, sem_g1).wait()
            pltpu.async_copy(rows1, acc.at[idxall.at[j1, 1]], sem_s1, add=True)
            pltpu.make_async_copy(rows0, acc.at[idxall.at[j0, 1]],
                                  sem_s0).wait()

            @pl.when(k < nb - 1)
            def _():
                pltpu.async_copy(tbl.at[idxall.at[j0 + 2, 0]],
                                 rows0, sem_g0)

            return carry

        pltpu.async_copy(tbl.at[idxall.at[0, 0]], rows0, sem_g0)
        lax.fori_loop(0, nb, body, 0)
        pltpu.make_async_copy(rows1, acc.at[idxall.at[0, 1]], sem_s1).wait()

        pltpu.sync_copy(idx_hbm.at[pl.ds(c0 + hcpt, hcpt)], idxall)
        pltpu.async_copy(tbl.at[idxall.at[0, 0]], rows0, sem_g0)
        lax.fori_loop(0, nb, body, 0)
        pltpu.make_async_copy(rows1, acc.at[idxall.at[0, 1]], sem_s1).wait()

        plsc.subcore_barrier()
        pltpu.sync_copy(acc.at[pl.ds(zbase, zr)],
                        out_hbm.at[pl.ds(pl.multiple_of(cid * NPAD + zbase, 8), zr)])

    return seg


_seg_l0 = _make_sc_l0()


def _pack_idx(gidx, sidx, total, dump_row):
    n = gidx.shape[0]
    pad = total - n
    g = jnp.concatenate([gidx.astype(jnp.int32),
                         jnp.zeros((pad,), jnp.int32)])
    s = jnp.concatenate([sidx.astype(jnp.int32),
                         jnp.full((pad,), dump_row, jnp.int32)])
    return jnp.stack([g.reshape(-1, CH), s.reshape(-1, CH)], axis=1)


def _layer0_tc(x, alo, ahi, w_root, w_rel, b):
    def body(x_ref, lo, hi, wr_ref, wl_ref, b_ref, o_ref):
        agg = jnp.concatenate([lo[...], hi[...]], axis=1)
        o_ref[...] = _elu(
            jnp.dot(x_ref[...], wr_ref[...], preferred_element_type=jnp.float32)
            + jnp.dot(agg, wl_ref[...], preferred_element_type=jnp.float32)
            + b_ref[...])

    return pl.pallas_call(
        body,
        grid=(NPAD // BM,),
        in_specs=[
            pl.BlockSpec((BM, D), lambda i: (i, 0)),
            pl.BlockSpec((BM, W), lambda i: (i, 0)),
            pl.BlockSpec((BM, W), lambda i: (i, 0)),
            pl.BlockSpec((D, W), lambda i: (0, 0)),
            pl.BlockSpec((D, W), lambda i: (0, 0)),
            pl.BlockSpec((1, W), lambda i: (0, 0)),
        ],
        out_specs=pl.BlockSpec((BM, W), lambda i: (i, 0)),
        out_shape=jax.ShapeDtypeStruct((NPAD, W), jnp.float32),
    )(x, alo, ahi, w_root, w_rel, b.reshape(1, W))


def _layer_tc(h, agg0, agg1, w_root, w_rel, b):
    def body(h_ref, a0_ref, a1_ref, wr_ref, wl_ref, b_ref, o_ref):
        agg = a0_ref[...] + a1_ref[...]
        o_ref[...] = _elu(
            jnp.dot(h_ref[...], wr_ref[...], preferred_element_type=jnp.float32)
            + jnp.dot(agg, wl_ref[...], preferred_element_type=jnp.float32)
            + b_ref[...])

    return pl.pallas_call(
        body,
        grid=(NPAD // BM,),
        in_specs=[
            pl.BlockSpec((BM, W), lambda i: (i, 0)),
            pl.BlockSpec((BM, W), lambda i: (i, 0)),
            pl.BlockSpec((BM, W), lambda i: (i, 0)),
            pl.BlockSpec((W, W), lambda i: (0, 0)),
            pl.BlockSpec((W, W), lambda i: (0, 0)),
            pl.BlockSpec((1, W), lambda i: (0, 0)),
        ],
        out_specs=pl.BlockSpec((BM, W), lambda i: (i, 0)),
        out_shape=jax.ShapeDtypeStruct((NPAD, W), jnp.float32),
    )(h, agg0, agg1, w_root, w_rel, b.reshape(1, W))


def _head(p0, p1, fc1_w, fc1_b, fc2_w, fc2_b, fc3_w, fc3_b):
    SB = 1000

    def body(p0_ref, p1_ref, w1_ref, b1_ref, w2_ref, b2_ref, w3_ref, b3_ref, o_ref):
        p = p0_ref[...] + p1_ref[...]
        h = _elu(jnp.dot(p, w1_ref[...], preferred_element_type=jnp.float32) + b1_ref[...])
        h = _elu(jnp.dot(h, w2_ref[...], preferred_element_type=jnp.float32) + b2_ref[...])
        lg = jnp.dot(h, w3_ref[...], preferred_element_type=jnp.float32) + b3_ref[...]
        m = jnp.max(lg, axis=1, keepdims=True)
        e = jnp.exp(lg - m)
        o_ref[...] = (lg - m) - jnp.log(jnp.sum(e, axis=1, keepdims=True))

    return pl.pallas_call(
        body,
        grid=(S // SB,),
        in_specs=[
            pl.BlockSpec((SB, W), lambda i: (i, 0)),
            pl.BlockSpec((SB, W), lambda i: (i, 0)),
            pl.BlockSpec((W, W), lambda i: (0, 0)),
            pl.BlockSpec((1, W), lambda i: (0, 0)),
            pl.BlockSpec((W, 32), lambda i: (0, 0)),
            pl.BlockSpec((1, 32), lambda i: (0, 0)),
            pl.BlockSpec((32, 2), lambda i: (0, 0)),
            pl.BlockSpec((1, 2), lambda i: (0, 0)),
        ],
        out_specs=pl.BlockSpec((SB, 2), lambda i: (i, 0)),
        out_shape=jax.ShapeDtypeStruct((S, 2), jnp.float32),
    )(p0, p1, fc1_w, fc1_b.reshape(1, W), fc2_w, fc2_b.reshape(1, 32),
      fc3_w, fc3_b.reshape(1, 2))


def kernel(x, edge_index, assign_nodes, assign_set_ids,
           W0_root, W0_rel, b0,
           W1_root, W1_rel, b1,
           W2_root, W2_rel, b2,
           fc1_w, fc1_b, fc2_w, fc2_b, fc3_w, fc3_b):
    src = edge_index[0].astype(jnp.int32)
    dst = edge_index[1].astype(jnp.int32)
    eidx = _pack_idx(src, dst, NC * NT * ECHUNKS_PER_TILE * CH, NPAD - 1)
    aidx = _pack_idx(assign_set_ids, assign_nodes,
                     NC * NT * ACHUNKS_PER_TILE * CH, SPAD - 1)

    xp = jnp.concatenate([x, jnp.zeros((NPAD - N, D), jnp.float32)])
    a0 = _seg_l0(xp, eidx)
    h1 = _layer0_tc(xp, a0[:NPAD], a0[NPAD:], W0_root, W0_rel, b0)
    agg = _seg_edge(h1, eidx)
    h2 = _layer_tc(h1, agg[:NPAD], agg[NPAD:], W1_root, W1_rel, b1)
    agg = _seg_edge(h2, eidx)
    h3 = _layer_tc(h2, agg[:NPAD], agg[NPAD:], W2_root, W2_rel, b2)

    pooled = _seg_pool(h3, aidx)
    return _head(pooled[:S], pooled[SPAD:SPAD + S],
                 fc1_w, fc1_b, fc2_w, fc2_b, fc3_w, fc3_b)

# --- scband reference (transcript-rebuilt; emitter-appended) ---
"""Pipeline reference for scband-net-27118423507319 (READ-ONLY COPY).

The authoritative reference and input builder live on the scoring server;
editing this copy changes nothing except your own understanding.
"""

import jax, jax.numpy as jnp
import numpy as np

N = 10000
E = 320000
D = 128
W = 64
A = 40000
S = 5000
LAYERS = 3


def setup_inputs(seed: int = 0) -> dict:
    key = jax.random.key(seed)
    ks = jax.random.split(key, 24)
    inp = {}
    inp["x"] = jax.random.normal(ks[0], (N, D), dtype=jnp.float32)
    inp["edge_index"] = jax.random.randint(ks[1], (2, E), 0, N)
    inp["assign_nodes"] = jax.random.randint(ks[2], (A,), 0, S)
    inp["assign_set_ids"] = jax.random.randint(ks[3], (A,), 0, N)
    # GraphConv 0: D -> W  (root weight + neighbor/rel weight + bias)
    inp["W0_root"] = jax.random.normal(ks[4], (D, W), dtype=jnp.float32) * 0.05
    inp["W0_rel"] = jax.random.normal(ks[5], (D, W), dtype=jnp.float32) * 0.05
    inp["b0"] = jnp.zeros((W,), dtype=jnp.float32)
    # GraphConv 1: W -> W
    inp["W1_root"] = jax.random.normal(ks[6], (W, W), dtype=jnp.float32) * 0.05
    inp["W1_rel"] = jax.random.normal(ks[7], (W, W), dtype=jnp.float32) * 0.05
    inp["b1"] = jnp.zeros((W,), dtype=jnp.float32)
    # GraphConv 2: W -> W
    inp["W2_root"] = jax.random.normal(ks[8], (W, W), dtype=jnp.float32) * 0.05
    inp["W2_rel"] = jax.random.normal(ks[9], (W, W), dtype=jnp.float32) * 0.05
    inp["b2"] = jnp.zeros((W,), dtype=jnp.float32)
    # MLP head
    inp["fc1_w"] = jax.random.normal(ks[10], (W, W), dtype=jnp.float32) * 0.05
    inp["fc1_b"] = jnp.zeros((W,), dtype=jnp.float32)
    inp["fc2_w"] = jax.random.normal(ks[11], (W, 32), dtype=jnp.float32) * 0.05
    inp["fc2_b"] = jnp.zeros((32,), dtype=jnp.float32)
    inp["fc3_w"] = jax.random.normal(ks[12], (32, 2), dtype=jnp.float32) * 0.05
    inp["fc3_b"] = jnp.zeros((2,), dtype=jnp.float32)
    return inp


def _graph_conv(x, edge_index, w_root, w_rel, b):
    # torch_geometric GraphConv with aggr='add':
    # out_i = W_root @ x_i + W_rel @ sum_{j in N(i)} x_j + b
    src = edge_index[0]
    dst = edge_index[1]
    msg = jnp.take(x, src, axis=0)
    agg = jax.ops.segment_sum(msg, dst, num_segments=x.shape[0])
    return x @ w_root + agg @ w_rel + b


def reference(x, edge_index, assign_nodes, assign_set_ids,
              W0_root, W0_rel, b0,
              W1_root, W1_rel, b1,
              W2_root, W2_rel, b2,
              fc1_w, fc1_b, fc2_w, fc2_b, fc3_w, fc3_b):
    h = jax.nn.elu(_graph_conv(x, edge_index, W0_root, W0_rel, b0))
    h = jax.nn.elu(_graph_conv(h, edge_index, W1_root, W1_rel, b1))
    h = jax.nn.elu(_graph_conv(h, edge_index, W2_root, W2_rel, b2))
    # select = torch.index_select(x, 0, set_ids); x = scatter_add(select, nodes, dim=0)
    select = jnp.take(h, assign_set_ids, axis=0)
    pooled = jax.ops.segment_sum(select, assign_nodes, num_segments=S)
    h = jax.nn.elu(pooled @ fc1_w + fc1_b)
    # dropout p=0.5 is identity in eval mode
    h = jax.nn.elu(h @ fc2_w + fc2_b)
    logits = h @ fc3_w + fc3_b
    return jax.nn.log_softmax(logits, axis=1)

if __name__ == "__main__":
    import jax
    _d = setup_inputs()
    print(jax.jit(kernel)(*tuple(_d.values())))

</pallas_src>

<mosaic_0001>
#map = affine_map<(d0, d1) -> (0, 0)>
#map1 = affine_map<(d0, d1) -> (0, 0, 0)>
module attributes {stable_mosaic.version = 14 : i64} {
  func.func @seg(%arg0: i32, %arg1: i32, %arg2: memref<10112x128xf32, #tpu.memory_space<hbm>>, %arg3: memref<2560x2x128xi32, #tpu.memory_space<hbm>>, %arg4: memref<20224x64xf32, #tpu.memory_space<hbm>>, %arg5: memref<80x2x128xi32, #tpu.memory_space<vmem>>, %arg6: memref<128x64xf32, #tpu.memory_space<vmem>>, %arg7: memref<128x64xf32, #tpu.memory_space<vmem>>, %arg8: memref<!tpu.dma_semaphore, #tpu.memory_space<semaphore_mem>>, %arg9: memref<!tpu.dma_semaphore, #tpu.memory_space<semaphore_mem>>, %arg10: memref<!tpu.dma_semaphore, #tpu.memory_space<semaphore_mem>>, %arg11: memref<!tpu.dma_semaphore, #tpu.memory_space<semaphore_mem>>, %arg12: memref<!tpu.dma_semaphore, #tpu.memory_space<semaphore_mem>>, %arg13: memref<!tpu.dma_semaphore, #tpu.memory_space<semaphore_mem>>, %arg14: memref<10112x64xf32, #tpu.memory_space<vmem_shared>>, %arg15: memref<10112x64xf32, #tpu.memory_space<vmem_shared>>) attributes {dimension_semantics = [#tpu.dimension_semantics<core_parallel>, #tpu.dimension_semantics<subcore_parallel>], iteration_bounds = array<i64: 2, 16>, scalar_prefetch = 0 : i64, scratch_operands = 11 : i64, tpu.core_type = #tpu.core_type<sc_vector_subcore>, window_params = [{transform_indices = #map}, {transform_indices = #map1}, {transform_indices = #map}]} {
    %mul3A = arith.constant 160 : i32
    %mul3A_0 = arith.muli %arg1, %mul3A : i32
    %dma_start3A = arith.constant 0 : i32
    %dma_start3A_1 = arith.constant 0 : i32
    %dma_start3A_2 = tpu.memref_slice %arg3[%mul3A_0, %dma_start3A, %dma_start3A_1] : memref<2560x2x128xi32, #tpu.memory_space<hbm>> -> memref<80x2x128xi32, #tpu.memory_space<hbm>>
    %dma_start3A_3 = arith.constant 0 : i32
    %dma_start3A_4 = arith.constant 0 : i32
    %dma_start3A_5 = tpu.memref_slice %arg3[%mul3A_0, %dma_start3A_3, %dma_start3A_4] : memref<2560x2x128xi32, #tpu.memory_space<hbm>> -> memref<80x2x128xi32, #tpu.memory_space<hbm>>
    tpu.enqueue_dma source(%dma_start3A_5 : memref<80x2x128xi32, #tpu.memory_space<hbm>>) target(%arg5 : memref<80x2x128xi32, #tpu.memory_space<vmem>>) target_semaphore(%arg8 : memref<!tpu.dma_semaphore, #tpu.memory_space<semaphore_mem>>)
    %mul3A_6 = arith.constant 632 : i32
    %mul3A_7 = arith.muli %arg1, %mul3A_6 : i32
    %multiple_of3A = tpu.assume_multiple %mul3A_7, 8 : i32
    %mul3A_8 = arith.constant 64 : i32
    %mul3A_9 = arith.muli %arg0, %mul3A_8 : i32
    %multiple_of3A_10 = tpu.assume_multiple %mul3A_9, 64 : i32
    %dma_start3A_11 = arith.constant 0 : i32
    %dma_start3A_12 = tpu.memref_slice %arg14[%multiple_of3A, %dma_start3A_11] : memref<10112x64xf32, #tpu.memory_space<vmem_shared>> -> memref<632x64xf32, #tpu.memory_space<vmem_shared>>
    %dma_start3A_13 = tpu.memref_slice %arg2[%multiple_of3A, %multiple_of3A_10] : memref<10112x128xf32, #tpu.memory_space<hbm>> -> memref<632x64xf32, #tpu.memory_space<hbm>>
    tpu.enqueue_dma source(%dma_start3A_13 : memref<632x64xf32, #tpu.memory_space<hbm>>) target(%dma_start3A_12 : memref<632x64xf32, #tpu.memory_space<vmem_shared>>) target_semaphore(%arg9 : memref<!tpu.dma_semaphore, #tpu.memory_space<semaphore_mem>>)
    %broadcast_in_dim3A = arith.constant 0.000000e+00 : f32
    %broadcast_in_dim3A_14 = vector.broadcast %broadcast_in_dim3A : f32 to vector<16xf32>
    %scan3A = arith.constant 0 : i32
    %scan3A_15 = arith.constant 0 : i32
    %scan3A_16 = arith.constant 128 : i32
    %scan3A_17 = arith.addi %scan3A_15, %scan3A_16 : i32
    %scan3A_18 = arith.constant 1 : i32
    scf.for %scan3A_91 = %scan3A_15 to %scan3A_17 step %scan3A_18  : i32 {
      %swap3A = arith.index_cast %scan3A_91 : i32 to index
      %swap3A_92 = arith.constant 0 : index
      %swap3A_93 = tpu.vector_load %arg6[%swap3A, %swap3A_92] {strides = array<i32>} : memref<128x64xf32, #tpu.memory_space<vmem>>, vector<1x16xf32>,
      %swap3A_94 = vector.shape_cast %swap3A_93 : vector<1x16xf32> to vector<16xf32>
      %swap3A_95 = vector.shape_cast %broadcast_in_dim3A_14 : vector<16xf32> to vector<1x16xf32>
      tpu.vector_store %arg6[%swap3A, %swap3A_92], %swap3A_95 {strides = array<i32>} : memref<128x64xf32, #tpu.memory_space<vmem>>, vector<1x16xf32>,
      %swap3A_96 = arith.index_cast %scan3A_91 : i32 to index
      %swap3A_97 = arith.constant 16 : index
      %swap3A_98 = tpu.vector_load %arg6[%swap3A_96, %swap3A_97] {strides = array<i32>} : memref<128x64xf32, #tpu.memory_space<vmem>>, vector<1x16xf32>,
      %swap3A_99 = vector.shape_cast %swap3A_98 : vector<1x16xf32> to vector<16xf32>
      %swap3A_100 = vector.shape_cast %broadcast_in_dim3A_14 : vector<16xf32> to vector<1x16xf32>
      tpu.vector_store %arg6[%swap3A_96, %swap3A_97], %swap3A_100 {strides = array<i32>} : memref<128x64xf32, #tpu.memory_space<vmem>>, vector<1x16xf32>,
      %swap3A_101 = arith.index_cast %scan3A_91 : i32 to index
      %swap3A_102 = arith.constant 32 : index
      %swap3A_103 = tpu.vector_load %arg6[%swap3A_101, %swap3A_102] {strides = array<i32>} : memref<128x64xf32, #tpu.memory_space<vmem>>, vector<1x16xf32>,
      %swap3A_104 = vector.shape_cast %swap3A_103 : vector<1x16xf32> to vector<16xf32>
      %swap3A_105 = vector.shape_cast %broadcast_in_dim3A_14 : vector<16xf32> to vector<1x16xf32>
      tpu.vector_store %arg6[%swap3A_101, %swap3A_102], %swap3A_105 {strides = array<i32>} : memref<128x64xf32, #tpu.memory_space<vmem>>, vector<1x16xf32>,
      %swap3A_106 = arith.index_cast %scan3A_91 : i32 to index
      %swap3A_107 = arith.constant 48 : index
      %swap3A_108 = tpu.vector_load %arg6[%swap3A_106, %swap3A_107] {strides = array<i32>} : memref<128x64xf32, #tpu.memory_space<vmem>>, vector<1x16xf32>,
      %swap3A_109 = vector.shape_cast %swap3A_108 : vector<1x16xf32> to vector<16xf32>
      %swap3A_110 = vector.shape_cast %broadcast_in_dim3A_14 : vector<16xf32> to vector<1x16xf32>
      tpu.vector_store %arg6[%swap3A_106, %swap3A_107], %swap3A_110 {strides = array<i32>} : memref<128x64xf32, #tpu.memory_space<vmem>>, vector<1x16xf32>,
    }
    %scan3A_19 = arith.constant 128 : i32
    %mul3A_20 = arith.constant 632 : i32
    %mul3A_21 = arith.muli %arg1, %mul3A_20 : i32
    %multiple_of3A_22 = tpu.assume_multiple %mul3A_21, 8 : i32
    %add3A = arith.constant 0 : i32
    %add3A_23 = arith.addi %multiple_of3A_22, %add3A : i32
    "tpu.region"() ({
      %run_scoped3A = tpu.sem_alloc : memref<!tpu.dma_semaphore, #tpu.memory_space<semaphore_mem>>
      %dma_start3A_91 = arith.constant 0 : i32
      %dma_start3A_92 = tpu.memref_slice %arg15[%add3A_23, %dma_start3A_91] : memref<10112x64xf32, #tpu.memory_space<vmem_shared>> -> memref<128x64xf32, #tpu.memory_space<vmem_shared>>
      %dma_start3A_93 = arith.constant 0 : i32
      %dma_start3A_94 = tpu.memref_slice %arg15[%add3A_23, %dma_start3A_93] : memref<10112x64xf32, #tpu.memory_space<vmem_shared>> -> memref<128x64xf32, #tpu.memory_space<vmem_shared>>
      tpu.enqueue_dma source(%arg6 : memref<128x64xf32, #tpu.memory_space<vmem>>) target(%dma_start3A_94 : memref<128x64xf32, #tpu.memory_space<vmem_shared>>) target_semaphore(%run_scoped3A : memref<!tpu.dma_semaphore, #tpu.memory_space<semaphore_mem>>)
      %dma_wait3A_95 = arith.constant 0 : i32
      %dma_wait3A_96 = tpu.memref_slice %arg15[%add3A_23, %dma_wait3A_95] : memref<10112x64xf32, #tpu.memory_space<vmem_shared>> -> memref<128x64xf32, #tpu.memory_space<vmem_shared>>
      %dma_wait3A_97 = arith.constant 0 : i32
      %dma_wait3A_98 = tpu.memref_slice %arg15[%add3A_23, %dma_wait3A_97] : memref<10112x64xf32, #tpu.memory_space<vmem_shared>> -> memref<128x64xf32, #tpu.memory_space<vmem_shared>>
      tpu.wait_dma2 semaphore(%run_scoped3A : memref<!tpu.dma_semaphore, #tpu.memory_space<semaphore_mem>>) src(%arg6 : memref<128x64xf32, #tpu.memory_space<vmem>>) dst(%dma_wait3A_98 : memref<128x64xf32, #tpu.memory_space<vmem_shared>>)
      tpu.yield
    }) : () -> ()
    %add3A_24 = arith.constant 128 : i32
    %add3A_25 = arith.addi %multiple_of3A_22, %add3A_24 : i32
    "tpu.region"() ({
      %run_scoped3A = tpu.sem_alloc : memref<!tpu.dma_semaphore, #tpu.memory_space<semaphore_mem>>
      %dma_start3A_91 = arith.constant 0 : i32
      %dma_start3A_92 = tpu.memref_slice %arg15[%add3A_25, %dma_start3A_91] : memref<10112x64xf32, #tpu.memory_space<vmem_shared>> -> memref<128x64xf32, #tpu.memory_space<vmem_shared>>
      %dma_start3A_93 = arith.constant 0 : i32
      %dma_start3A_94 = tpu.memref_slice %arg15[%add3A_25, %dma_start3A_93] : memref<10112x64xf32, #tpu.memory_space<vmem_shared>> -> memref<128x64xf32, #tpu.memory_space<vmem_shared>>
      tpu.enqueue_dma source(%arg6 : memref<128x64xf32, #tpu.memory_space<vmem>>) target(%dma_start3A_94 : memref<128x64xf32, #tpu.memory_space<vmem_shared>>) target_semaphore(%run_scoped3A : memref<!tpu.dma_semaphore, #tpu.memory_space<semaphore_mem>>)
      %dma_wait3A_95 = arith.constant 0 : i32
      %dma_wait3A_96 = tpu.memref_slice %arg15[%add3A_25, %dma_wait3A_95] : memref<10112x64xf32, #tpu.memory_space<vmem_shared>> -> memref<128x64xf32, #tpu.memory_space<vmem_shared>>
      %dma_wait3A_97 = arith.constant 0 : i32
      %dma_wait3A_98 = tpu.memref_slice %arg15[%add3A_25, %dma_wait3A_97] : memref<10112x64xf32, #tpu.memory_space<vmem_shared>> -> memref<128x64xf32, #tpu.memory_space<vmem_shared>>
      tpu.wait_dma2 semaphore(%run_scoped3A : memref<!tpu.dma_semaphore, #tpu.memory_space<semaphore_mem>>) src(%arg6 : memref<128x64xf32, #tpu.memory_space<vmem>>) dst(%dma_wait3A_98 : memref<128x64xf32, #tpu.memory_space<vmem_shared>>)
      tpu.yield
    }) : () -> ()
    %add3A_26 = arith.constant 256 : i32
    %add3A_27 = arith.addi %multiple_of3A_22, %add3A_26 : i32
    "tpu.region"() ({
      %run_scoped3A = tpu.sem_alloc : memref<!tpu.dma_semaphore, #tpu.memory_space<semaphore_mem>>
      %dma_start3A_91 = arith.constant 0 : i32
      %dma_start3A_92 = tpu.memref_slice %arg15[%add3A_27, %dma_start3A_91] : memref<10112x64xf32, #tpu.memory_space<vmem_shared>> -> memref<128x64xf32, #tpu.memory_space<vmem_shared>>
      %dma_start3A_93 = arith.constant 0 : i32
      %dma_start3A_94 = tpu.memref_slice %arg15[%add3A_27, %dma_start3A_93] : memref<10112x64xf32, #tpu.memory_space<vmem_shared>> -> memref<128x64xf32, #tpu.memory_space<vmem_shared>>
      tpu.enqueue_dma source(%arg6 : memref<128x64xf32, #tpu.memory_space<vmem>>) target(%dma_start3A_94 : memref<128x64xf32, #tpu.memory_space<vmem_shared>>) target_semaphore(%run_scoped3A : memref<!tpu.dma_semaphore, #tpu.memory_space<semaphore_mem>>)
      %dma_wait3A_95 = arith.constant 0 : i32
      %dma_wait3A_96 = tpu.memref_slice %arg15[%add3A_27, %dma_wait3A_95] : memref<10112x64xf32, #tpu.memory_space<vmem_shared>> -> memref<128x64xf32, #tpu.memory_space<vmem_shared>>
      %dma_wait3A_97 = arith.constant 0 : i32
      %dma_wait3A_98 = tpu.memref_slice %arg15[%add3A_27, %dma_wait3A_97] : memref<10112x64xf32, #tpu.memory_space<vmem_shared>> -> memref<128x64xf32, #tpu.memory_space<vmem_shared>>
      tpu.wait_dma2 semaphore(%run_scoped3A : memref<!tpu.dma_semaphore, #tpu.memory_space<semaphore_mem>>) src(%arg6 : memref<128x64xf32, #tpu.memory_space<vmem>>) dst(%dma_wait3A_98 : memref<128x64xf32, #tpu.memory_space<vmem_shared>>)
      tpu.yield
    }) : () -> ()
    %add3A_28 = arith.constant 384 : i32
    %add3A_29 = arith.addi %multiple_of3A_22, %add3A_28 : i32
    "tpu.region"() ({
      %run_scoped3A = tpu.sem_alloc : memref<!tpu.dma_semaphore, #tpu.memory_space<semaphore_mem>>
      %dma_start3A_91 = arith.constant 0 : i32
      %dma_start3A_92 = tpu.memref_slice %arg15[%add3A_29, %dma_start3A_91] : memref<10112x64xf32, #tpu.memory_space<vmem_shared>> -> memref<128x64xf32, #tpu.memory_space<vmem_shared>>
      %dma_start3A_93 = arith.constant 0 : i32
      %dma_start3A_94 = tpu.memref_slice %arg15[%add3A_29, %dma_start3A_93] : memref<10112x64xf32, #tpu.memory_space<vmem_shared>> -> memref<128x64xf32, #tpu.memory_space<vmem_shared>>
      tpu.enqueue_dma source(%arg6 : memref<128x64xf32, #tpu.memory_space<vmem>>) target(%dma_start3A_94 : memref<128x64xf32, #tpu.memory_space<vmem_shared>>) target_semaphore(%run_scoped3A : memref<!tpu.dma_semaphore, #tpu.memory_space<semaphore_mem>>)
      %dma_wait3A_95 = arith.constant 0 : i32
      %dma_wait3A_96 = tpu.memref_slice %arg15[%add3A_29, %dma_wait3A_95] : memref<10112x64xf32, #tpu.memory_space<vmem_shared>> -> memref<128x64xf32, #tpu.memory_space<vmem_shared>>
      %dma_wait3A_97 = arith.constant 0 : i32
      %dma_wait3A_98 = tpu.memref_slice %arg15[%add3A_29, %dma_wait3A_97] : memref<10112x64xf32, #tpu.memory_space<vmem_shared>> -> memref<128x64xf32, #tpu.memory_space<vmem_shared>>
      tpu.wait_dma2 semaphore(%run_scoped3A : memref<!tpu.dma_semaphore, #tpu.memory_space<semaphore_mem>>) src(%arg6 : memref<128x64xf32, #tpu.memory_space<vmem>>) dst(%dma_wait3A_98 : memref<128x64xf32, #tpu.memory_space<vmem_shared>>)
      tpu.yield
    }) : () -> ()
    %add3A_30 = arith.constant 512 : i32
    %add3A_31 = arith.addi %multiple_of3A_22, %add3A_30 : i32
    "tpu.region"() ({
      %run_scoped3A = tpu.sem_alloc : memref<!tpu.dma_semaphore, #tpu.memory_space<semaphore_mem>>
      %dma_start3A_91 = arith.constant 0 : i32
      %dma_start3A_92 = arith.constant 0 : i32
      %dma_start3A_93 = tpu.memref_slice %arg6[%dma_start3A_91, %dma_start3A_92] : memref<128x64xf32, #tpu.memory_space<vmem>> -> memref<120x64xf32, #tpu.memory_space<vmem>>
      %dma_start3A_94 = arith.constant 0 : i32
      %dma_start3A_95 = tpu.memref_slice %arg15[%add3A_31, %dma_start3A_94] : memref<10112x64xf32, #tpu.memory_space<vmem_shared>> -> memref<120x64xf32, #tpu.memory_space<vmem_shared>>
      %dma_start3A_96 = arith.constant 0 : i32
      %dma_start3A_97 = tpu.memref_slice %arg15[%add3A_31, %dma_start3A_96] : memref<10112x64xf32, #tpu.memory_space<vmem_shared>> -> memref<120x64xf32, #tpu.memory_space<vmem_shared>>
      %dma_start3A_98 = arith.constant 0 : i32
      %dma_start3A_99 = arith.constant 0 : i32
      %dma_start3A_100 = tpu.memref_slice %arg6[%dma_start3A_98, %dma_start3A_99] : memref<128x64xf32, #tpu.memory_space<vmem>> -> memref<120x64xf32, #tpu.memory_space<vmem>>
      tpu.enqueue_dma source(%dma_start3A_100 : memref<120x64xf32, #tpu.memory_space<vmem>>) target(%dma_start3A_97 : memref<120x64xf32, #tpu.memory_space<vmem_shared>>) target_semaphore(%run_scoped3A : memref<!tpu.dma_semaphore, #tpu.memory_space<semaphore_mem>>)
      %dma_wait3A_101 = arith.constant 0 : i32
      %dma_wait3A_102 = arith.constant 0 : i32
      %dma_wait3A_103 = tpu.memref_slice %arg6[%dma_wait3A_101, %dma_wait3A_102] : memref<128x64xf32, #tpu.memory_space<vmem>> -> memref<120x64xf32, #tpu.memory_space<vmem>>
      %dma_wait3A_104 = arith.constant 0 : i32
      %dma_wait3A_105 = tpu.memref_slice %arg15[%add3A_31, %dma_wait3A_104] : memref<10112x64xf32, #tpu.memory_space<vmem_shared>> -> memref<120x64xf32, #tpu.memory_space<vmem_shared>>
      %dma_wait3A_106 = arith.constant 0 : i32
      %dma_wait3A_107 = tpu.memref_slice %arg15[%add3A_31, %dma_wait3A_106] : memref<10112x64xf32, #tpu.memory_space<vmem_shared>> -> memref<120x64xf32, #tpu.memory_space<vmem_shared>>
      %dma_wait3A_108 = arith.constant 0 : i32
      %dma_wait3A_109 = arith.constant 0 : i32
      %dma_wait3A_110 = tpu.memref_slice %arg6[%dma_wait3A_108, %dma_wait3A_109] : memref<128x64xf32, #tpu.memory_space<vmem>> -> memref<120x64xf32, #tpu.memory_space<vmem>>
      tpu.wait_dma2 semaphore(%run_scoped3A : memref<!tpu.dma_semaphore, #tpu.memory_space<semaphore_mem>>) src(%dma_wait3A_110 : memref<120x64xf32, #tpu.memory_space<vmem>>) dst(%dma_wait3A_107 : memref<120x64xf32, #tpu.memory_space<vmem_shared>>)
      tpu.yield
    }) : () -> ()
    %dma_wait3A = arith.constant 0 : i32
    %dma_wait3A_32 = arith.constant 0 : i32
    %dma_wait3A_33 = tpu.memref_slice %arg3[%mul3A_0, %dma_wait3A, %dma_wait3A_32] : memref<2560x2x128xi32, #tpu.memory_space<hbm>> -> memref<80x2x128xi32, #tpu.memory_space<hbm>>
    %dma_wait3A_34 = arith.constant 0 : i32
    %dma_wait3A_35 = arith.constant 0 : i32
    %dma_wait3A_36 = tpu.memref_slice %arg3[%mul3A_0, %dma_wait3A_34, %dma_wait3A_35] : memref<2560x2x128xi32, #tpu.memory_space<hbm>> -> memref<80x2x128xi32, #tpu.memory_space<hbm>>
    tpu.wait_dma2 semaphore(%arg8 : memref<!tpu.dma_semaphore, #tpu.memory_space<semaphore_mem>>) src(%dma_wait3A_36 : memref<80x2x128xi32, #tpu.memory_space<hbm>>) dst(%arg5 : memref<80x2x128xi32, #tpu.memory_space<vmem>>)
    %dma_wait3A_37 = arith.constant 0 : i32
    %dma_wait3A_38 = tpu.memref_slice %arg14[%multiple_of3A, %dma_wait3A_37] : memref<10112x64xf32, #tpu.memory_space<vmem_shared>> -> memref<632x64xf32, #tpu.memory_space<vmem_shared>>
    %dma_wait3A_39 = tpu.memref_slice %arg2[%multiple_of3A, %multiple_of3A_10] : memref<10112x128xf32, #tpu.memory_space<hbm>> -> memref<632x64xf32, #tpu.memory_space<hbm>>
    tpu.wait_dma2 semaphore(%arg9 : memref<!tpu.dma_semaphore, #tpu.memory_space<semaphore_mem>>) src(%dma_wait3A_39 : memref<632x64xf32, #tpu.memory_space<hbm>>) dst(%dma_wait3A_38 : memref<632x64xf32, #tpu.memory_space<vmem_shared>>)
    %barrier3A = arith.constant 0 : index
    tpu.barrier barrier_id(%barrier3A)
    %dma_start3A_40 = arith.constant 0 : i32
    %dma_start3A_41 = arith.constant 0 : i32
    %dma_start3A_42 = arith.constant 0 : i32
    %dma_start3A_43 = tpu.memref_slice %arg5[%dma_start3A_40, %dma_start3A_41, %dma_start3A_42] : memref<80x2x128xi32, #tpu.memory_space<vmem>> -> memref<1x1x128xi32, #tpu.memory_space<vmem>>
    %dma_start3A_44 = tpu.memref_squeeze %dma_start3A_43 : memref<1x1x128xi32, #tpu.memory_space<vmem>> -> memref<128xi32, #tpu.memory_space<vmem>>
    %dma_start3A_45 = arith.constant 0 : i32
    %dma_start3A_46 = arith.constant 0 : i32
    %dma_start3A_47 = tpu.memref_slice %arg14[%dma_start3A_45, %dma_start3A_46] : memref<10112x64xf32, #tpu.memory_space<vmem_shared>> -> memref<10112x64xf32, #tpu.memory_space<vmem_shared>>
    tpu.enqueue_indirect_dma source(%dma_start3A_47 : memref<10112x64xf32, #tpu.memory_space<vmem_shared>>) target(%arg6 : memref<128x64xf32, #tpu.memory_space<vmem>>) offsets(%dma_start3A_44 : memref<128xi32, #tpu.memory_space<vmem>>) semaphore(%arg10 : memref<!tpu.dma_semaphore, #tpu.memory_space<semaphore_mem>>)
    %scan3A_48 = arith.constant 0 : i32
    %scan3A_49 = arith.constant 0 : i32
    %scan3A_50 = arith.constant 40 : i32
    %scan3A_51 = arith.addi %scan3A_49, %scan3A_50 : i32
    %scan3A_52 = arith.constant 1 : i32
    scf.for %scan3A_91 = %scan3A_49 to %scan3A_51 step %scan3A_52  : i32 {
      %mul3A_92 = arith.constant 2 : i32
      %mul3A_93 = arith.muli %mul3A_92, %scan3A_91 : i32
      %add3A_94 = arith.constant 1 : i32
      %add3A_95 = arith.addi %mul3A_93, %add3A_94 : i32
      %dma_wait3A_96 = arith.constant 0 : i32
      %dma_wait3A_97 = arith.constant 0 : i32
      %dma_wait3A_98 = tpu.memref_slice %arg5[%mul3A_93, %dma_wait3A_96, %dma_wait3A_97] : memref<80x2x128xi32, #tpu.memory_space<vmem>> -> memref<1x1x128xi32, #tpu.memory_space<vmem>>
      %dma_wait3A_99 = tpu.memref_squeeze %dma_wait3A_98 : memref<1x1x128xi32, #tpu.memory_space<vmem>> -> memref<128xi32, #tpu.memory_space<vmem>>
      %dma_wait3A_100 = arith.constant 0 : i32
      %dma_wait3A_101 = arith.constant 0 : i32
      %dma_wait3A_102 = tpu.memref_slice %arg14[%dma_wait3A_100, %dma_wait3A_101] : memref<10112x64xf32, #tpu.memory_space<vmem_shared>> -> memref<10112x64xf32, #tpu.memory_space<vmem_shared>>
      tpu.wait_indirect_dma semaphore(%arg10 : memref<!tpu.dma_semaphore, #tpu.memory_space<semaphore_mem>>) src(%dma_wait3A_102 : memref<10112x64xf32, #tpu.memory_space<vmem_shared>>) dst(%arg6 : memref<128x64xf32, #tpu.memory_space<vmem>>)
      %dma_start3A_103 = arith.constant 1 : i32
      %dma_start3A_104 = arith.constant 0 : i32
      %dma_start3A_105 = tpu.memref_slice %arg5[%mul3A_93, %dma_start3A_103, %dma_start3A_104] : memref<80x2x128xi32, #tpu.memory_space<vmem>> -> memref<1x1x128xi32, #tpu.memory_space<vmem>>
      %dma_start3A_106 = tpu.memref_squeeze %dma_start3A_105 : memref<1x1x128xi32, #tpu.memory_space<vmem>> -> memref<128xi32, #tpu.memory_space<vmem>>
      %dma_start3A_107 = arith.constant 0 : i32
      %dma_start3A_108 = arith.constant 0 : i32
      %dma_start3A_109 = tpu.memref_slice %arg15[%dma_start3A_107, %dma_start3A_108] : memref<10112x64xf32, #tpu.memory_space<vmem_shared>> -> memref<10112x64xf32, #tpu.memory_space<vmem_shared>>
      tpu.enqueue_indirect_dma source(%arg6 : memref<128x64xf32, #tpu.memory_space<vmem>>) target(%dma_start3A_109 : memref<10112x64xf32, #tpu.memory_space<vmem_shared>>) offsets(%dma_start3A_106 : memref<128xi32, #tpu.memory_space<vmem>>) semaphore(%arg12 : memref<!tpu.dma_semaphore, #tpu.memory_space<semaphore_mem>>) {add = true}
      %gt3A = arith.constant 0 : i32
      %gt3A_110 = arith.cmpi sgt, %scan3A_91, %gt3A : i32
      %convert_element_type3A = arith.extui %gt3A_110 : i1 to i32
      %cond3A = arith.constant 0 : i32
      %cond3A_111 = arith.cmpi ne, %convert_element_type3A, %cond3A : i32
      scf.if %cond3A_111 {
        %dma_wait3A_144 = arith.constant 1 : i32
        %dma_wait3A_145 = arith.constant 0 : i32
        %dma_wait3A_146 = tpu.memref_slice %arg5[%add3A_95, %dma_wait3A_144, %dma_wait3A_145] : memref<80x2x128xi32, #tpu.memory_space<vmem>> -> memref<1x1x128xi32, #tpu.memory_space<vmem>>
        %dma_wait3A_147 = tpu.memref_squeeze %dma_wait3A_146 : memref<1x1x128xi32, #tpu.memory_space<vmem>> -> memref<128xi32, #tpu.memory_space<vmem>>
        %dma_wait3A_148 = arith.constant 0 : i32
        %dma_wait3A_149 = arith.constant 0 : i32
        %dma_wait3A_150 = tpu.memref_slice %arg15[%dma_wait3A_148, %dma_wait3A_149] : memref<10112x64xf32, #tpu.memory_space<vmem_shared>> -> memref<10112x64xf32, #tpu.memory_space<vmem_shared>>
        tpu.wait_indirect_dma semaphore(%arg13 : memref<!tpu.dma_semaphore, #tpu.memory_space<semaphore_mem>>) src(%arg7 : memref<128x64xf32, #tpu.memory_space<vmem>>) dst(%dma_wait3A_150 : memref<10112x64xf32, #tpu.memory_space<vmem_shared>>)
      } else {
      }
      %dma_start3A_112 = arith.constant 0 : i32
      %dma_start3A_113 = arith.constant 0 : i32
      %dma_start3A_114 = tpu.memref_slice %arg5[%add3A_95, %dma_start3A_112, %dma_start3A_113] : memref<80x2x128xi32, #tpu.memory_space<vmem>> -> memref<1x1x128xi32, #tpu.memory_space<vmem>>
      %dma_start3A_115 = tpu.memref_squeeze %dma_start3A_114 : memref<1x1x128xi32, #tpu.memory_space<vmem>> -> memref<128xi32, #tpu.memory_space<vmem>>
      %dma_start3A_116 = arith.constant 0 : i32
      %dma_start3A_117 = arith.constant 0 : i32
      %dma_start3A_118 = tpu.memref_slice %arg14[%dma_start3A_116, %dma_start3A_117] : memref<10112x64xf32, #tpu.memory_space<vmem_shared>> -> memref<10112x64xf32, #tpu.memory_space<vmem_shared>>
      tpu.enqueue_indirect_dma source(%dma_start3A_118 : memref<10112x64xf32, #tpu.memory_space<vmem_shared>>) target(%arg7 : memref<128x64xf32, #tpu.memory_space<vmem>>) offsets(%dma_start3A_115 : memref<128xi32, #tpu.memory_space<vmem>>) semaphore(%arg11 : memref<!tpu.dma_semaphore, #tpu.memory_space<semaphore_mem>>)
      %dma_wait3A_119 = arith.constant 0 : i32
      %dma_wait3A_120 = arith.constant 0 : i32
      %dma_wait3A_121 = tpu.memref_slice %arg5[%add3A_95, %dma_wait3A_119, %dma_wait3A_120] : memref<80x2x128xi32, #tpu.memory_space<vmem>> -> memref<1x1x128xi32, #tpu.memory_space<vmem>>
      %dma_wait3A_122 = tpu.memref_squeeze %dma_wait3A_121 : memref<1x1x128xi32, #tpu.memory_space<vmem>> -> memref<128xi32, #tpu.memory_space<vmem>>
      %dma_wait3A_123 = arith.constant 0 : i32
      %dma_wait3A_124 = arith.constant 0 : i32
      %dma_wait3A_125 = tpu.memref_slice %arg14[%dma_wait3A_123, %dma_wait3A_124] : memref<10112x64xf32, #tpu.memory_space<vmem_shared>> -> memref<10112x64xf32, #tpu.memory_space<vmem_shared>>
      tpu.wait_indirect_dma semaphore(%arg11 : memref<!tpu.dma_semaphore, #tpu.memory_space<semaphore_mem>>) src(%dma_wait3A_125 : memref<10112x64xf32, #tpu.memory_space<vmem_shared>>) dst(%arg7 : memref<128x64xf32, #tpu.memory_space<vmem>>)
      %dma_start3A_126 = arith.constant 1 : i32
      %dma_start3A_127 = arith.constant 0 : i32
      %dma_start3A_128 = tpu.memref_slice %arg5[%add3A_95, %dma_start3A_126, %dma_start3A_127] : memref<80x2x128xi32, #tpu.memory_space<vmem>> -> memref<1x1x128xi32, #tpu.memory_space<vmem>>
      %dma_start3A_129 = tpu.memref_squeeze %dma_start3A_128 : memref<1x1x128xi32, #tpu.memory_space<vmem>> -> memref<128xi32, #tpu.memory_space<vmem>>
      %dma_start3A_130 = arith.constant 0 : i32
      %dma_start3A_131 = arith.constant 0 : i32
      %dma_start3A_132 = tpu.memref_slice %arg15[%dma_start3A_130, %dma_start3A_131] : memref<10112x64xf32, #tpu.memory_space<vmem_shared>> -> memref<10112x64xf32, #tpu.memory_space<vmem_shared>>
      tpu.enqueue_indirect_dma source(%arg7 : memref<128x64xf32, #tpu.memory_space<vmem>>) target(%dma_start3A_132 : memref<10112x64xf32, #tpu.memory_space<vmem_shared>>) offsets(%dma_start3A_129 : memref<128xi32, #tpu.memory_space<vmem>>) semaphore(%arg13 : memref<!tpu.dma_semaphore, #tpu.memory_space<semaphore_mem>>) {add = true}
      %dma_wait3A_133 = arith.constant 1 : i32
      %dma_wait3A_134 = arith.constant 0 : i32
      %dma_wait3A_135 = tpu.memref_slice %arg5[%mul3A_93, %dma_wait3A_133, %dma_wait3A_134] : memref<80x2x128xi32, #tpu.memory_space<vmem>> -> memref<1x1x128xi32, #tpu.memory_space<vmem>>
      %dma_wait3A_136 = tpu.memref_squeeze %dma_wait3A_135 : memref<1x1x128xi32, #tpu.memory_space<vmem>> -> memref<128xi32, #tpu.memory_space<vmem>>
      %dma_wait3A_137 = arith.constant 0 : i32
      %dma_wait3A_138 = arith.constant 0 : i32
      %dma_wait3A_139 = tpu.memref_slice %arg15[%dma_wait3A_137, %dma_wait3A_138] : memref<10112x64xf32, #tpu.memory_space<vmem_shared>> -> memref<10112x64xf32, #tpu.memory_space<vmem_shared>>
      tpu.wait_indirect_dma semaphore(%arg12 : memref<!tpu.dma_semaphore, #tpu.memory_space<semaphore_mem>>) src(%arg6 : memref<128x64xf32, #tpu.memory_space<vmem>>) dst(%dma_wait3A_139 : memref<10112x64xf32, #tpu.memory_space<vmem_shared>>)
      %lt3A = arith.constant 39 : i32
      %lt3A_140 = arith.cmpi slt, %scan3A_91, %lt3A : i32
      %convert_element_type3A_141 = arith.extui %lt3A_140 : i1 to i32
      %cond3A_142 = arith.constant 0 : i32
      %cond3A_143 = arith.cmpi ne, %convert_element_type3A_141, %cond3A_142 : i32
      scf.if %cond3A_143 {
        %add3A_144 = arith.constant 2 : i32
        %add3A_145 = arith.addi %mul3A_93, %add3A_144 : i32
        %dma_start3A_146 = arith.constant 0 : i32
        %dma_start3A_147 = arith.constant 0 : i32
        %dma_start3A_148 = tpu.memref_slice %arg5[%add3A_145, %dma_start3A_146, %dma_start3A_147] : memref<80x2x128xi32, #tpu.memory_space<vmem>> -> memref<1x1x128xi32, #tpu.memory_space<vmem>>
        %dma_start3A_149 = tpu.memref_squeeze %dma_start3A_148 : memref<1x1x128xi32, #tpu.memory_space<vmem>> -> memref<128xi32, #tpu.memory_space<vmem>>
        %dma_start3A_150 = arith.constant 0 : i32
        %dma_start3A_151 = arith.constant 0 : i32
        %dma_start3A_152 = tpu.memref_slice %arg14[%dma_start3A_150, %dma_start3A_151] : memref<10112x64xf32, #tpu.memory_space<vmem_shared>> -> memref<10112x64xf32, #tpu.memory_space<vmem_shared>>
        tpu.enqueue_indirect_dma source(%dma_start3A_152 : memref<10112x64xf32, #tpu.memory_space<vmem_shared>>) target(%arg6 : memref<128x64xf32, #tpu.memory_space<vmem>>) offsets(%dma_start3A_149 : memref<128xi32, #tpu.memory_space<vmem>>) semaphore(%arg10 : memref<!tpu.dma_semaphore, #tpu.memory_space<semaphore_mem>>)
      } else {
      }
    }
    %scan3A_53 = arith.constant 40 : i32
    %dma_wait3A_54 = arith.constant 0 : i32
    %dma_wait3A_55 = arith.constant 1 : i32
    %dma_wait3A_56 = arith.constant 0 : i32
    %dma_wait3A_57 = tpu.memref_slice %arg5[%dma_wait3A_54, %dma_wait3A_55, %dma_wait3A_56] : memref<80x2x128xi32, #tpu.memory_space<vmem>> -> memref<1x1x128xi32, #tpu.memory_space<vmem>>
    %dma_wait3A_58 = tpu.memref_squeeze %dma_wait3A_57 : memref<1x1x128xi32, #tpu.memory_space<vmem>> -> memref<128xi32, #tpu.memory_space<vmem>>
    %dma_wait3A_59 = arith.constant 0 : i32
    %dma_wait3A_60 = arith.constant 0 : i32
    %dma_wait3A_61 = tpu.memref_slice %arg15[%dma_wait3A_59, %dma_wait3A_60] : memref<10112x64xf32, #tpu.memory_space<vmem_shared>> -> memref<10112x64xf32, #tpu.memory_space<vmem_shared>>
    tpu.wait_indirect_dma semaphore(%arg13 : memref<!tpu.dma_semaphore, #tpu.memory_space<semaphore_mem>>) src(%arg7 : memref<128x64xf32, #tpu.memory_space<vmem>>) dst(%dma_wait3A_61 : memref<10112x64xf32, #tpu.memory_space<vmem_shared>>)
    %add3A_62 = arith.constant 80 : i32
    %add3A_63 = arith.addi %mul3A_0, %add3A_62 : i32
    "tpu.region"() ({
      %run_scoped3A = tpu.sem_alloc : memref<!tpu.dma_semaphore, #tpu.memory_space<semaphore_mem>>
      %dma_start3A_91 = arith.constant 0 : i32
      %dma_start3A_92 = arith.constant 0 : i32
      %dma_start3A_93 = tpu.memref_slice %arg3[%add3A_63, %dma_start3A_91, %dma_start3A_92] : memref<2560x2x128xi32, #tpu.memory_space<hbm>> -> memref<80x2x128xi32, #tpu.memory_space<hbm>>
      %dma_start3A_94 = arith.constant 0 : i32
      %dma_start3A_95 = arith.constant 0 : i32
      %dma_start3A_96 = tpu.memref_slice %arg3[%add3A_63, %dma_start3A_94, %dma_start3A_95] : memref<2560x2x128xi32, #tpu.memory_space<hbm>> -> memref<80x2x128xi32, #tpu.memory_space<hbm>>
      tpu.enqueue_dma source(%dma_start3A_96 : memref<80x2x128xi32, #tpu.memory_space<hbm>>) target(%arg5 : memref<80x2x128xi32, #tpu.memory_space<vmem>>) target_semaphore(%run_scoped3A : memref<!tpu.dma_semaphore, #tpu.memory_space<semaphore_mem>>)
      %dma_wait3A_97 = arith.constant 0 : i32
      %dma_wait3A_98 = arith.constant 0 : i32
      %dma_wait3A_99 = tpu.memref_slice %arg3[%add3A_63, %dma_wait3A_97, %dma_wait3A_98] : memref<2560x2x128xi32, #tpu.memory_space<hbm>> -> memref<80x2x128xi32, #tpu.memory_space<hbm>>
      %dma_wait3A_100 = arith.constant 0 : i32
      %dma_wait3A_101 = arith.constant 0 : i32
      %dma_wait3A_102 = tpu.memref_slice %arg3[%add3A_63, %dma_wait3A_100, %dma_wait3A_101] : memref<2560x2x128xi32, #tpu.memory_space<hbm>> -> memref<80x2x128xi32, #tpu.memory_space<hbm>>
      tpu.wait_dma2 semaphore(%run_scoped3A : memref<!tpu.dma_semaphore, #tpu.memory_space<semaphore_mem>>) src(%dma_wait3A_102 : memref<80x2x128xi32, #tpu.memory_space<hbm>>) dst(%arg5 : memref<80x2x128xi32, #tpu.memory_space<vmem>>)
      tpu.yield
    }) : () -> ()
    %dma_start3A_64 = arith.constant 0 : i32
    %dma_start3A_65 = arith.constant 0 : i32
    %dma_start3A_66 = arith.constant 0 : i32
    %dma_start3A_67 = tpu.memref_slice %arg5[%dma_start3A_64, %dma_start3A_65, %dma_start3A_66] : memref<80x2x128xi32, #tpu.memory_space<vmem>> -> memref<1x1x128xi32, #tpu.memory_space<vmem>>
    %dma_start3A_68 = tpu.memref_squeeze %dma_start3A_67 : memref<1x1x128xi32, #tpu.memory_space<vmem>> -> memref<128xi32, #tpu.memory_space<vmem>>
    %dma_start3A_69 = arith.constant 0 : i32
    %dma_start3A_70 = arith.constant 0 : i32
    %dma_start3A_71 = tpu.memref_slice %arg14[%dma_start3A_69, %dma_start3A_70] : memref<10112x64xf32, #tpu.memory_space<vmem_shared>> -> memref<10112x64xf32, #tpu.memory_space<vmem_shared>>
    tpu.enqueue_indirect_dma source(%dma_start3A_71 : memref<10112x64xf32, #tpu.memory_space<vmem_shared>>) target(%arg6 : memref<128x64xf32, #tpu.memory_space<vmem>>) offsets(%dma_start3A_68 : memref<128xi32, #tpu.memory_space<vmem>>) semaphore(%arg10 : memref<!tpu.dma_semaphore, #tpu.memory_space<semaphore_mem>>)
    %scan3A_72 = arith.constant 0 : i32
    %scan3A_73 = arith.constant 0 : i32
    %scan3A_74 = arith.constant 40 : i32
    %scan3A_75 = arith.addi %scan3A_73, %scan3A_74 : i32
    %scan3A_76 = arith.constant 1 : i32
    scf.for %scan3A_91 = %scan3A_73 to %scan3A_75 step %scan3A_76  : i32 {
      %mul3A_92 = arith.constant 2 : i32
      %mul3A_93 = arith.muli %mul3A_92, %scan3A_91 : i32
      %add3A_94 = arith.constant 1 : i32
      %add3A_95 = arith.addi %mul3A_93, %add3A_94 : i32
      %dma_wait3A_96 = arith.constant 0 : i32
      %dma_wait3A_97 = arith.constant 0 : i32
      %dma_wait3A_98 = tpu.memref_slice %arg5[%mul3A_93, %dma_wait3A_96, %dma_wait3A_97] : memref<80x2x128xi32, #tpu.memory_space<vmem>> -> memref<1x1x128xi32, #tpu.memory_space<vmem>>
      %dma_wait3A_99 = tpu.memref_squeeze %dma_wait3A_98 : memref<1x1x128xi32, #tpu.memory_space<vmem>> -> memref<128xi32, #tpu.memory_space<vmem>>
      %dma_wait3A_100 = arith.constant 0 : i32
      %dma_wait3A_101 = arith.constant 0 : i32
      %dma_wait3A_102 = tpu.memref_slice %arg14[%dma_wait3A_100, %dma_wait3A_101] : memref<10112x64xf32, #tpu.memory_space<vmem_shared>> -> memref<10112x64xf32, #tpu.memory_space<vmem_shared>>
      tpu.wait_indirect_dma semaphore(%arg10 : memref<!tpu.dma_semaphore, #tpu.memory_space<semaphore_mem>>) src(%dma_wait3A_102 : memref<10112x64xf32, #tpu.memory_space<vmem_shared>>) dst(%arg6 : memref<128x64xf32, #tpu.memory_space<vmem>>)
      %dma_start3A_103 = arith.constant 1 : i32
      %dma_start3A_104 = arith.constant 0 : i32
      %dma_start3A_105 = tpu.memref_slice %arg5[%mul3A_93, %dma_start3A_103, %dma_start3A_104] : memref<80x2x128xi32, #tpu.memory_space<vmem>> -> memref<1x1x128xi32, #tpu.memory_space<vmem>>
      %dma_start3A_106 = tpu.memref_squeeze %dma_start3A_105 : memref<1x1x128xi32, #tpu.memory_space<vmem>> -> memref<128xi32, #tpu.memory_space<vmem>>
      %dma_start3A_107 = arith.constant 0 : i32
      %dma_start3A_108 = arith.constant 0 : i32
      %dma_start3A_109 = tpu.memref_slice %arg15[%dma_start3A_107, %dma_start3A_108] : memref<10112x64xf32, #tpu.memory_space<vmem_shared>> -> memref<10112x64xf32, #tpu.memory_space<vmem_shared>>
      tpu.enqueue_indirect_dma source(%arg6 : memref<128x64xf32, #tpu.memory_space<vmem>>) target(%dma_start3A_109 : memref<10112x64xf32, #tpu.memory_space<vmem_shared>>) offsets(%dma_start3A_106 : memref<128xi32, #tpu.memory_space<vmem>>) semaphore(%arg12 : memref<!tpu.dma_semaphore, #tpu.memory_space<semaphore_mem>>) {add = true}
      %gt3A = arith.constant 0 : i32
      %gt3A_110 = arith.cmpi sgt, %scan3A_91, %gt3A : i32
      %convert_element_type3A = arith.extui %gt3A_110 : i1 to i32
      %cond3A = arith.constant 0 : i32
      %cond3A_111 = arith.cmpi ne, %convert_element_type3A, %cond3A : i32
      scf.if %cond3A_111 {
        %dma_wait3A_144 = arith.constant 1 : i32
        %dma_wait3A_145 = arith.constant 0 : i32
        %dma_wait3A_146 = tpu.memref_slice %arg5[%add3A_95, %dma_wait3A_144, %dma_wait3A_145] : memref<80x2x128xi32, #tpu.memory_space<vmem>> -> memref<1x1x128xi32, #tpu.memory_space<vmem>>
        %dma_wait3A_147 = tpu.memref_squeeze %dma_wait3A_146 : memref<1x1x128xi32, #tpu.memory_space<vmem>> -> memref<128xi32, #tpu.memory_space<vmem>>
        %dma_wait3A_148 = arith.constant 0 : i32
        %dma_wait3A_149 = arith.constant 0 : i32
        %dma_wait3A_150 = tpu.memref_slice %arg15[%dma_wait3A_148, %dma_wait3A_149] : memref<10112x64xf32, #tpu.memory_space<vmem_shared>> -> memref<10112x64xf32, #tpu.memory_space<vmem_shared>>
        tpu.wait_indirect_dma semaphore(%arg13 : memref<!tpu.dma_semaphore, #tpu.memory_space<semaphore_mem>>) src(%arg7 : memref<128x64xf32, #tpu.memory_space<vmem>>) dst(%dma_wait3A_150 : memref<10112x64xf32, #tpu.memory_space<vmem_shared>>)
      } else {
      }
      %dma_start3A_112 = arith.constant 0 : i32
      %dma_start3A_113 = arith.constant 0 : i32
      %dma_start3A_114 = tpu.memref_slice %arg5[%add3A_95, %dma_start3A_112, %dma_start3A_113] : memref<80x2x128xi32, #tpu.memory_space<vmem>> -> memref<1x1x128xi32, #tpu.memory_space<vmem>>
      %dma_start3A_115 = tpu.memref_squeeze %dma_start3A_114 : memref<1x1x128xi32, #tpu.memory_space<vmem>> -> memref<128xi32, #tpu.memory_space<vmem>>
      %dma_start3A_116 = arith.constant 0 : i32
      %dma_start3A_117 = arith.constant 0 : i32
      %dma_start3A_118 = tpu.memref_slice %arg14[%dma_start3A_116, %dma_start3A_117] : memref<10112x64xf32, #tpu.memory_space<vmem_shared>> -> memref<10112x64xf32, #tpu.memory_space<vmem_shared>>
      tpu.enqueue_indirect_dma source(%dma_start3A_118 : memref<10112x64xf32, #tpu.memory_space<vmem_shared>>) target(%arg7 : memref<128x64xf32, #tpu.memory_space<vmem>>) offsets(%dma_start3A_115 : memref<128xi32, #tpu.memory_space<vmem>>) semaphore(%arg11 : memref<!tpu.dma_semaphore, #tpu.memory_space<semaphore_mem>>)
      %dma_wait3A_119 = arith.constant 0 : i32
      %dma_wait3A_120 = arith.constant 0 : i32
      %dma_wait3A_121 = tpu.memref_slice %arg5[%add3A_95, %dma_wait3A_119, %dma_wait3A_120] : memref<80x2x128xi32, #tpu.memory_space<vmem>> -> memref<1x1x128xi32, #tpu.memory_space<vmem>>
      %dma_wait3A_122 = tpu.memref_squeeze %dma_wait3A_121 : memref<1x1x128xi32, #tpu.memory_space<vmem>> -> memref<128xi32, #tpu.memory_space<vmem>>
      %dma_wait3A_123 = arith.constant 0 : i32
      %dma_wait3A_124 = arith.constant 0 : i32
      %dma_wait3A_125 = tpu.memref_slice %arg14[%dma_wait3A_123, %dma_wait3A_124] : memref<10112x64xf32, #tpu.memory_space<vmem_shared>> -> memref<10112x64xf32, #tpu.memory_space<vmem_shared>>
      tpu.wait_indirect_dma semaphore(%arg11 : memref<!tpu.dma_semaphore, #tpu.memory_space<semaphore_mem>>) src(%dma_wait3A_125 : memref<10112x64xf32, #tpu.memory_space<vmem_shared>>) dst(%arg7 : memref<128x64xf32, #tpu.memory_space<vmem>>)
      %dma_start3A_126 = arith.constant 1 : i32
      %dma_start3A_127 = arith.constant 0 : i32
      %dma_start3A_128 = tpu.memref_slice %arg5[%add3A_95, %dma_start3A_126, %dma_start3A_127] : memref<80x2x128xi32, #tpu.memory_space<vmem>> -> memref<1x1x128xi32, #tpu.memory_space<vmem>>
      %dma_start3A_129 = tpu.memref_squeeze %dma_start3A_128 : memref<1x1x128xi32, #tpu.memory_space<vmem>> -> memref<128xi32, #tpu.memory_space<vmem>>
      %dma_start3A_130 = arith.constant 0 : i32
      %dma_start3A_131 = arith.constant 0 : i32
      %dma_start3A_132 = tpu.memref_slice %arg15[%dma_start3A_130, %dma_start3A_131] : memref<10112x64xf32, #tpu.memory_space<vmem_shared>> -> memref<10112x64xf32, #tpu.memory_space<vmem_shared>>
      tpu.enqueue_indirect_dma source(%arg7 : memref<128x64xf32, #tpu.memory_space<vmem>>) target(%dma_start3A_132 : memref<10112x64xf32, #tpu.memory_space<vmem_shared>>) offsets(%dma_start3A_129 : memref<128xi32, #tpu.memory_space<vmem>>) semaphore(%arg13 : memref<!tpu.dma_semaphore, #tpu.memory_space<semaphore_mem>>) {add = true}
      %dma_wait3A_133 = arith.constant 1 : i32
      %dma_wait3A_134 = arith.constant 0 : i32
      %dma_wait3A_135 = tpu.memref_slice %arg5[%mul3A_93, %dma_wait3A_133, %dma_wait3A_134] : memref<80x2x128xi32, #tpu.memory_space<vmem>> -> memref<1x1x128xi32, #tpu.memory_space<vmem>>
      %dma_wait3A_136 = tpu.memref_squeeze %dma_wait3A_135 : memref<1x1x128xi32, #tpu.memory_space<vmem>> -> memref<128xi32, #tpu.memory_space<vmem>>
      %dma_wait3A_137 = arith.constant 0 : i32
      %dma_wait3A_138 = arith.constant 0 : i32
      %dma_wait3A_139 = tpu.memref_slice %arg15[%dma_wait3A_137, %dma_wait3A_138] : memref<10112x64xf32, #tpu.memory_space<vmem_shared>> -> memref<10112x64xf32, #tpu.memory_space<vmem_shared>>
      tpu.wait_indirect_dma semaphore(%arg12 : memref<!tpu.dma_semaphore, #tpu.memory_space<semaphore_mem>>) src(%arg6 : memref<128x64xf32, #tpu.memory_space<vmem>>) dst(%dma_wait3A_139 : memref<10112x64xf32, #tpu.memory_space<vmem_shared>>)
      %lt3A = arith.constant 39 : i32
      %lt3A_140 = arith.cmpi slt, %scan3A_91, %lt3A : i32
      %convert_element_type3A_141 = arith.extui %lt3A_140 : i1 to i32
      %cond3A_142 = arith.constant 0 : i32
      %cond3A_143 = arith.cmpi ne, %convert_element_type3A_141, %cond3A_142 : i32
      scf.if %cond3A_143 {
        %add3A_144 = arith.constant 2 : i32
        %add3A_145 = arith.addi %mul3A_93, %add3A_144 : i32
        %dma_start3A_146 = arith.constant 0 : i32
        %dma_start3A_147 = arith.constant 0 : i32
        %dma_start3A_148 = tpu.memref_slice %arg5[%add3A_145, %dma_start3A_146, %dma_start3A_147] : memref<80x2x128xi32, #tpu.memory_space<vmem>> -> memref<1x1x128xi32, #tpu.memory_space<vmem>>
        %dma_start3A_149 = tpu.memref_squeeze %dma_start3A_148 : memref<1x1x128xi32, #tpu.memory_space<vmem>> -> memref<128xi32, #tpu.memory_space<vmem>>
        %dma_start3A_150 = arith.constant 0 : i32
        %dma_start3A_151 = arith.constant 0 : i32
        %dma_start3A_152 = tpu.memref_slice %arg14[%dma_start3A_150, %dma_start3A_151] : memref<10112x64xf32, #tpu.memory_space<vmem_shared>> -> memref<10112x64xf32, #tpu.memory_space<vmem_shared>>
        tpu.enqueue_indirect_dma source(%dma_start3A_152 : memref<10112x64xf32, #tpu.memory_space<vmem_shared>>) target(%arg6 : memref<128x64xf32, #tpu.memory_space<vmem>>) offsets(%dma_start3A_149 : memref<128xi32, #tpu.memory_space<vmem>>) semaphore(%arg10 : memref<!tpu.dma_semaphore, #tpu.memory_space<semaphore_mem>>)
      } else {
      }
    }
    %scan3A_77 = arith.constant 40 : i32
    %dma_wait3A_78 = arith.constant 0 : i32
    %dma_wait3A_79 = arith.constant 1 : i32
    %dma_wait3A_80 = arith.constant 0 : i32
    %dma_wait3A_81 = tpu.memref_slice %arg5[%dma_wait3A_78, %dma_wait3A_79, %dma_wait3A_80] : memref<80x2x128xi32, #tpu.memory_space<vmem>> -> memref<1x1x128xi32, #tpu.memory_space<vmem>>
    %dma_wait3A_82 = tpu.memref_squeeze %dma_wait3A_81 : memref<1x1x128xi32, #tpu.memory_space<vmem>> -> memref<128xi32, #tpu.memory_space<vmem>>
    %dma_wait3A_83 = arith.constant 0 : i32
    %dma_wait3A_84 = arith.constant 0 : i32
    %dma_wait3A_85 = tpu.memref_slice %arg15[%dma_wait3A_83, %dma_wait3A_84] : memref<10112x64xf32, #tpu.memory_space<vmem_shared>> -> memref<10112x64xf32, #tpu.memory_space<vmem_shared>>
    tpu.wait_indirect_dma semaphore(%arg13 : memref<!tpu.dma_semaphore, #tpu.memory_space<semaphore_mem>>) src(%arg7 : memref<128x64xf32, #tpu.memory_space<vmem>>) dst(%dma_wait3A_85 : memref<10112x64xf32, #tpu.memory_space<vmem_shared>>)
    %barrier3A_86 = arith.constant 0 : index
    tpu.barrier barrier_id(%barrier3A_86)
    %mul3A_87 = arith.constant 10112 : i32
    %mul3A_88 = arith.muli %arg0, %mul3A_87 : i32
    %add3A_89 = arith.addi %mul3A_88, %multiple_of3A_22 : i32
    %multiple_of3A_90 = tpu.assume_multiple %add3A_89, 8 : i32
    "tpu.region"() ({
      %run_scoped3A = tpu.sem_alloc : memref<!tpu.dma_semaphore, #tpu.memory_space<semaphore_mem>>
      %dma_start3A_91 = arith.constant 0 : i32
      %dma_start3A_92 = tpu.memref_slice %arg4[%multiple_of3A_90, %dma_start3A_91] : memref<20224x64xf32, #tpu.memory_space<hbm>> -> memref<632x64xf32, #tpu.memory_space<hbm>>
      %dma_start3A_93 = arith.constant 0 : i32
      %dma_start3A_94 = tpu.memref_slice %arg15[%multiple_of3A_22, %dma_start3A_93] : memref<10112x64xf32, #tpu.memory_space<vmem_shared>> -> memref<632x64xf32, #tpu.memory_space<vmem_shared>>
      tpu.enqueue_dma source(%dma_start3A_94 : memref<632x64xf32, #tpu.memory_space<vmem_shared>>) target(%dma_start3A_92 : memref<632x64xf32, #tpu.memory_space<hbm>>) target_semaphore(%run_scoped3A : memref<!tpu.dma_semaphore, #tpu.memory_space<semaphore_mem>>)
      %dma_wait3A_95 = arith.constant 0 : i32
      %dma_wait3A_96 = tpu.memref_slice %arg4[%multiple_of3A_90, %dma_wait3A_95] : memref<20224x64xf32, #tpu.memory_space<hbm>> -> memref<632x64xf32, #tpu.memory_space<hbm>>
      %dma_wait3A_97 = arith.constant 0 : i32
      %dma_wait3A_98 = tpu.memref_slice %arg15[%multiple_of3A_22, %dma_wait3A_97] : memref<10112x64xf32, #tpu.memory_space<vmem_shared>> -> memref<632x64xf32, #tpu.memory_space<vmem_shared>>
      tpu.wait_dma2 semaphore(%run_scoped3A : memref<!tpu.dma_semaphore, #tpu.memory_space<semaphore_mem>>) src(%dma_wait3A_98 : memref<632x64xf32, #tpu.memory_space<vmem_shared>>) dst(%dma_wait3A_96 : memref<632x64xf32, #tpu.memory_space<hbm>>)
      tpu.yield
    }) : () -> ()
    return
  }
}

#map = affine_map<(d0, d1) -> (0, 0)>
#map1 = affine_map<(d0, d1) -> (0, 0, 0)>
module attributes {stable_mosaic.version = 14 : i64} {
  func.func @seg(%arg0: i32, %arg1: i32, %arg2: memref<10112x64xf32, #tpu.memory_space<hbm>>, %arg3: memref<2560x2x128xi32, #tpu.memory_space<hbm>>, %arg4: memref<20224x64xf32, #tpu.memory_space<hbm>>, %arg5: memref<80x2x128xi32, #tpu.memory_space<vmem>>, %arg6: memref<128x64xf32, #tpu.memory_space<vmem>>, %arg7: memref<128x64xf32, #tpu.memory_space<vmem>>, %arg8: memref<!tpu.dma_semaphore, #tpu.memory_space<semaphore_mem>>, %arg9: memref<!tpu.dma_semaphore, #tpu.memory_space<semaphore_mem>>, %arg10: memref<!tpu.dma_semaphore, #tpu.memory_space<semaphore_mem>>, %arg11: memref<!tpu.dma_semaphore, #tpu.memory_space<semaphore_mem>>, %arg12: memref<!tpu.dma_semaphore, #tpu.memory_space<semaphore_mem>>, %arg13: memref<!tpu.dma_semaphore, #tpu.memory_space<semaphore_mem>>, %arg14: memref<10112x64xf32, #tpu.memory_space<vmem_shared>>, %arg15: memref<10112x64xf32, #tpu.memory_space<vmem_shared>>) attributes {dimension_semantics = [#tpu.dimension_semantics<core_parallel>, #tpu.dimension_semantics<subcore_parallel>], iteration_bounds = array<i64: 2, 16>, scalar_prefetch = 0 : i64, scratch_operands = 11 : i64, tpu.core_type = #tpu.core_type<sc_vector_subcore>, window_params = [{transform_indices = #map}, {transform_indices = #map1}, {transform_indices = #map}]} {
    %mul3A = arith.constant 16 : i32
    %mul3A_0 = arith.muli %arg0, %mul3A : i32
    %add3A = arith.addi %mul3A_0, %arg1 : i32
    %mul3A_1 = arith.constant 80 : i32
    %mul3A_2 = arith.muli %add3A, %mul3A_1 : i32
    %dma_start3A = arith.constant 0 : i32
    %dma_start3A_3 = arith.constant 0 : i32
    %dma_start3A_4 = tpu.memref_slice %arg3[%mul3A_2, %dma_start3A, %dma_start3A_3] : memref<2560x2x128xi32, #tpu.memory_space<hbm>> -> memref<80x2x128xi32, #tpu.memory_space<hbm>>
    %dma_start3A_5 = arith.constant 0 : i32
    %dma_start3A_6 = arith.constant 0 : i32
    %dma_start3A_7 = tpu.memref_slice %arg3[%mul3A_2, %dma_start3A_5, %dma_start3A_6] : memref<2560x2x128xi32, #tpu.memory_space<hbm>> -> memref<80x2x128xi32, #tpu.memory_space<hbm>>
    tpu.enqueue_dma source(%dma_start3A_7 : memref<80x2x128xi32, #tpu.memory_space<hbm>>) target(%arg5 : memref<80x2x128xi32, #tpu.memory_space<vmem>>) target_semaphore(%arg8 : memref<!tpu.dma_semaphore, #tpu.memory_space<semaphore_mem>>)
    %mul3A_8 = arith.constant 632 : i32
    %mul3A_9 = arith.muli %arg1, %mul3A_8 : i32
    %multiple_of3A = tpu.assume_multiple %mul3A_9, 8 : i32
    %dma_start3A_10 = arith.constant 0 : i32
    %dma_start3A_11 = tpu.memref_slice %arg14[%multiple_of3A, %dma_start3A_10] : memref<10112x64xf32, #tpu.memory_space<vmem_shared>> -> memref<632x64xf32, #tpu.memory_space<vmem_shared>>
    %dma_start3A_12 = arith.constant 0 : i32
    %dma_start3A_13 = tpu.memref_slice %arg2[%multiple_of3A, %dma_start3A_12] : memref<10112x64xf32, #tpu.memory_space<hbm>> -> memref<632x64xf32, #tpu.memory_space<hbm>>
    tpu.enqueue_dma source(%dma_start3A_13 : memref<632x64xf32, #tpu.memory_space<hbm>>) target(%dma_start3A_11 : memref<632x64xf32, #tpu.memory_space<vmem_shared>>) target_semaphore(%arg9 : memref<!tpu.dma_semaphore, #tpu.memory_space<semaphore_mem>>)
    %broadcast_in_dim3A = arith.constant 0.000000e+00 : f32
    %broadcast_in_dim3A_14 = vector.broadcast %broadcast_in_dim3A : f32 to vector<16xf32>
    %scan3A = arith.constant 0 : i32
    %scan3A_15 = arith.constant 0 : i32
    %scan3A_16 = arith.constant 128 : i32
    %scan3A_17 = arith.addi %scan3A_15, %scan3A_16 : i32
    %scan3A_18 = arith.constant 1 : i32
    scf.for %scan3A_69 = %scan3A_15 to %scan3A_17 step %scan3A_18  : i32 {
      %swap3A = arith.index_cast %scan3A_69 : i32 to index
      %swap3A_70 = arith.constant 0 : index
      %swap3A_71 = tpu.vector_load %arg6[%swap3A, %swap3A_70] {strides = array<i32>} : memref<128x64xf32, #tpu.memory_space<vmem>>, vector<1x16xf32>,
      %swap3A_72 = vector.shape_cast %swap3A_71 : vector<1x16xf32> to vector<16xf32>
      %swap3A_73 = vector.shape_cast %broadcast_in_dim3A_14 : vector<16xf32> to vector<1x16xf32>
      tpu.vector_store %arg6[%swap3A, %swap3A_70], %swap3A_73 {strides = array<i32>} : memref<128x64xf32, #tpu.memory_space<vmem>>, vector<1x16xf32>,
      %swap3A_74 = arith.index_cast %scan3A_69 : i32 to index
      %swap3A_75 = arith.constant 16 : index
      %swap3A_76 = tpu.vector_load %arg6[%swap3A_74, %swap3A_75] {strides = array<i32>} : memref<128x64xf32, #tpu.memory_space<vmem>>, vector<1x16xf32>,
      %swap3A_77 = vector.shape_cast %swap3A_76 : vector<1x16xf32> to vector<16xf32>
      %swap3A_78 = vector.shape_cast %broadcast_in_dim3A_14 : vector<16xf32> to vector<1x16xf32>
      tpu.vector_store %arg6[%swap3A_74, %swap3A_75], %swap3A_78 {strides = array<i32>} : memref<128x64xf32, #tpu.memory_space<vmem>>, vector<1x16xf32>,
      %swap3A_79 = arith.index_cast %scan3A_69 : i32 to index
      %swap3A_80 = arith.constant 32 : index
      %swap3A_81 = tpu.vector_load %arg6[%swap3A_79, %swap3A_80] {strides = array<i32>} : memref<128x64xf32, #tpu.memory_space<vmem>>, vector<1x16xf32>,
      %swap3A_82 = vector.shape_cast %swap3A_81 : vector<1x16xf32> to vector<16xf32>
      %swap3A_83 = vector.shape_cast %broadcast_in_dim3A_14 : vector<16xf32> to vector<1x16xf32>
      tpu.vector_store %arg6[%swap3A_79, %swap3A_80], %swap3A_83 {strides = array<i32>} : memref<128x64xf32, #tpu.memory_space<vmem>>, vector<1x16xf32>,
      %swap3A_84 = arith.index_cast %scan3A_69 : i32 to index
      %swap3A_85 = arith.constant 48 : index
      %swap3A_86 = tpu.vector_load %arg6[%swap3A_84, %swap3A_85] {strides = array<i32>} : memref<128x64xf32, #tpu.memory_space<vmem>>, vector<1x16xf32>,
      %swap3A_87 = vector.shape_cast %swap3A_86 : vector<1x16xf32> to vector<16xf32>
      %swap3A_88 = vector.shape_cast %broadcast_in_dim3A_14 : vector<16xf32> to vector<1x16xf32>
      tpu.vector_store %arg6[%swap3A_84, %swap3A_85], %swap3A_88 {strides = array<i32>} : memref<128x64xf32, #tpu.memory_space<vmem>>, vector<1x16xf32>,
    }
    %scan3A_19 = arith.constant 128 : i32
    %mul3A_20 = arith.constant 632 : i32
    %mul3A_21 = arith.muli %arg1, %mul3A_20 : i32
    %multiple_of3A_22 = tpu.assume_multiple %mul3A_21, 8 : i32
    %add3A_23 = arith.constant 0 : i32
    %add3A_24 = arith.addi %multiple_of3A_22, %add3A_23 : i32
    "tpu.region"() ({
      %run_scoped3A = tpu.sem_alloc : memref<!tpu.dma_semaphore, #tpu.memory_space<semaphore_mem>>
      %dma_start3A_69 = arith.constant 0 : i32
      %dma_start3A_70 = tpu.memref_slice %arg15[%add3A_24, %dma_start3A_69] : memref<10112x64xf32, #tpu.memory_space<vmem_shared>> -> memref<128x64xf32, #tpu.memory_space<vmem_shared>>
      %dma_start3A_71 = arith.constant 0 : i32
      %dma_start3A_72 = tpu.memref_slice %arg15[%add3A_24, %dma_start3A_71] : memref<10112x64xf32, #tpu.memory_space<vmem_shared>> -> memref<128x64xf32, #tpu.memory_space<vmem_shared>>
      tpu.enqueue_dma source(%arg6 : memref<128x64xf32, #tpu.memory_space<vmem>>) target(%dma_start3A_72 : memref<128x64xf32, #tpu.memory_space<vmem_shared>>) target_semaphore(%run_scoped3A : memref<!tpu.dma_semaphore, #tpu.memory_space<semaphore_mem>>)
      %dma_wait3A_73 = arith.constant 0 : i32
      %dma_wait3A_74 = tpu.memref_slice %arg15[%add3A_24, %dma_wait3A_73] : memref<10112x64xf32, #tpu.memory_space<vmem_shared>> -> memref<128x64xf32, #tpu.memory_space<vmem_shared>>
      %dma_wait3A_75 = arith.constant 0 : i32
      %dma_wait3A_76 = tpu.memref_slice %arg15[%add3A_24, %dma_wait3A_75] : memref<10112x64xf32, #tpu.memory_space<vmem_shared>> -> memref<128x64xf32, #tpu.memory_space<vmem_shared>>
      tpu.wait_dma2 semaphore(%run_scoped3A : memref<!tpu.dma_semaphore, #tpu.memory_space<semaphore_mem>>) src(%arg6 : memref<128x64xf32, #tpu.memory_space<vmem>>) dst(%dma_wait3A_76 : memref<128x64xf32, #tpu.memory_space<vmem_shared>>)
      tpu.yield
    }) : () -> ()
    %add3A_25 = arith.constant 128 : i32
    %add3A_26 = arith.addi %multiple_of3A_22, %add3A_25 : i32
    "tpu.region"() ({
      %run_scoped3A = tpu.sem_alloc : memref<!tpu.dma_semaphore, #tpu.memory_space<semaphore_mem>>
      %dma_start3A_69 = arith.constant 0 : i32
      %dma_start3A_70 = tpu.memref_slice %arg15[%add3A_26, %dma_start3A_69] : memref<10112x64xf32, #tpu.memory_space<vmem_shared>> -> memref<128x64xf32, #tpu.memory_space<vmem_shared>>
      %dma_start3A_71 = arith.constant 0 : i32
      %dma_start3A_72 = tpu.memref_slice %arg15[%add3A_26, %dma_start3A_71] : memref<10112x64xf32, #tpu.memory_space<vmem_shared>> -> memref<128x64xf32, #tpu.memory_space<vmem_shared>>
      tpu.enqueue_dma source(%arg6 : memref<128x64xf32, #tpu.memory_space<vmem>>) target(%dma_start3A_72 : memref<128x64xf32, #tpu.memory_space<vmem_shared>>) target_semaphore(%run_scoped3A : memref<!tpu.dma_semaphore, #tpu.memory_space<semaphore_mem>>)
      %dma_wait3A_73 = arith.constant 0 : i32
      %dma_wait3A_74 = tpu.memref_slice %arg15[%add3A_26, %dma_wait3A_73] : memref<10112x64xf32, #tpu.memory_space<vmem_shared>> -> memref<128x64xf32, #tpu.memory_space<vmem_shared>>
      %dma_wait3A_75 = arith.constant 0 : i32
      %dma_wait3A_76 = tpu.memref_slice %arg15[%add3A_26, %dma_wait3A_75] : memref<10112x64xf32, #tpu.memory_space<vmem_shared>> -> memref<128x64xf32, #tpu.memory_space<vmem_shared>>
      tpu.wait_dma2 semaphore(%run_scoped3A : memref<!tpu.dma_semaphore, #tpu.memory_space<semaphore_mem>>) src(%arg6 : memref<128x64xf32, #tpu.memory_space<vmem>>) dst(%dma_wait3A_76 : memref<128x64xf32, #tpu.memory_space<vmem_shared>>)
      tpu.yield
    }) : () -> ()
    %add3A_27 = arith.constant 256 : i32
    %add3A_28 = arith.addi %multiple_of3A_22, %add3A_27 : i32
    "tpu.region"() ({
      %run_scoped3A = tpu.sem_alloc : memref<!tpu.dma_semaphore, #tpu.memory_space<semaphore_mem>>
      %dma_start3A_69 = arith.constant 0 : i32
      %dma_start3A_70 = tpu.memref_slice %arg15[%add3A_28, %dma_start3A_69] : memref<10112x64xf32, #tpu.memory_space<vmem_shared>> -> memref<128x64xf32, #tpu.memory_space<vmem_shared>>
      %dma_start3A_71 = arith.constant 0 : i32
      %dma_start3A_72 = tpu.memref_slice %arg15[%add3A_28, %dma_start3A_71] : memref<10112x64xf32, #tpu.memory_space<vmem_shared>> -> memref<128x64xf32, #tpu.memory_space<vmem_shared>>
      tpu.enqueue_dma source(%arg6 : memref<128x64xf32, #tpu.memory_space<vmem>>) target(%dma_start3A_72 : memref<128x64xf32, #tpu.memory_space<vmem_shared>>) target_semaphore(%run_scoped3A : memref<!tpu.dma_semaphore, #tpu.memory_space<semaphore_mem>>)
      %dma_wait3A_73 = arith.constant 0 : i32
      %dma_wait3A_74 = tpu.memref_slice %arg15[%add3A_28, %dma_wait3A_73] : memref<10112x64xf32, #tpu.memory_space<vmem_shared>> -> memref<128x64xf32, #tpu.memory_space<vmem_shared>>
      %dma_wait3A_75 = arith.constant 0 : i32
      %dma_wait3A_76 = tpu.memref_slice %arg15[%add3A_28, %dma_wait3A_75] : memref<10112x64xf32, #tpu.memory_space<vmem_shared>> -> memref<128x64xf32, #tpu.memory_space<vmem_shared>>
      tpu.wait_dma2 semaphore(%run_scoped3A : memref<!tpu.dma_semaphore, #tpu.memory_space<semaphore_mem>>) src(%arg6 : memref<128x64xf32, #tpu.memory_space<vmem>>) dst(%dma_wait3A_76 : memref<128x64xf32, #tpu.memory_space<vmem_shared>>)
      tpu.yield
    }) : () -> ()
    %add3A_29 = arith.constant 384 : i32
    %add3A_30 = arith.addi %multiple_of3A_22, %add3A_29 : i32
    "tpu.region"() ({
      %run_scoped3A = tpu.sem_alloc : memref<!tpu.dma_semaphore, #tpu.memory_space<semaphore_mem>>
      %dma_start3A_69 = arith.constant 0 : i32
      %dma_start3A_70 = tpu.memref_slice %arg15[%add3A_30, %dma_start3A_69] : memref<10112x64xf32, #tpu.memory_space<vmem_shared>> -> memref<128x64xf32, #tpu.memory_space<vmem_shared>>
      %dma_start3A_71 = arith.constant 0 : i32
      %dma_start3A_72 = tpu.memref_slice %arg15[%add3A_30, %dma_start3A_71] : memref<10112x64xf32, #tpu.memory_space<vmem_shared>> -> memref<128x64xf32, #tpu.memory_space<vmem_shared>>
      tpu.enqueue_dma source(%arg6 : memref<128x64xf32, #tpu.memory_space<vmem>>) target(%dma_start3A_72 : memref<128x64xf32, #tpu.memory_space<vmem_shared>>) target_semaphore(%run_scoped3A : memref<!tpu.dma_semaphore, #tpu.memory_space<semaphore_mem>>)
      %dma_wait3A_73 = arith.constant 0 : i32
      %dma_wait3A_74 = tpu.memref_slice %arg15[%add3A_30, %dma_wait3A_73] : memref<10112x64xf32, #tpu.memory_space<vmem_shared>> -> memref<128x64xf32, #tpu.memory_space<vmem_shared>>
      %dma_wait3A_75 = arith.constant 0 : i32
      %dma_wait3A_76 = tpu.memref_slice %arg15[%add3A_30, %dma_wait3A_75] : memref<10112x64xf32, #tpu.memory_space<vmem_shared>> -> memref<128x64xf32, #tpu.memory_space<vmem_shared>>
      tpu.wait_dma2 semaphore(%run_scoped3A : memref<!tpu.dma_semaphore, #tpu.memory_space<semaphore_mem>>) src(%arg6 : memref<128x64xf32, #tpu.memory_space<vmem>>) dst(%dma_wait3A_76 : memref<128x64xf32, #tpu.memory_space<vmem_shared>>)
      tpu.yield
    }) : () -> ()
    %add3A_31 = arith.constant 512 : i32
    %add3A_32 = arith.addi %multiple_of3A_22, %add3A_31 : i32
    "tpu.region"() ({
      %run_scoped3A = tpu.sem_alloc : memref<!tpu.dma_semaphore, #tpu.memory_space<semaphore_mem>>
      %dma_start3A_69 = arith.constant 0 : i32
      %dma_start3A_70 = arith.constant 0 : i32
      %dma_start3A_71 = tpu.memref_slice %arg6[%dma_start3A_69, %dma_start3A_70] : memref<128x64xf32, #tpu.memory_space<vmem>> -> memref<120x64xf32, #tpu.memory_space<vmem>>
      %dma_start3A_72 = arith.constant 0 : i32
      %dma_start3A_73 = tpu.memref_slice %arg15[%add3A_32, %dma_start3A_72] : memref<10112x64xf32, #tpu.memory_space<vmem_shared>> -> memref<120x64xf32, #tpu.memory_space<vmem_shared>>
      %dma_start3A_74 = arith.constant 0 : i32
      %dma_start3A_75 = tpu.memref_slice %arg15[%add3A_32, %dma_start3A_74] : memref<10112x64xf32, #tpu.memory_space<vmem_shared>> -> memref<120x64xf32, #tpu.memory_space<vmem_shared>>
      %dma_start3A_76 = arith.constant 0 : i32
      %dma_start3A_77 = arith.constant 0 : i32
      %dma_start3A_78 = tpu.memref_slice %arg6[%dma_start3A_76, %dma_start3A_77] : memref<128x64xf32, #tpu.memory_space<vmem>> -> memref<120x64xf32, #tpu.memory_space<vmem>>
      tpu.enqueue_dma source(%dma_start3A_78 : memref<120x64xf32, #tpu.memory_space<vmem>>) target(%dma_start3A_75 : memref<120x64xf32, #tpu.memory_space<vmem_shared>>) target_semaphore(%run_scoped3A : memref<!tpu.dma_semaphore, #tpu.memory_space<semaphore_mem>>)
      %dma_wait3A_79 = arith.constant 0 : i32
      %dma_wait3A_80 = arith.constant 0 : i32
      %dma_wait3A_81 = tpu.memref_slice %arg6[%dma_wait3A_79, %dma_wait3A_80] : memref<128x64xf32, #tpu.memory_space<vmem>> -> memref<120x64xf32, #tpu.memory_space<vmem>>
      %dma_wait3A_82 = arith.constant 0 : i32
      %dma_wait3A_83 = tpu.memref_slice %arg15[%add3A_32, %dma_wait3A_82] : memref<10112x64xf32, #tpu.memory_space<vmem_shared>> -> memref<120x64xf32, #tpu.memory_space<vmem_shared>>
      %dma_wait3A_84 = arith.constant 0 : i32
      %dma_wait3A_85 = tpu.memref_slice %arg15[%add3A_32, %dma_wait3A_84] : memref<10112x64xf32, #tpu.memory_space<vmem_shared>> -> memref<120x64xf32, #tpu.memory_space<vmem_shared>>
      %dma_wait3A_86 = arith.constant 0 : i32
      %dma_wait3A_87 = arith.constant 0 : i32
      %dma_wait3A_88 = tpu.memref_slice %arg6[%dma_wait3A_86, %dma_wait3A_87] : memref<128x64xf32, #tpu.memory_space<vmem>> -> memref<120x64xf32, #tpu.memory_space<vmem>>
      tpu.wait_dma2 semaphore(%run_scoped3A : memref<!tpu.dma_semaphore, #tpu.memory_space<semaphore_mem>>) src(%dma_wait3A_88 : memref<120x64xf32, #tpu.memory_space<vmem>>) dst(%dma_wait3A_85 : memref<120x64xf32, #tpu.memory_space<vmem_shared>>)
      tpu.yield
    }) : () -> ()
    %dma_wait3A = arith.constant 0 : i32
    %dma_wait3A_33 = arith.constant 0 : i32
    %dma_wait3A_34 = tpu.memref_slice %arg3[%mul3A_2, %dma_wait3A, %dma_wait3A_33] : memref<2560x2x128xi32, #tpu.memory_space<hbm>> -> memref<80x2x128xi32, #tpu.memory_space<hbm>>
    %dma_wait3A_35 = arith.constant 0 : i32
    %dma_wait3A_36 = arith.constant 0 : i32
    %dma_wait3A_37 = tpu.memref_slice %arg3[%mul3A_2, %dma_wait3A_35, %dma_wait3A_36] : memref<2560x2x128xi32, #tpu.memory_space<hbm>> -> memref<80x2x128xi32, #tpu.memory_space<hbm>>
    tpu.wait_dma2 semaphore(%arg8 : memref<!tpu.dma_semaphore, #tpu.memory_space<semaphore_mem>>) src(%dma_wait3A_37 : memref<80x2x128xi32, #tpu.memory_space<hbm>>) dst(%arg5 : memref<80x2x128xi32, #tpu.memory_space<vmem>>)
    %dma_wait3A_38 = arith.constant 0 : i32
    %dma_wait3A_39 = tpu.memref_slice %arg14[%multiple_of3A, %dma_wait3A_38] : memref<10112x64xf32, #tpu.memory_space<vmem_shared>> -> memref<632x64xf32, #tpu.memory_space<vmem_shared>>
    %dma_wait3A_40 = arith.constant 0 : i32
    %dma_wait3A_41 = tpu.memref_slice %arg2[%multiple_of3A, %dma_wait3A_40] : memref<10112x64xf32, #tpu.memory_space<hbm>> -> memref<632x64xf32, #tpu.memory_space<hbm>>
    tpu.wait_dma2 semaphore(%arg9 : memref<!tpu.dma_semaphore, #tpu.memory_space<semaphore_mem>>) src(%dma_wait3A_41 : memref<632x64xf32, #tpu.memory_space<hbm>>) dst(%dma_wait3A_39 : memref<632x64xf32, #tpu.memory_space<vmem_shared>>)
    %barrier3A = arith.constant 0 : index
    tpu.barrier barrier_id(%barrier3A)
    %dma_start3A_42 = arith.constant 0 : i32
    %dma_start3A_43 = arith.constant 0 : i32
    %dma_start3A_44 = arith.constant 0 : i32
    %dma_start3A_45 = tpu.memref_slice %arg5[%dma_start3A_42, %dma_start3A_43, %dma_start3A_44] : memref<80x2x128xi32, #tpu.memory_space<vmem>> -> memref<1x1x128xi32, #tpu.memory_space<vmem>>
    %dma_start3A_46 = tpu.memref_squeeze %dma_start3A_45 : memref<1x1x128xi32, #tpu.memory_space<vmem>> -> memref<128xi32, #tpu.memory_space<vmem>>
    %dma_start3A_47 = arith.constant 0 : i32
    %dma_start3A_48 = arith.constant 0 : i32
    %dma_start3A_49 = tpu.memref_slice %arg14[%dma_start3A_47, %dma_start3A_48] : memref<10112x64xf32, #tpu.memory_space<vmem_shared>> -> memref<10112x64xf32, #tpu.memory_space<vmem_shared>>
    tpu.enqueue_indirect_dma source(%dma_start3A_49 : memref<10112x64xf32, #tpu.memory_space<vmem_shared>>) target(%arg6 : memref<128x64xf32, #tpu.memory_space<vmem>>) offsets(%dma_start3A_46 : memref<128xi32, #tpu.memory_space<vmem>>) semaphore(%arg10 : memref<!tpu.dma_semaphore, #tpu.memory_space<semaphore_mem>>)
    %scan3A_50 = arith.constant 0 : i32
    %scan3A_51 = arith.constant 0 : i32
    %scan3A_52 = arith.constant 40 : i32
    %scan3A_53 = arith.addi %scan3A_51, %scan3A_52 : i32
    %scan3A_54 = arith.constant 1 : i32
    scf.for %scan3A_69 = %scan3A_51 to %scan3A_53 step %scan3A_54  : i32 {
      %mul3A_70 = arith.constant 2 : i32
      %mul3A_71 = arith.muli %mul3A_70, %scan3A_69 : i32
      %add3A_72 = arith.constant 1 : i32
      %add3A_73 = arith.addi %mul3A_71, %add3A_72 : i32
      %dma_wait3A_74 = arith.constant 0 : i32
      %dma_wait3A_75 = arith.constant 0 : i32
      %dma_wait3A_76 = tpu.memref_slice %arg5[%mul3A_71, %dma_wait3A_74, %dma_wait3A_75] : memref<80x2x128xi32, #tpu.memory_space<vmem>> -> memref<1x1x128xi32, #tpu.memory_space<vmem>>
      %dma_wait3A_77 = tpu.memref_squeeze %dma_wait3A_76 : memref<1x1x128xi32, #tpu.memory_space<vmem>> -> memref<128xi32, #tpu.memory_space<vmem>>
      %dma_wait3A_78 = arith.constant 0 : i32
      %dma_wait3A_79 = arith.constant 0 : i32
      %dma_wait3A_80 = tpu.memref_slice %arg14[%dma_wait3A_78, %dma_wait3A_79] : memref<10112x64xf32, #tpu.memory_space<vmem_shared>> -> memref<10112x64xf32, #tpu.memory_space<vmem_shared>>
      tpu.wait_indirect_dma semaphore(%arg10 : memref<!tpu.dma_semaphore, #tpu.memory_space<semaphore_mem>>) src(%dma_wait3A_80 : memref<10112x64xf32, #tpu.memory_space<vmem_shared>>) dst(%arg6 : memref<128x64xf32, #tpu.memory_space<vmem>>)
      %dma_start3A_81 = arith.constant 1 : i32
      %dma_start3A_82 = arith.constant 0 : i32
      %dma_start3A_83 = tpu.memref_slice %arg5[%mul3A_71, %dma_start3A_81, %dma_start3A_82] : memref<80x2x128xi32, #tpu.memory_space<vmem>> -> memref<1x1x128xi32, #tpu.memory_space<vmem>>
      %dma_start3A_84 = tpu.memref_squeeze %dma_start3A_83 : memref<1x1x128xi32, #tpu.memory_space<vmem>> -> memref<128xi32, #tpu.memory_space<vmem>>
      %dma_start3A_85 = arith.constant 0 : i32
      %dma_start3A_86 = arith.constant 0 : i32
      %dma_start3A_87 = tpu.memref_slice %arg15[%dma_start3A_85, %dma_start3A_86] : memref<10112x64xf32, #tpu.memory_space<vmem_shared>> -> memref<10112x64xf32, #tpu.memory_space<vmem_shared>>
      tpu.enqueue_indirect_dma source(%arg6 : memref<128x64xf32, #tpu.memory_space<vmem>>) target(%dma_start3A_87 : memref<10112x64xf32, #tpu.memory_space<vmem_shared>>) offsets(%dma_start3A_84 : memref<128xi32, #tpu.memory_space<vmem>>) semaphore(%arg12 : memref<!tpu.dma_semaphore, #tpu.memory_space<semaphore_mem>>) {add = true}
      %gt3A = arith.constant 0 : i32
      %gt3A_88 = arith.cmpi sgt, %scan3A_69, %gt3A : i32
      %convert_element_type3A = arith.extui %gt3A_88 : i1 to i32
      %cond3A = arith.constant 0 : i32
      %cond3A_89 = arith.cmpi ne, %convert_element_type3A, %cond3A : i32
      scf.if %cond3A_89 {
        %dma_wait3A_122 = arith.constant 1 : i32
        %dma_wait3A_123 = arith.constant 0 : i32
        %dma_wait3A_124 = tpu.memref_slice %arg5[%add3A_73, %dma_wait3A_122, %dma_wait3A_123] : memref<80x2x128xi32, #tpu.memory_space<vmem>> -> memref<1x1x128xi32, #tpu.memory_space<vmem>>
        %dma_wait3A_125 = tpu.memref_squeeze %dma_wait3A_124 : memref<1x1x128xi32, #tpu.memory_space<vmem>> -> memref<128xi32, #tpu.memory_space<vmem>>
        %dma_wait3A_126 = arith.constant 0 : i32
        %dma_wait3A_127 = arith.constant 0 : i32
        %dma_wait3A_128 = tpu.memref_slice %arg15[%dma_wait3A_126, %dma_wait3A_127] : memref<10112x64xf32, #tpu.memory_space<vmem_shared>> -> memref<10112x64xf32, #tpu.memory_space<vmem_shared>>
        tpu.wait_indirect_dma semaphore(%arg13 : memref<!tpu.dma_semaphore, #tpu.memory_space<semaphore_mem>>) src(%arg7 : memref<128x64xf32, #tpu.memory_space<vmem>>) dst(%dma_wait3A_128 : memref<10112x64xf32, #tpu.memory_space<vmem_shared>>)
      } else {
      }
      %dma_start3A_90 = arith.constant 0 : i32
      %dma_start3A_91 = arith.constant 0 : i32
      %dma_start3A_92 = tpu.memref_slice %arg5[%add3A_73, %dma_start3A_90, %dma_start3A_91] : memref<80x2x128xi32, #tpu.memory_space<vmem>> -> memref<1x1x128xi32, #tpu.memory_space<vmem>>
      %dma_start3A_93 = tpu.memref_squeeze %dma_start3A_92 : memref<1x1x128xi32, #tpu.memory_space<vmem>> -> memref<128xi32, #tpu.memory_space<vmem>>
      %dma_start3A_94 = arith.constant 0 : i32
      %dma_start3A_95 = arith.constant 0 : i32
      %dma_start3A_96 = tpu.memref_slice %arg14[%dma_start3A_94, %dma_start3A_95] : memref<10112x64xf32, #tpu.memory_space<vmem_shared>> -> memref<10112x64xf32, #tpu.memory_space<vmem_shared>>
      tpu.enqueue_indirect_dma source(%dma_start3A_96 : memref<10112x64xf32, #tpu.memory_space<vmem_shared>>) target(%arg7 : memref<128x64xf32, #tpu.memory_space<vmem>>) offsets(%dma_start3A_93 : memref<128xi32, #tpu.memory_space<vmem>>) semaphore(%arg11 : memref<!tpu.dma_semaphore, #tpu.memory_space<semaphore_mem>>)
      %dma_wait3A_97 = arith.constant 0 : i32
      %dma_wait3A_98 = arith.constant 0 : i32
      %dma_wait3A_99 = tpu.memref_slice %arg5[%add3A_73, %dma_wait3A_97, %dma_wait3A_98] : memref<80x2x128xi32, #tpu.memory_space<vmem>> -> memref<1x1x128xi32, #tpu.memory_space<vmem>>
      %dma_wait3A_100 = tpu.memref_squeeze %dma_wait3A_99 : memref<1x1x128xi32, #tpu.memory_space<vmem>> -> memref<128xi32, #tpu.memory_space<vmem>>
      %dma_wait3A_101 = arith.constant 0 : i32
      %dma_wait3A_102 = arith.constant 0 : i32
      %dma_wait3A_103 = tpu.memref_slice %arg14[%dma_wait3A_101, %dma_wait3A_102] : memref<10112x64xf32, #tpu.memory_space<vmem_shared>> -> memref<10112x64xf32, #tpu.memory_space<vmem_shared>>
      tpu.wait_indirect_dma semaphore(%arg11 : memref<!tpu.dma_semaphore, #tpu.memory_space<semaphore_mem>>) src(%dma_wait3A_103 : memref<10112x64xf32, #tpu.memory_space<vmem_shared>>) dst(%arg7 : memref<128x64xf32, #tpu.memory_space<vmem>>)
      %dma_start3A_104 = arith.constant 1 : i32
      %dma_start3A_105 = arith.constant 0 : i32
      %dma_start3A_106 = tpu.memref_slice %arg5[%add3A_73, %dma_start3A_104, %dma_start3A_105] : memref<80x2x128xi32, #tpu.memory_space<vmem>> -> memref<1x1x128xi32, #tpu.memory_space<vmem>>
      %dma_start3A_107 = tpu.memref_squeeze %dma_start3A_106 : memref<1x1x128xi32, #tpu.memory_space<vmem>> -> memref<128xi32, #tpu.memory_space<vmem>>
      %dma_start3A_108 = arith.constant 0 : i32
      %dma_start3A_109 = arith.constant 0 : i32
      %dma_start3A_110 = tpu.memref_slice %arg15[%dma_start3A_108, %dma_start3A_109] : memref<10112x64xf32, #tpu.memory_space<vmem_shared>> -> memref<10112x64xf32, #tpu.memory_space<vmem_shared>>
      tpu.enqueue_indirect_dma source(%arg7 : memref<128x64xf32, #tpu.memory_space<vmem>>) target(%dma_start3A_110 : memref<10112x64xf32, #tpu.memory_space<vmem_shared>>) offsets(%dma_start3A_107 : memref<128xi32, #tpu.memory_space<vmem>>) semaphore(%arg13 : memref<!tpu.dma_semaphore, #tpu.memory_space<semaphore_mem>>) {add = true}
      %dma_wait3A_111 = arith.constant 1 : i32
      %dma_wait3A_112 = arith.constant 0 : i32
      %dma_wait3A_113 = tpu.memref_slice %arg5[%mul3A_71, %dma_wait3A_111, %dma_wait3A_112] : memref<80x2x128xi32, #tpu.memory_space<vmem>> -> memref<1x1x128xi32, #tpu.memory_space<vmem>>
      %dma_wait3A_114 = tpu.memref_squeeze %dma_wait3A_113 : memref<1x1x128xi32, #tpu.memory_space<vmem>> -> memref<128xi32, #tpu.memory_space<vmem>>
      %dma_wait3A_115 = arith.constant 0 : i32
      %dma_wait3A_116 = arith.constant 0 : i32
      %dma_wait3A_117 = tpu.memref_slice %arg15[%dma_wait3A_115, %dma_wait3A_116] : memref<10112x64xf32, #tpu.memory_space<vmem_shared>> -> memref<10112x64xf32, #tpu.memory_space<vmem_shared>>
      tpu.wait_indirect_dma semaphore(%arg12 : memref<!tpu.dma_semaphore, #tpu.memory_space<semaphore_mem>>) src(%arg6 : memref<128x64xf32, #tpu.memory_space<vmem>>) dst(%dma_wait3A_117 : memref<10112x64xf32, #tpu.memory_space<vmem_shared>>)
      %lt3A = arith.constant 39 : i32
      %lt3A_118 = arith.cmpi slt, %scan3A_69, %lt3A : i32
      %convert_element_type3A_119 = arith.extui %lt3A_118 : i1 to i32
      %cond3A_120 = arith.constant 0 : i32
      %cond3A_121 = arith.cmpi ne, %convert_element_type3A_119, %cond3A_120 : i32
      scf.if %cond3A_121 {
        %add3A_122 = arith.constant 2 : i32
        %add3A_123 = arith.addi %mul3A_71, %add3A_122 : i32
        %dma_start3A_124 = arith.constant 0 : i32
        %dma_start3A_125 = arith.constant 0 : i32
        %dma_start3A_126 = tpu.memref_slice %arg5[%add3A_123, %dma_start3A_124, %dma_start3A_125] : memref<80x2x128xi32, #tpu.memory_space<vmem>> -> memref<1x1x128xi32, #tpu.memory_space<vmem>>
        %dma_start3A_127 = tpu.memref_squeeze %dma_start3A_126 : memref<1x1x128xi32, #tpu.memory_space<vmem>> -> memref<128xi32, #tpu.memory_space<vmem>>
        %dma_start3A_128 = arith.constant 0 : i32
        %dma_start3A_129 = arith.constant 0 : i32
        %dma_start3A_130 = tpu.memref_slice %arg14[%dma_start3A_128, %dma_start3A_129] : memref<10112x64xf32, #tpu.memory_space<vmem_shared>> -> memref<10112x64xf32, #tpu.memory_space<vmem_shared>>
        tpu.enqueue_indirect_dma source(%dma_start3A_130 : memref<10112x64xf32, #tpu.memory_space<vmem_shared>>) target(%arg6 : memref<128x64xf32, #tpu.memory_space<vmem>>) offsets(%dma_start3A_127 : memref<128xi32, #tpu.memory_space<vmem>>) semaphore(%arg10 : memref<!tpu.dma_semaphore, #tpu.memory_space<semaphore_mem>>)
      } else {
      }
    }
    %scan3A_55 = arith.constant 40 : i32
    %dma_wait3A_56 = arith.constant 0 : i32
    %dma_wait3A_57 = arith.constant 1 : i32
    %dma_wait3A_58 = arith.constant 0 : i32
    %dma_wait3A_59 = tpu.memref_slice %arg5[%dma_wait3A_56, %dma_wait3A_57, %dma_wait3A_58] : memref<80x2x128xi32, #tpu.memory_space<vmem>> -> memref<1x1x128xi32, #tpu.memory_space<vmem>>
    %dma_wait3A_60 = tpu.memref_squeeze %dma_wait3A_59 : memref<1x1x128xi32, #tpu.memory_space<vmem>> -> memref<128xi32, #tpu.memory_space<vmem>>
    %dma_wait3A_61 = arith.constant 0 : i32
    %dma_wait3A_62 = arith.constant 0 : i32
    %dma_wait3A_63 = tpu.memref_slice %arg15[%dma_wait3A_61, %dma_wait3A_62] : memref<10112x64xf32, #tpu.memory_space<vmem_shared>> -> memref<10112x64xf32, #tpu.memory_space<vmem_shared>>
    tpu.wait_indirect_dma semaphore(%arg13 : memref<!tpu.dma_semaphore, #tpu.memory_space<semaphore_mem>>) src(%arg7 : memref<128x64xf32, #tpu.memory_space<vmem>>) dst(%dma_wait3A_63 : memref<10112x64xf32, #tpu.memory_space<vmem_shared>>)
    %barrier3A_64 = arith.constant 0 : index
    tpu.barrier barrier_id(%barrier3A_64)
    %mul3A_65 = arith.constant 10112 : i32
    %mul3A_66 = arith.muli %arg0, %mul3A_65 : i32
    %add3A_67 = arith.addi %mul3A_66, %multiple_of3A_22 : i32
    %multiple_of3A_68 = tpu.assume_multiple %add3A_67, 8 : i32
    "tpu.region"() ({
      %run_scoped3A = tpu.sem_alloc : memref<!tpu.dma_semaphore, #tpu.memory_space<semaphore_mem>>
      %dma_start3A_69 = arith.constant 0 : i32
      %dma_start3A_70 = tpu.memref_slice %arg4[%multiple_of3A_68, %dma_start3A_69] : memref<20224x64xf32, #tpu.memory_space<hbm>> -> memref<632x64xf32, #tpu.memory_space<hbm>>
      %dma_start3A_71 = arith.constant 0 : i32
      %dma_start3A_72 = tpu.memref_slice %arg15[%multiple_of3A_22, %dma_start3A_71] : memref<10112x64xf32, #tpu.memory_space<vmem_shared>> -> memref<632x64xf32, #tpu.memory_space<vmem_shared>>
      tpu.enqueue_dma source(%dma_start3A_72 : memref<632x64xf32, #tpu.memory_space<vmem_shared>>) target(%dma_start3A_70 : memref<632x64xf32, #tpu.memory_space<hbm>>) target_semaphore(%run_scoped3A : memref<!tpu.dma_semaphore, #tpu.memory_space<semaphore_mem>>)
      %dma_wait3A_73 = arith.constant 0 : i32
      %dma_wait3A_74 = tpu.memref_slice %arg4[%multiple_of3A_68, %dma_wait3A_73] : memref<20224x64xf32, #tpu.memory_space<hbm>> -> memref<632x64xf32, #tpu.memory_space<hbm>>
      %dma_wait3A_75 = arith.constant 0 : i32
      %dma_wait3A_76 = tpu.memref_slice %arg15[%multiple_of3A_22, %dma_wait3A_75] : memref<10112x64xf32, #tpu.memory_space<vmem_shared>> -> memref<632x64xf32, #tpu.memory_space<vmem_shared>>
      tpu.wait_dma2 semaphore(%run_scoped3A : memref<!tpu.dma_semaphore, #tpu.memory_space<semaphore_mem>>) src(%dma_wait3A_76 : memref<632x64xf32, #tpu.memory_space<vmem_shared>>) dst(%dma_wait3A_74 : memref<632x64xf32, #tpu.memory_space<hbm>>)
      tpu.yield
    }) : () -> ()
    return
  }
}

#map = affine_map<(d0, d1) -> (0, 0)>
#map1 = affine_map<(d0, d1) -> (0, 0, 0)>
module attributes {stable_mosaic.version = 14 : i64} {
  func.func @seg(%arg0: i32, %arg1: i32, %arg2: memref<10112x64xf32, #tpu.memory_space<hbm>>, %arg3: memref<2560x2x128xi32, #tpu.memory_space<hbm>>, %arg4: memref<20224x64xf32, #tpu.memory_space<hbm>>, %arg5: memref<80x2x128xi32, #tpu.memory_space<vmem>>, %arg6: memref<128x64xf32, #tpu.memory_space<vmem>>, %arg7: memref<128x64xf32, #tpu.memory_space<vmem>>, %arg8: memref<!tpu.dma_semaphore, #tpu.memory_space<semaphore_mem>>, %arg9: memref<!tpu.dma_semaphore, #tpu.memory_space<semaphore_mem>>, %arg10: memref<!tpu.dma_semaphore, #tpu.memory_space<semaphore_mem>>, %arg11: memref<!tpu.dma_semaphore, #tpu.memory_space<semaphore_mem>>, %arg12: memref<!tpu.dma_semaphore, #tpu.memory_space<semaphore_mem>>, %arg13: memref<!tpu.dma_semaphore, #tpu.memory_space<semaphore_mem>>, %arg14: memref<10112x64xf32, #tpu.memory_space<vmem_shared>>, %arg15: memref<10112x64xf32, #tpu.memory_space<vmem_shared>>) attributes {dimension_semantics = [#tpu.dimension_semantics<core_parallel>, #tpu.dimension_semantics<subcore_parallel>], iteration_bounds = array<i64: 2, 16>, scalar_prefetch = 0 : i64, scratch_operands = 11 : i64, tpu.core_type = #tpu.core_type<sc_vector_subcore>, window_params = [{transform_indices = #map}, {transform_indices = #map1}, {transform_indices = #map}]} {
    %mul3A = arith.constant 16 : i32
    %mul3A_0 = arith.muli %arg0, %mul3A : i32
    %add3A = arith.addi %mul3A_0, %arg1 : i32
    %mul3A_1 = arith.constant 80 : i32
    %mul3A_2 = arith.muli %add3A, %mul3A_1 : i32
    %dma_start3A = arith.constant 0 : i32
    %dma_start3A_3 = arith.constant 0 : i32
    %dma_start3A_4 = tpu.memref_slice %arg3[%mul3A_2, %dma_start3A, %dma_start3A_3] : memref<2560x2x128xi32, #tpu.memory_space<hbm>> -> memref<80x2x128xi32, #tpu.memory_space<hbm>>
    %dma_start3A_5 = arith.constant 0 : i32
    %dma_start3A_6 = arith.constant 0 : i32
    %dma_start3A_7 = tpu.memref_slice %arg3[%mul3A_2, %dma_start3A_5, %dma_start3A_6] : memref<2560x2x128xi32, #tpu.memory_space<hbm>> -> memref<80x2x128xi32, #tpu.memory_space<hbm>>
    tpu.enqueue_dma source(%dma_start3A_7 : memref<80x2x128xi32, #tpu.memory_space<hbm>>) target(%arg5 : memref<80x2x128xi32, #tpu.memory_space<vmem>>) target_semaphore(%arg8 : memref<!tpu.dma_semaphore, #tpu.memory_space<semaphore_mem>>)
    %mul3A_8 = arith.constant 632 : i32
    %mul3A_9 = arith.muli %arg1, %mul3A_8 : i32
    %multiple_of3A = tpu.assume_multiple %mul3A_9, 8 : i32
    %dma_start3A_10 = arith.constant 0 : i32
    %dma_start3A_11 = tpu.memref_slice %arg14[%multiple_of3A, %dma_start3A_10] : memref<10112x64xf32, #tpu.memory_space<vmem_shared>> -> memref<632x64xf32, #tpu.memory_space<vmem_shared>>
    %dma_start3A_12 = arith.constant 0 : i32
    %dma_start3A_13 = tpu.memref_slice %arg2[%multiple_of3A, %dma_start3A_12] : memref<10112x64xf32, #tpu.memory_space<hbm>> -> memref<632x64xf32, #tpu.memory_space<hbm>>
    tpu.enqueue_dma source(%dma_start3A_13 : memref<632x64xf32, #tpu.memory_space<hbm>>) target(%dma_start3A_11 : memref<632x64xf32, #tpu.memory_space<vmem_shared>>) target_semaphore(%arg9 : memref<!tpu.dma_semaphore, #tpu.memory_space<semaphore_mem>>)
    %broadcast_in_dim3A = arith.constant 0.000000e+00 : f32
    %broadcast_in_dim3A_14 = vector.broadcast %broadcast_in_dim3A : f32 to vector<16xf32>
    %scan3A = arith.constant 0 : i32
    %scan3A_15 = arith.constant 0 : i32
    %scan3A_16 = arith.constant 128 : i32
    %scan3A_17 = arith.addi %scan3A_15, %scan3A_16 : i32
    %scan3A_18 = arith.constant 1 : i32
    scf.for %scan3A_69 = %scan3A_15 to %scan3A_17 step %scan3A_18  : i32 {
      %swap3A = arith.index_cast %scan3A_69 : i32 to index
      %swap3A_70 = arith.constant 0 : index
      %swap3A_71 = tpu.vector_load %arg6[%swap3A, %swap3A_70] {strides = array<i32>} : memref<128x64xf32, #tpu.memory_space<vmem>>, vector<1x16xf32>,
      %swap3A_72 = vector.shape_cast %swap3A_71 : vector<1x16xf32> to vector<16xf32>
      %swap3A_73 = vector.shape_cast %broadcast_in_dim3A_14 : vector<16xf32> to vector<1x16xf32>
      tpu.vector_store %arg6[%swap3A, %swap3A_70], %swap3A_73 {strides = array<i32>} : memref<128x64xf32, #tpu.memory_space<vmem>>, vector<1x16xf32>,
      %swap3A_74 = arith.index_cast %scan3A_69 : i32 to index
      %swap3A_75 = arith.constant 16 : index
      %swap3A_76 = tpu.vector_load %arg6[%swap3A_74, %swap3A_75] {strides = array<i32>} : memref<128x64xf32, #tpu.memory_space<vmem>>, vector<1x16xf32>,
      %swap3A_77 = vector.shape_cast %swap3A_76 : vector<1x16xf32> to vector<16xf32>
      %swap3A_78 = vector.shape_cast %broadcast_in_dim3A_14 : vector<16xf32> to vector<1x16xf32>
      tpu.vector_store %arg6[%swap3A_74, %swap3A_75], %swap3A_78 {strides = array<i32>} : memref<128x64xf32, #tpu.memory_space<vmem>>, vector<1x16xf32>,
      %swap3A_79 = arith.index_cast %scan3A_69 : i32 to index
      %swap3A_80 = arith.constant 32 : index
      %swap3A_81 = tpu.vector_load %arg6[%swap3A_79, %swap3A_80] {strides = array<i32>} : memref<128x64xf32, #tpu.memory_space<vmem>>, vector<1x16xf32>,
      %swap3A_82 = vector.shape_cast %swap3A_81 : vector<1x16xf32> to vector<16xf32>
      %swap3A_83 = vector.shape_cast %broadcast_in_dim3A_14 : vector<16xf32> to vector<1x16xf32>
      tpu.vector_store %arg6[%swap3A_79, %swap3A_80], %swap3A_83 {strides = array<i32>} : memref<128x64xf32, #tpu.memory_space<vmem>>, vector<1x16xf32>,
      %swap3A_84 = arith.index_cast %scan3A_69 : i32 to index
      %swap3A_85 = arith.constant 48 : index
      %swap3A_86 = tpu.vector_load %arg6[%swap3A_84, %swap3A_85] {strides = array<i32>} : memref<128x64xf32, #tpu.memory_space<vmem>>, vector<1x16xf32>,
      %swap3A_87 = vector.shape_cast %swap3A_86 : vector<1x16xf32> to vector<16xf32>
      %swap3A_88 = vector.shape_cast %broadcast_in_dim3A_14 : vector<16xf32> to vector<1x16xf32>
      tpu.vector_store %arg6[%swap3A_84, %swap3A_85], %swap3A_88 {strides = array<i32>} : memref<128x64xf32, #tpu.memory_space<vmem>>, vector<1x16xf32>,
    }
    %scan3A_19 = arith.constant 128 : i32
    %mul3A_20 = arith.constant 632 : i32
    %mul3A_21 = arith.muli %arg1, %mul3A_20 : i32
    %multiple_of3A_22 = tpu.assume_multiple %mul3A_21, 8 : i32
    %add3A_23 = arith.constant 0 : i32
    %add3A_24 = arith.addi %multiple_of3A_22, %add3A_23 : i32
    "tpu.region"() ({
      %run_scoped3A = tpu.sem_alloc : memref<!tpu.dma_semaphore, #tpu.memory_space<semaphore_mem>>
      %dma_start3A_69 = arith.constant 0 : i32
      %dma_start3A_70 = tpu.memref_slice %arg15[%add3A_24, %dma_start3A_69] : memref<10112x64xf32, #tpu.memory_space<vmem_shared>> -> memref<128x64xf32, #tpu.memory_space<vmem_shared>>
      %dma_start3A_71 = arith.constant 0 : i32
      %dma_start3A_72 = tpu.memref_slice %arg15[%add3A_24, %dma_start3A_71] : memref<10112x64xf32, #tpu.memory_space<vmem_shared>> -> memref<128x64xf32, #tpu.memory_space<vmem_shared>>
      tpu.enqueue_dma source(%arg6 : memref<128x64xf32, #tpu.memory_space<vmem>>) target(%dma_start3A_72 : memref<128x64xf32, #tpu.memory_space<vmem_shared>>) target_semaphore(%run_scoped3A : memref<!tpu.dma_semaphore, #tpu.memory_space<semaphore_mem>>)
      %dma_wait3A_73 = arith.constant 0 : i32
      %dma_wait3A_74 = tpu.memref_slice %arg15[%add3A_24, %dma_wait3A_73] : memref<10112x64xf32, #tpu.memory_space<vmem_shared>> -> memref<128x64xf32, #tpu.memory_space<vmem_shared>>
      %dma_wait3A_75 = arith.constant 0 : i32
      %dma_wait3A_76 = tpu.memref_slice %arg15[%add3A_24, %dma_wait3A_75] : memref<10112x64xf32, #tpu.memory_space<vmem_shared>> -> memref<128x64xf32, #tpu.memory_space<vmem_shared>>
      tpu.wait_dma2 semaphore(%run_scoped3A : memref<!tpu.dma_semaphore, #tpu.memory_space<semaphore_mem>>) src(%arg6 : memref<128x64xf32, #tpu.memory_space<vmem>>) dst(%dma_wait3A_76 : memref<128x64xf32, #tpu.memory_space<vmem_shared>>)
      tpu.yield
    }) : () -> ()
    %add3A_25 = arith.constant 128 : i32
    %add3A_26 = arith.addi %multiple_of3A_22, %add3A_25 : i32
    "tpu.region"() ({
      %run_scoped3A = tpu.sem_alloc : memref<!tpu.dma_semaphore, #tpu.memory_space<semaphore_mem>>
      %dma_start3A_69 = arith.constant 0 : i32
      %dma_start3A_70 = tpu.memref_slice %arg15[%add3A_26, %dma_start3A_69] : memref<10112x64xf32, #tpu.memory_space<vmem_shared>> -> memref<128x64xf32, #tpu.memory_space<vmem_shared>>
      %dma_start3A_71 = arith.constant 0 : i32
      %dma_start3A_72 = tpu.memref_slice %arg15[%add3A_26, %dma_start3A_71] : memref<10112x64xf32, #tpu.memory_space<vmem_shared>> -> memref<128x64xf32, #tpu.memory_space<vmem_shared>>
      tpu.enqueue_dma source(%arg6 : memref<128x64xf32, #tpu.memory_space<vmem>>) target(%dma_start3A_72 : memref<128x64xf32, #tpu.memory_space<vmem_shared>>) target_semaphore(%run_scoped3A : memref<!tpu.dma_semaphore, #tpu.memory_space<semaphore_mem>>)
      %dma_wait3A_73 = arith.constant 0 : i32
      %dma_wait3A_74 = tpu.memref_slice %arg15[%add3A_26, %dma_wait3A_73] : memref<10112x64xf32, #tpu.memory_space<vmem_shared>> -> memref<128x64xf32, #tpu.memory_space<vmem_shared>>
      %dma_wait3A_75 = arith.constant 0 : i32
      %dma_wait3A_76 = tpu.memref_slice %arg15[%add3A_26, %dma_wait3A_75] : memref<10112x64xf32, #tpu.memory_space<vmem_shared>> -> memref<128x64xf32, #tpu.memory_space<vmem_shared>>
      tpu.wait_dma2 semaphore(%run_scoped3A : memref<!tpu.dma_semaphore, #tpu.memory_space<semaphore_mem>>) src(%arg6 : memref<128x64xf32, #tpu.memory_space<vmem>>) dst(%dma_wait3A_76 : memref<128x64xf32, #tpu.memory_space<vmem_shared>>)
      tpu.yield
    }) : () -> ()
    %add3A_27 = arith.constant 256 : i32
    %add3A_28 = arith.addi %multiple_of3A_22, %add3A_27 : i32
    "tpu.region"() ({
      %run_scoped3A = tpu.sem_alloc : memref<!tpu.dma_semaphore, #tpu.memory_space<semaphore_mem>>
      %dma_start3A_69 = arith.constant 0 : i32
      %dma_start3A_70 = tpu.memref_slice %arg15[%add3A_28, %dma_start3A_69] : memref<10112x64xf32, #tpu.memory_space<vmem_shared>> -> memref<128x64xf32, #tpu.memory_space<vmem_shared>>
      %dma_start3A_71 = arith.constant 0 : i32
      %dma_start3A_72 = tpu.memref_slice %arg15[%add3A_28, %dma_start3A_71] : memref<10112x64xf32, #tpu.memory_space<vmem_shared>> -> memref<128x64xf32, #tpu.memory_space<vmem_shared>>
      tpu.enqueue_dma source(%arg6 : memref<128x64xf32, #tpu.memory_space<vmem>>) target(%dma_start3A_72 : memref<128x64xf32, #tpu.memory_space<vmem_shared>>) target_semaphore(%run_scoped3A : memref<!tpu.dma_semaphore, #tpu.memory_space<semaphore_mem>>)
      %dma_wait3A_73 = arith.constant 0 : i32
      %dma_wait3A_74 = tpu.memref_slice %arg15[%add3A_28, %dma_wait3A_73] : memref<10112x64xf32, #tpu.memory_space<vmem_shared>> -> memref<128x64xf32, #tpu.memory_space<vmem_shared>>
      %dma_wait3A_75 = arith.constant 0 : i32
      %dma_wait3A_76 = tpu.memref_slice %arg15[%add3A_28, %dma_wait3A_75] : memref<10112x64xf32, #tpu.memory_space<vmem_shared>> -> memref<128x64xf32, #tpu.memory_space<vmem_shared>>
      tpu.wait_dma2 semaphore(%run_scoped3A : memref<!tpu.dma_semaphore, #tpu.memory_space<semaphore_mem>>) src(%arg6 : memref<128x64xf32, #tpu.memory_space<vmem>>) dst(%dma_wait3A_76 : memref<128x64xf32, #tpu.memory_space<vmem_shared>>)
      tpu.yield
    }) : () -> ()
    %add3A_29 = arith.constant 384 : i32
    %add3A_30 = arith.addi %multiple_of3A_22, %add3A_29 : i32
    "tpu.region"() ({
      %run_scoped3A = tpu.sem_alloc : memref<!tpu.dma_semaphore, #tpu.memory_space<semaphore_mem>>
      %dma_start3A_69 = arith.constant 0 : i32
      %dma_start3A_70 = tpu.memref_slice %arg15[%add3A_30, %dma_start3A_69] : memref<10112x64xf32, #tpu.memory_space<vmem_shared>> -> memref<128x64xf32, #tpu.memory_space<vmem_shared>>
      %dma_start3A_71 = arith.constant 0 : i32
      %dma_start3A_72 = tpu.memref_slice %arg15[%add3A_30, %dma_start3A_71] : memref<10112x64xf32, #tpu.memory_space<vmem_shared>> -> memref<128x64xf32, #tpu.memory_space<vmem_shared>>
      tpu.enqueue_dma source(%arg6 : memref<128x64xf32, #tpu.memory_space<vmem>>) target(%dma_start3A_72 : memref<128x64xf32, #tpu.memory_space<vmem_shared>>) target_semaphore(%run_scoped3A : memref<!tpu.dma_semaphore, #tpu.memory_space<semaphore_mem>>)
      %dma_wait3A_73 = arith.constant 0 : i32
      %dma_wait3A_74 = tpu.memref_slice %arg15[%add3A_30, %dma_wait3A_73] : memref<10112x64xf32, #tpu.memory_space<vmem_shared>> -> memref<128x64xf32, #tpu.memory_space<vmem_shared>>
      %dma_wait3A_75 = arith.constant 0 : i32
      %dma_wait3A_76 = tpu.memref_slice %arg15[%add3A_30, %dma_wait3A_75] : memref<10112x64xf32, #tpu.memory_space<vmem_shared>> -> memref<128x64xf32, #tpu.memory_space<vmem_shared>>
      tpu.wait_dma2 semaphore(%run_scoped3A : memref<!tpu.dma_semaphore, #tpu.memory_space<semaphore_mem>>) src(%arg6 : memref<128x64xf32, #tpu.memory_space<vmem>>) dst(%dma_wait3A_76 : memref<128x64xf32, #tpu.memory_space<vmem_shared>>)
      tpu.yield
    }) : () -> ()
    %add3A_31 = arith.constant 512 : i32
    %add3A_32 = arith.addi %multiple_of3A_22, %add3A_31 : i32
    "tpu.region"() ({
      %run_scoped3A = tpu.sem_alloc : memref<!tpu.dma_semaphore, #tpu.memory_space<semaphore_mem>>
      %dma_start3A_69 = arith.constant 0 : i32
      %dma_start3A_70 = arith.constant 0 : i32
      %dma_start3A_71 = tpu.memref_slice %arg6[%dma_start3A_69, %dma_start3A_70] : memref<128x64xf32, #tpu.memory_space<vmem>> -> memref<120x64xf32, #tpu.memory_space<vmem>>
      %dma_start3A_72 = arith.constant 0 : i32
      %dma_start3A_73 = tpu.memref_slice %arg15[%add3A_32, %dma_start3A_72] : memref<10112x64xf32, #tpu.memory_space<vmem_shared>> -> memref<120x64xf32, #tpu.memory_space<vmem_shared>>
      %dma_start3A_74 = arith.constant 0 : i32
      %dma_start3A_75 = tpu.memref_slice %arg15[%add3A_32, %dma_start3A_74] : memref<10112x64xf32, #tpu.memory_space<vmem_shared>> -> memref<120x64xf32, #tpu.memory_space<vmem_shared>>
      %dma_start3A_76 = arith.constant 0 : i32
      %dma_start3A_77 = arith.constant 0 : i32
      %dma_start3A_78 = tpu.memref_slice %arg6[%dma_start3A_76, %dma_start3A_77] : memref<128x64xf32, #tpu.memory_space<vmem>> -> memref<120x64xf32, #tpu.memory_space<vmem>>
      tpu.enqueue_dma source(%dma_start3A_78 : memref<120x64xf32, #tpu.memory_space<vmem>>) target(%dma_start3A_75 : memref<120x64xf32, #tpu.memory_space<vmem_shared>>) target_semaphore(%run_scoped3A : memref<!tpu.dma_semaphore, #tpu.memory_space<semaphore_mem>>)
      %dma_wait3A_79 = arith.constant 0 : i32
      %dma_wait3A_80 = arith.constant 0 : i32
      %dma_wait3A_81 = tpu.memref_slice %arg6[%dma_wait3A_79, %dma_wait3A_80] : memref<128x64xf32, #tpu.memory_space<vmem>> -> memref<120x64xf32, #tpu.memory_space<vmem>>
      %dma_wait3A_82 = arith.constant 0 : i32
      %dma_wait3A_83 = tpu.memref_slice %arg15[%add3A_32, %dma_wait3A_82] : memref<10112x64xf32, #tpu.memory_space<vmem_shared>> -> memref<120x64xf32, #tpu.memory_space<vmem_shared>>
      %dma_wait3A_84 = arith.constant 0 : i32
      %dma_wait3A_85 = tpu.memref_slice %arg15[%add3A_32, %dma_wait3A_84] : memref<10112x64xf32, #tpu.memory_space<vmem_shared>> -> memref<120x64xf32, #tpu.memory_space<vmem_shared>>
      %dma_wait3A_86 = arith.constant 0 : i32
      %dma_wait3A_87 = arith.constant 0 : i32
      %dma_wait3A_88 = tpu.memref_slice %arg6[%dma_wait3A_86, %dma_wait3A_87] : memref<128x64xf32, #tpu.memory_space<vmem>> -> memref<120x64xf32, #tpu.memory_space<vmem>>
      tpu.wait_dma2 semaphore(%run_scoped3A : memref<!tpu.dma_semaphore, #tpu.memory_space<semaphore_mem>>) src(%dma_wait3A_88 : memref<120x64xf32, #tpu.memory_space<vmem>>) dst(%dma_wait3A_85 : memref<120x64xf32, #tpu.memory_space<vmem_shared>>)
      tpu.yield
    }) : () -> ()
    %dma_wait3A = arith.constant 0 : i32
    %dma_wait3A_33 = arith.constant 0 : i32
    %dma_wait3A_34 = tpu.memref_slice %arg3[%mul3A_2, %dma_wait3A, %dma_wait3A_33] : memref<2560x2x128xi32, #tpu.memory_space<hbm>> -> memref<80x2x128xi32, #tpu.memory_space<hbm>>
    %dma_wait3A_35 = arith.constant 0 : i32
    %dma_wait3A_36 = arith.constant 0 : i32
    %dma_wait3A_37 = tpu.memref_slice %arg3[%mul3A_2, %dma_wait3A_35, %dma_wait3A_36] : memref<2560x2x128xi32, #tpu.memory_space<hbm>> -> memref<80x2x128xi32, #tpu.memory_space<hbm>>
    tpu.wait_dma2 semaphore(%arg8 : memref<!tpu.dma_semaphore, #tpu.memory_space<semaphore_mem>>) src(%dma_wait3A_37 : memref<80x2x128xi32, #tpu.memory_space<hbm>>) dst(%arg5 : memref<80x2x128xi32, #tpu.memory_space<vmem>>)
    %dma_wait3A_38 = arith.constant 0 : i32
    %dma_wait3A_39 = tpu.memref_slice %arg14[%multiple_of3A, %dma_wait3A_38] : memref<10112x64xf32, #tpu.memory_space<vmem_shared>> -> memref<632x64xf32, #tpu.memory_space<vmem_shared>>
    %dma_wait3A_40 = arith.constant 0 : i32
    %dma_wait3A_41 = tpu.memref_slice %arg2[%multiple_of3A, %dma_wait3A_40] : memref<10112x64xf32, #tpu.memory_space<hbm>> -> memref<632x64xf32, #tpu.memory_space<hbm>>
    tpu.wait_dma2 semaphore(%arg9 : memref<!tpu.dma_semaphore, #tpu.memory_space<semaphore_mem>>) src(%dma_wait3A_41 : memref<632x64xf32, #tpu.memory_space<hbm>>) dst(%dma_wait3A_39 : memref<632x64xf32, #tpu.memory_space<vmem_shared>>)
    %barrier3A = arith.constant 0 : index
    tpu.barrier barrier_id(%barrier3A)
    %dma_start3A_42 = arith.constant 0 : i32
    %dma_start3A_43 = arith.constant 0 : i32
    %dma_start3A_44 = arith.constant 0 : i32
    %dma_start3A_45 = tpu.memref_slice %arg5[%dma_start3A_42, %dma_start3A_43, %dma_start3A_44] : memref<80x2x128xi32, #tpu.memory_space<vmem>> -> memref<1x1x128xi32, #tpu.memory_space<vmem>>
    %dma_start3A_46 = tpu.memref_squeeze %dma_start3A_45 : memref<1x1x128xi32, #tpu.memory_space<vmem>> -> memref<128xi32, #tpu.memory_space<vmem>>
    %dma_start3A_47 = arith.constant 0 : i32
    %dma_start3A_48 = arith.constant 0 : i32
    %dma_start3A_49 = tpu.memref_slice %arg14[%dma_start3A_47, %dma_start3A_48] : memref<10112x64xf32, #tpu.memory_space<vmem_shared>> -> memref<10112x64xf32, #tpu.memory_space<vmem_shared>>
    tpu.enqueue_indirect_dma source(%dma_start3A_49 : memref<10112x64xf32, #tpu.memory_space<vmem_shared>>) target(%arg6 : memref<128x64xf32, #tpu.memory_space<vmem>>) offsets(%dma_start3A_46 : memref<128xi32, #tpu.memory_space<vmem>>) semaphore(%arg10 : memref<!tpu.dma_semaphore, #tpu.memory_space<semaphore_mem>>)
    %scan3A_50 = arith.constant 0 : i32
    %scan3A_51 = arith.constant 0 : i32
    %scan3A_52 = arith.constant 40 : i32
    %scan3A_53 = arith.addi %scan3A_51, %scan3A_52 : i32
    %scan3A_54 = arith.constant 1 : i32
    scf.for %scan3A_69 = %scan3A_51 to %scan3A_53 step %scan3A_54  : i32 {
      %mul3A_70 = arith.constant 2 : i32
      %mul3A_71 = arith.muli %mul3A_70, %scan3A_69 : i32
      %add3A_72 = arith.constant 1 : i32
      %add3A_73 = arith.addi %mul3A_71, %add3A_72 : i32
      %dma_wait3A_74 = arith.constant 0 : i32
      %dma_wait3A_75 = arith.constant 0 : i32
      %dma_wait3A_76 = tpu.memref_slice %arg5[%mul3A_71, %dma_wait3A_74, %dma_wait3A_75] : memref<80x2x128xi32, #tpu.memory_space<vmem>> -> memref<1x1x128xi32, #tpu.memory_space<vmem>>
      %dma_wait3A_77 = tpu.memref_squeeze %dma_wait3A_76 : memref<1x1x128xi32, #tpu.memory_space<vmem>> -> memref<128xi32, #tpu.memory_space<vmem>>
      %dma_wait3A_78 = arith.constant 0 : i32
      %dma_wait3A_79 = arith.constant 0 : i32
      %dma_wait3A_80 = tpu.memref_slice %arg14[%dma_wait3A_78, %dma_wait3A_79] : memref<10112x64xf32, #tpu.memory_space<vmem_shared>> -> memref<10112x64xf32, #tpu.memory_space<vmem_shared>>
      tpu.wait_indirect_dma semaphore(%arg10 : memref<!tpu.dma_semaphore, #tpu.memory_space<semaphore_mem>>) src(%dma_wait3A_80 : memref<10112x64xf32, #tpu.memory_space<vmem_shared>>) dst(%arg6 : memref<128x64xf32, #tpu.memory_space<vmem>>)
      %dma_start3A_81 = arith.constant 1 : i32
      %dma_start3A_82 = arith.constant 0 : i32
      %dma_start3A_83 = tpu.memref_slice %arg5[%mul3A_71, %dma_start3A_81, %dma_start3A_82] : memref<80x2x128xi32, #tpu.memory_space<vmem>> -> memref<1x1x128xi32, #tpu.memory_space<vmem>>
      %dma_start3A_84 = tpu.memref_squeeze %dma_start3A_83 : memref<1x1x128xi32, #tpu.memory_space<vmem>> -> memref<128xi32, #tpu.memory_space<vmem>>
      %dma_start3A_85 = arith.constant 0 : i32
      %dma_start3A_86 = arith.constant 0 : i32
      %dma_start3A_87 = tpu.memref_slice %arg15[%dma_start3A_85, %dma_start3A_86] : memref<10112x64xf32, #tpu.memory_space<vmem_shared>> -> memref<10112x64xf32, #tpu.memory_space<vmem_shared>>
      tpu.enqueue_indirect_dma source(%arg6 : memref<128x64xf32, #tpu.memory_space<vmem>>) target(%dma_start3A_87 : memref<10112x64xf32, #tpu.memory_space<vmem_shared>>) offsets(%dma_start3A_84 : memref<128xi32, #tpu.memory_space<vmem>>) semaphore(%arg12 : memref<!tpu.dma_semaphore, #tpu.memory_space<semaphore_mem>>) {add = true}
      %gt3A = arith.constant 0 : i32
      %gt3A_88 = arith.cmpi sgt, %scan3A_69, %gt3A : i32
      %convert_element_type3A = arith.extui %gt3A_88 : i1 to i32
      %cond3A = arith.constant 0 : i32
      %cond3A_89 = arith.cmpi ne, %convert_element_type3A, %cond3A : i32
      scf.if %cond3A_89 {
        %dma_wait3A_122 = arith.constant 1 : i32
        %dma_wait3A_123 = arith.constant 0 : i32
        %dma_wait3A_124 = tpu.memref_slice %arg5[%add3A_73, %dma_wait3A_122, %dma_wait3A_123] : memref<80x2x128xi32, #tpu.memory_space<vmem>> -> memref<1x1x128xi32, #tpu.memory_space<vmem>>
        %dma_wait3A_125 = tpu.memref_squeeze %dma_wait3A_124 : memref<1x1x128xi32, #tpu.memory_space<vmem>> -> memref<128xi32, #tpu.memory_space<vmem>>
        %dma_wait3A_126 = arith.constant 0 : i32
        %dma_wait3A_127 = arith.constant 0 : i32
        %dma_wait3A_128 = tpu.memref_slice %arg15[%dma_wait3A_126, %dma_wait3A_127] : memref<10112x64xf32, #tpu.memory_space<vmem_shared>> -> memref<10112x64xf32, #tpu.memory_space<vmem_shared>>
        tpu.wait_indirect_dma semaphore(%arg13 : memref<!tpu.dma_semaphore, #tpu.memory_space<semaphore_mem>>) src(%arg7 : memref<128x64xf32, #tpu.memory_space<vmem>>) dst(%dma_wait3A_128 : memref<10112x64xf32, #tpu.memory_space<vmem_shared>>)
      } else {
      }
      %dma_start3A_90 = arith.constant 0 : i32
      %dma_start3A_91 = arith.constant 0 : i32
      %dma_start3A_92 = tpu.memref_slice %arg5[%add3A_73, %dma_start3A_90, %dma_start3A_91] : memref<80x2x128xi32, #tpu.memory_space<vmem>> -> memref<1x1x128xi32, #tpu.memory_space<vmem>>
      %dma_start3A_93 = tpu.memref_squeeze %dma_start3A_92 : memref<1x1x128xi32, #tpu.memory_space<vmem>> -> memref<128xi32, #tpu.memory_space<vmem>>
      %dma_start3A_94 = arith.constant 0 : i32
      %dma_start3A_95 = arith.constant 0 : i32
      %dma_start3A_96 = tpu.memref_slice %arg14[%dma_start3A_94, %dma_start3A_95] : memref<10112x64xf32, #tpu.memory_space<vmem_shared>> -> memref<10112x64xf32, #tpu.memory_space<vmem_shared>>
      tpu.enqueue_indirect_dma source(%dma_start3A_96 : memref<10112x64xf32, #tpu.memory_space<vmem_shared>>) target(%arg7 : memref<128x64xf32, #tpu.memory_space<vmem>>) offsets(%dma_start3A_93 : memref<128xi32, #tpu.memory_space<vmem>>) semaphore(%arg11 : memref<!tpu.dma_semaphore, #tpu.memory_space<semaphore_mem>>)
      %dma_wait3A_97 = arith.constant 0 : i32
      %dma_wait3A_98 = arith.constant 0 : i32
      %dma_wait3A_99 = tpu.memref_slice %arg5[%add3A_73, %dma_wait3A_97, %dma_wait3A_98] : memref<80x2x128xi32, #tpu.memory_space<vmem>> -> memref<1x1x128xi32, #tpu.memory_space<vmem>>
      %dma_wait3A_100 = tpu.memref_squeeze %dma_wait3A_99 : memref<1x1x128xi32, #tpu.memory_space<vmem>> -> memref<128xi32, #tpu.memory_space<vmem>>
      %dma_wait3A_101 = arith.constant 0 : i32
      %dma_wait3A_102 = arith.constant 0 : i32
      %dma_wait3A_103 = tpu.memref_slice %arg14[%dma_wait3A_101, %dma_wait3A_102] : memref<10112x64xf32, #tpu.memory_space<vmem_shared>> -> memref<10112x64xf32, #tpu.memory_space<vmem_shared>>
      tpu.wait_indirect_dma semaphore(%arg11 : memref<!tpu.dma_semaphore, #tpu.memory_space<semaphore_mem>>) src(%dma_wait3A_103 : memref<10112x64xf32, #tpu.memory_space<vmem_shared>>) dst(%arg7 : memref<128x64xf32, #tpu.memory_space<vmem>>)
      %dma_start3A_104 = arith.constant 1 : i32
      %dma_start3A_105 = arith.constant 0 : i32
      %dma_start3A_106 = tpu.memref_slice %arg5[%add3A_73, %dma_start3A_104, %dma_start3A_105] : memref<80x2x128xi32, #tpu.memory_space<vmem>> -> memref<1x1x128xi32, #tpu.memory_space<vmem>>
      %dma_start3A_107 = tpu.memref_squeeze %dma_start3A_106 : memref<1x1x128xi32, #tpu.memory_space<vmem>> -> memref<128xi32, #tpu.memory_space<vmem>>
      %dma_start3A_108 = arith.constant 0 : i32
      %dma_start3A_109 = arith.constant 0 : i32
      %dma_start3A_110 = tpu.memref_slice %arg15[%dma_start3A_108, %dma_start3A_109] : memref<10112x64xf32, #tpu.memory_space<vmem_shared>> -> memref<10112x64xf32, #tpu.memory_space<vmem_shared>>
      tpu.enqueue_indirect_dma source(%arg7 : memref<128x64xf32, #tpu.memory_space<vmem>>) target(%dma_start3A_110 : memref<10112x64xf32, #tpu.memory_space<vmem_shared>>) offsets(%dma_start3A_107 : memref<128xi32, #tpu.memory_space<vmem>>) semaphore(%arg13 : memref<!tpu.dma_semaphore, #tpu.memory_space<semaphore_mem>>) {add = true}
      %dma_wait3A_111 = arith.constant 1 : i32
      %dma_wait3A_112 = arith.constant 0 : i32
      %dma_wait3A_113 = tpu.memref_slice %arg5[%mul3A_71, %dma_wait3A_111, %dma_wait3A_112] : memref<80x2x128xi32, #tpu.memory_space<vmem>> -> memref<1x1x128xi32, #tpu.memory_space<vmem>>
      %dma_wait3A_114 = tpu.memref_squeeze %dma_wait3A_113 : memref<1x1x128xi32, #tpu.memory_space<vmem>> -> memref<128xi32, #tpu.memory_space<vmem>>
      %dma_wait3A_115 = arith.constant 0 : i32
      %dma_wait3A_116 = arith.constant 0 : i32
      %dma_wait3A_117 = tpu.memref_slice %arg15[%dma_wait3A_115, %dma_wait3A_116] : memref<10112x64xf32, #tpu.memory_space<vmem_shared>> -> memref<10112x64xf32, #tpu.memory_space<vmem_shared>>
      tpu.wait_indirect_dma semaphore(%arg12 : memref<!tpu.dma_semaphore, #tpu.memory_space<semaphore_mem>>) src(%arg6 : memref<128x64xf32, #tpu.memory_space<vmem>>) dst(%dma_wait3A_117 : memref<10112x64xf32, #tpu.memory_space<vmem_shared>>)
      %lt3A = arith.constant 39 : i32
      %lt3A_118 = arith.cmpi slt, %scan3A_69, %lt3A : i32
      %convert_element_type3A_119 = arith.extui %lt3A_118 : i1 to i32
      %cond3A_120 = arith.constant 0 : i32
      %cond3A_121 = arith.cmpi ne, %convert_element_type3A_119, %cond3A_120 : i32
      scf.if %cond3A_121 {
        %add3A_122 = arith.constant 2 : i32
        %add3A_123 = arith.addi %mul3A_71, %add3A_122 : i32
        %dma_start3A_124 = arith.constant 0 : i32
        %dma_start3A_125 = arith.constant 0 : i32
        %dma_start3A_126 = tpu.memref_slice %arg5[%add3A_123, %dma_start3A_124, %dma_start3A_125] : memref<80x2x128xi32, #tpu.memory_space<vmem>> -> memref<1x1x128xi32, #tpu.memory_space<vmem>>
        %dma_start3A_127 = tpu.memref_squeeze %dma_start3A_126 : memref<1x1x128xi32, #tpu.memory_space<vmem>> -> memref<128xi32, #tpu.memory_space<vmem>>
        %dma_start3A_128 = arith.constant 0 : i32
        %dma_start3A_129 = arith.constant 0 : i32
        %dma_start3A_130 = tpu.memref_slice %arg14[%dma_start3A_128, %dma_start3A_129] : memref<10112x64xf32, #tpu.memory_space<vmem_shared>> -> memref<10112x64xf32, #tpu.memory_space<vmem_shared>>
        tpu.enqueue_indirect_dma source(%dma_start3A_130 : memref<10112x64xf32, #tpu.memory_space<vmem_shared>>) target(%arg6 : memref<128x64xf32, #tpu.memory_space<vmem>>) offsets(%dma_start3A_127 : memref<128xi32, #tpu.memory_space<vmem>>) semaphore(%arg10 : memref<!tpu.dma_semaphore, #tpu.memory_space<semaphore_mem>>)
      } else {
      }
    }
    %scan3A_55 = arith.constant 40 : i32
    %dma_wait3A_56 = arith.constant 0 : i32
    %dma_wait3A_57 = arith.constant 1 : i32
    %dma_wait3A_58 = arith.constant 0 : i32
    %dma_wait3A_59 = tpu.memref_slice %arg5[%dma_wait3A_56, %dma_wait3A_57, %dma_wait3A_58] : memref<80x2x128xi32, #tpu.memory_space<vmem>> -> memref<1x1x128xi32, #tpu.memory_space<vmem>>
    %dma_wait3A_60 = tpu.memref_squeeze %dma_wait3A_59 : memref<1x1x128xi32, #tpu.memory_space<vmem>> -> memref<128xi32, #tpu.memory_space<vmem>>
    %dma_wait3A_61 = arith.constant 0 : i32
    %dma_wait3A_62 = arith.constant 0 : i32
    %dma_wait3A_63 = tpu.memref_slice %arg15[%dma_wait3A_61, %dma_wait3A_62] : memref<10112x64xf32, #tpu.memory_space<vmem_shared>> -> memref<10112x64xf32, #tpu.memory_space<vmem_shared>>
    tpu.wait_indirect_dma semaphore(%arg13 : memref<!tpu.dma_semaphore, #tpu.memory_space<semaphore_mem>>) src(%arg7 : memref<128x64xf32, #tpu.memory_space<vmem>>) dst(%dma_wait3A_63 : memref<10112x64xf32, #tpu.memory_space<vmem_shared>>)
    %barrier3A_64 = arith.constant 0 : index
    tpu.barrier barrier_id(%barrier3A_64)
    %mul3A_65 = arith.constant 10112 : i32
    %mul3A_66 = arith.muli %arg0, %mul3A_65 : i32
    %add3A_67 = arith.addi %mul3A_66, %multiple_of3A_22 : i32
    %multiple_of3A_68 = tpu.assume_multiple %add3A_67, 8 : i32
    "tpu.region"() ({
      %run_scoped3A = tpu.sem_alloc : memref<!tpu.dma_semaphore, #tpu.memory_space<semaphore_mem>>
      %dma_start3A_69 = arith.constant 0 : i32
      %dma_start3A_70 = tpu.memref_slice %arg4[%multiple_of3A_68, %dma_start3A_69] : memref<20224x64xf32, #tpu.memory_space<hbm>> -> memref<632x64xf32, #tpu.memory_space<hbm>>
      %dma_start3A_71 = arith.constant 0 : i32
      %dma_start3A_72 = tpu.memref_slice %arg15[%multiple_of3A_22, %dma_start3A_71] : memref<10112x64xf32, #tpu.memory_space<vmem_shared>> -> memref<632x64xf32, #tpu.memory_space<vmem_shared>>
      tpu.enqueue_dma source(%dma_start3A_72 : memref<632x64xf32, #tpu.memory_space<vmem_shared>>) target(%dma_start3A_70 : memref<632x64xf32, #tpu.memory_space<hbm>>) target_semaphore(%run_scoped3A : memref<!tpu.dma_semaphore, #tpu.memory_space<semaphore_mem>>)
      %dma_wait3A_73 = arith.constant 0 : i32
      %dma_wait3A_74 = tpu.memref_slice %arg4[%multiple_of3A_68, %dma_wait3A_73] : memref<20224x64xf32, #tpu.memory_space<hbm>> -> memref<632x64xf32, #tpu.memory_space<hbm>>
      %dma_wait3A_75 = arith.constant 0 : i32
      %dma_wait3A_76 = tpu.memref_slice %arg15[%multiple_of3A_22, %dma_wait3A_75] : memref<10112x64xf32, #tpu.memory_space<vmem_shared>> -> memref<632x64xf32, #tpu.memory_space<vmem_shared>>
      tpu.wait_dma2 semaphore(%run_scoped3A : memref<!tpu.dma_semaphore, #tpu.memory_space<semaphore_mem>>) src(%dma_wait3A_76 : memref<632x64xf32, #tpu.memory_space<vmem_shared>>) dst(%dma_wait3A_74 : memref<632x64xf32, #tpu.memory_space<hbm>>)
      tpu.yield
    }) : () -> ()
    return
  }
}

#map = affine_map<(d0, d1) -> (0, 0)>
#map1 = affine_map<(d0, d1) -> (0, 0, 0)>
module attributes {stable_mosaic.version = 14 : i64} {
  func.func @seg(%arg0: i32, %arg1: i32, %arg2: memref<10112x64xf32, #tpu.memory_space<hbm>>, %arg3: memref<320x2x128xi32, #tpu.memory_space<hbm>>, %arg4: memref<10240x64xf32, #tpu.memory_space<hbm>>, %arg5: memref<10x2x128xi32, #tpu.memory_space<vmem>>, %arg6: memref<128x64xf32, #tpu.memory_space<vmem>>, %arg7: memref<128x64xf32, #tpu.memory_space<vmem>>, %arg8: memref<!tpu.dma_semaphore, #tpu.memory_space<semaphore_mem>>, %arg9: memref<!tpu.dma_semaphore, #tpu.memory_space<semaphore_mem>>, %arg10: memref<!tpu.dma_semaphore, #tpu.memory_space<semaphore_mem>>, %arg11: memref<!tpu.dma_semaphore, #tpu.memory_space<semaphore_mem>>, %arg12: memref<!tpu.dma_semaphore, #tpu.memory_space<semaphore_mem>>, %arg13: memref<!tpu.dma_semaphore, #tpu.memory_space<semaphore_mem>>, %arg14: memref<10112x64xf32, #tpu.memory_space<vmem_shared>>, %arg15: memref<5120x64xf32, #tpu.memory_space<vmem_shared>>) attributes {dimension_semantics = [#tpu.dimension_semantics<core_parallel>, #tpu.dimension_semantics<subcore_parallel>], iteration_bounds = array<i64: 2, 16>, scalar_prefetch = 0 : i64, scratch_operands = 11 : i64, tpu.core_type = #tpu.core_type<sc_vector_subcore>, window_params = [{transform_indices = #map}, {transform_indices = #map1}, {transform_indices = #map}]} {
    %mul3A = arith.constant 16 : i32
    %mul3A_0 = arith.muli %arg0, %mul3A : i32
    %add3A = arith.addi %mul3A_0, %arg1 : i32
    %mul3A_1 = arith.constant 10 : i32
    %mul3A_2 = arith.muli %add3A, %mul3A_1 : i32
    %dma_start3A = arith.constant 0 : i32
    %dma_start3A_3 = arith.constant 0 : i32
    %dma_start3A_4 = tpu.memref_slice %arg3[%mul3A_2, %dma_start3A, %dma_start3A_3] : memref<320x2x128xi32, #tpu.memory_space<hbm>> -> memref<10x2x128xi32, #tpu.memory_space<hbm>>
    %dma_start3A_5 = arith.constant 0 : i32
    %dma_start3A_6 = arith.constant 0 : i32
    %dma_start3A_7 = tpu.memref_slice %arg3[%mul3A_2, %dma_start3A_5, %dma_start3A_6] : memref<320x2x128xi32, #tpu.memory_space<hbm>> -> memref<10x2x128xi32, #tpu.memory_space<hbm>>
    tpu.enqueue_dma source(%dma_start3A_7 : memref<10x2x128xi32, #tpu.memory_space<hbm>>) target(%arg5 : memref<10x2x128xi32, #tpu.memory_space<vmem>>) target_semaphore(%arg8 : memref<!tpu.dma_semaphore, #tpu.memory_space<semaphore_mem>>)
    %mul3A_8 = arith.constant 632 : i32
    %mul3A_9 = arith.muli %arg1, %mul3A_8 : i32
    %multiple_of3A = tpu.assume_multiple %mul3A_9, 8 : i32
    %dma_start3A_10 = arith.constant 0 : i32
    %dma_start3A_11 = tpu.memref_slice %arg14[%multiple_of3A, %dma_start3A_10] : memref<10112x64xf32, #tpu.memory_space<vmem_shared>> -> memref<632x64xf32, #tpu.memory_space<vmem_shared>>
    %dma_start3A_12 = arith.constant 0 : i32
    %dma_start3A_13 = tpu.memref_slice %arg2[%multiple_of3A, %dma_start3A_12] : memref<10112x64xf32, #tpu.memory_space<hbm>> -> memref<632x64xf32, #tpu.memory_space<hbm>>
    tpu.enqueue_dma source(%dma_start3A_13 : memref<632x64xf32, #tpu.memory_space<hbm>>) target(%dma_start3A_11 : memref<632x64xf32, #tpu.memory_space<vmem_shared>>) target_semaphore(%arg9 : memref<!tpu.dma_semaphore, #tpu.memory_space<semaphore_mem>>)
    %broadcast_in_dim3A = arith.constant 0.000000e+00 : f32
    %broadcast_in_dim3A_14 = vector.broadcast %broadcast_in_dim3A : f32 to vector<16xf32>
    %scan3A = arith.constant 0 : i32
    %scan3A_15 = arith.constant 0 : i32
    %scan3A_16 = arith.constant 128 : i32
    %scan3A_17 = arith.addi %scan3A_15, %scan3A_16 : i32
    %scan3A_18 = arith.constant 1 : i32
    scf.for %scan3A_65 = %scan3A_15 to %scan3A_17 step %scan3A_18  : i32 {
      %swap3A = arith.index_cast %scan3A_65 : i32 to index
      %swap3A_66 = arith.constant 0 : index
      %swap3A_67 = tpu.vector_load %arg6[%swap3A, %swap3A_66] {strides = array<i32>} : memref<128x64xf32, #tpu.memory_space<vmem>>, vector<1x16xf32>,
      %swap3A_68 = vector.shape_cast %swap3A_67 : vector<1x16xf32> to vector<16xf32>
      %swap3A_69 = vector.shape_cast %broadcast_in_dim3A_14 : vector<16xf32> to vector<1x16xf32>
      tpu.vector_store %arg6[%swap3A, %swap3A_66], %swap3A_69 {strides = array<i32>} : memref<128x64xf32, #tpu.memory_space<vmem>>, vector<1x16xf32>,
      %swap3A_70 = arith.index_cast %scan3A_65 : i32 to index
      %swap3A_71 = arith.constant 16 : index
      %swap3A_72 = tpu.vector_load %arg6[%swap3A_70, %swap3A_71] {strides = array<i32>} : memref<128x64xf32, #tpu.memory_space<vmem>>, vector<1x16xf32>,
      %swap3A_73 = vector.shape_cast %swap3A_72 : vector<1x16xf32> to vector<16xf32>
      %swap3A_74 = vector.shape_cast %broadcast_in_dim3A_14 : vector<16xf32> to vector<1x16xf32>
      tpu.vector_store %arg6[%swap3A_70, %swap3A_71], %swap3A_74 {strides = array<i32>} : memref<128x64xf32, #tpu.memory_space<vmem>>, vector<1x16xf32>,
      %swap3A_75 = arith.index_cast %scan3A_65 : i32 to index
      %swap3A_76 = arith.constant 32 : index
      %swap3A_77 = tpu.vector_load %arg6[%swap3A_75, %swap3A_76] {strides = array<i32>} : memref<128x64xf32, #tpu.memory_space<vmem>>, vector<1x16xf32>,
      %swap3A_78 = vector.shape_cast %swap3A_77 : vector<1x16xf32> to vector<16xf32>
      %swap3A_79 = vector.shape_cast %broadcast_in_dim3A_14 : vector<16xf32> to vector<1x16xf32>
      tpu.vector_store %arg6[%swap3A_75, %swap3A_76], %swap3A_79 {strides = array<i32>} : memref<128x64xf32, #tpu.memory_space<vmem>>, vector<1x16xf32>,
      %swap3A_80 = arith.index_cast %scan3A_65 : i32 to index
      %swap3A_81 = arith.constant 48 : index
      %swap3A_82 = tpu.vector_load %arg6[%swap3A_80, %swap3A_81] {strides = array<i32>} : memref<128x64xf32, #tpu.memory_space<vmem>>, vector<1x16xf32>,
      %swap3A_83 = vector.shape_cast %swap3A_82 : vector<1x16xf32> to vector<16xf32>
      %swap3A_84 = vector.shape_cast %broadcast_in_dim3A_14 : vector<16xf32> to vector<1x16xf32>
      tpu.vector_store %arg6[%swap3A_80, %swap3A_81], %swap3A_84 {strides = array<i32>} : memref<128x64xf32, #tpu.memory_space<vmem>>, vector<1x16xf32>,
    }
    %scan3A_19 = arith.constant 128 : i32
    %mul3A_20 = arith.constant 320 : i32
    %mul3A_21 = arith.muli %arg1, %mul3A_20 : i32
    %multiple_of3A_22 = tpu.assume_multiple %mul3A_21, 8 : i32
    %add3A_23 = arith.constant 0 : i32
    %add3A_24 = arith.addi %multiple_of3A_22, %add3A_23 : i32
    "tpu.region"() ({
      %run_scoped3A = tpu.sem_alloc : memref<!tpu.dma_semaphore, #tpu.memory_space<semaphore_mem>>
      %dma_start3A_65 = arith.constant 0 : i32
      %dma_start3A_66 = tpu.memref_slice %arg15[%add3A_24, %dma_start3A_65] : memref<5120x64xf32, #tpu.memory_space<vmem_shared>> -> memref<128x64xf32, #tpu.memory_space<vmem_shared>>
      %dma_start3A_67 = arith.constant 0 : i32
      %dma_start3A_68 = tpu.memref_slice %arg15[%add3A_24, %dma_start3A_67] : memref<5120x64xf32, #tpu.memory_space<vmem_shared>> -> memref<128x64xf32, #tpu.memory_space<vmem_shared>>
      tpu.enqueue_dma source(%arg6 : memref<128x64xf32, #tpu.memory_space<vmem>>) target(%dma_start3A_68 : memref<128x64xf32, #tpu.memory_space<vmem_shared>>) target_semaphore(%run_scoped3A : memref<!tpu.dma_semaphore, #tpu.memory_space<semaphore_mem>>)
      %dma_wait3A_69 = arith.constant 0 : i32
      %dma_wait3A_70 = tpu.memref_slice %arg15[%add3A_24, %dma_wait3A_69] : memref<5120x64xf32, #tpu.memory_space<vmem_shared>> -> memref<128x64xf32, #tpu.memory_space<vmem_shared>>
      %dma_wait3A_71 = arith.constant 0 : i32
      %dma_wait3A_72 = tpu.memref_slice %arg15[%add3A_24, %dma_wait3A_71] : memref<5120x64xf32, #tpu.memory_space<vmem_shared>> -> memref<128x64xf32, #tpu.memory_space<vmem_shared>>
      tpu.wait_dma2 semaphore(%run_scoped3A : memref<!tpu.dma_semaphore, #tpu.memory_space<semaphore_mem>>) src(%arg6 : memref<128x64xf32, #tpu.memory_space<vmem>>) dst(%dma_wait3A_72 : memref<128x64xf32, #tpu.memory_space<vmem_shared>>)
      tpu.yield
    }) : () -> ()
    %add3A_25 = arith.constant 128 : i32
    %add3A_26 = arith.addi %multiple_of3A_22, %add3A_25 : i32
    "tpu.region"() ({
      %run_scoped3A = tpu.sem_alloc : memref<!tpu.dma_semaphore, #tpu.memory_space<semaphore_mem>>
      %dma_start3A_65 = arith.constant 0 : i32
      %dma_start3A_66 = tpu.memref_slice %arg15[%add3A_26, %dma_start3A_65] : memref<5120x64xf32, #tpu.memory_space<vmem_shared>> -> memref<128x64xf32, #tpu.memory_space<vmem_shared>>
      %dma_start3A_67 = arith.constant 0 : i32
      %dma_start3A_68 = tpu.memref_slice %arg15[%add3A_26, %dma_start3A_67] : memref<5120x64xf32, #tpu.memory_space<vmem_shared>> -> memref<128x64xf32, #tpu.memory_space<vmem_shared>>
      tpu.enqueue_dma source(%arg6 : memref<128x64xf32, #tpu.memory_space<vmem>>) target(%dma_start3A_68 : memref<128x64xf32, #tpu.memory_space<vmem_shared>>) target_semaphore(%run_scoped3A : memref<!tpu.dma_semaphore, #tpu.memory_space<semaphore_mem>>)
      %dma_wait3A_69 = arith.constant 0 : i32
      %dma_wait3A_70 = tpu.memref_slice %arg15[%add3A_26, %dma_wait3A_69] : memref<5120x64xf32, #tpu.memory_space<vmem_shared>> -> memref<128x64xf32, #tpu.memory_space<vmem_shared>>
      %dma_wait3A_71 = arith.constant 0 : i32
      %dma_wait3A_72 = tpu.memref_slice %arg15[%add3A_26, %dma_wait3A_71] : memref<5120x64xf32, #tpu.memory_space<vmem_shared>> -> memref<128x64xf32, #tpu.memory_space<vmem_shared>>
      tpu.wait_dma2 semaphore(%run_scoped3A : memref<!tpu.dma_semaphore, #tpu.memory_space<semaphore_mem>>) src(%arg6 : memref<128x64xf32, #tpu.memory_space<vmem>>) dst(%dma_wait3A_72 : memref<128x64xf32, #tpu.memory_space<vmem_shared>>)
      tpu.yield
    }) : () -> ()
    %add3A_27 = arith.constant 256 : i32
    %add3A_28 = arith.addi %multiple_of3A_22, %add3A_27 : i32
    "tpu.region"() ({
      %run_scoped3A = tpu.sem_alloc : memref<!tpu.dma_semaphore, #tpu.memory_space<semaphore_mem>>
      %dma_start3A_65 = arith.constant 0 : i32
      %dma_start3A_66 = arith.constant 0 : i32
      %dma_start3A_67 = tpu.memref_slice %arg6[%dma_start3A_65, %dma_start3A_66] : memref<128x64xf32, #tpu.memory_space<vmem>> -> memref<64x64xf32, #tpu.memory_space<vmem>>
      %dma_start3A_68 = arith.constant 0 : i32
      %dma_start3A_69 = tpu.memref_slice %arg15[%add3A_28, %dma_start3A_68] : memref<5120x64xf32, #tpu.memory_space<vmem_shared>> -> memref<64x64xf32, #tpu.memory_space<vmem_shared>>
      %dma_start3A_70 = arith.constant 0 : i32
      %dma_start3A_71 = tpu.memref_slice %arg15[%add3A_28, %dma_start3A_70] : memref<5120x64xf32, #tpu.memory_space<vmem_shared>> -> memref<64x64xf32, #tpu.memory_space<vmem_shared>>
      %dma_start3A_72 = arith.constant 0 : i32
      %dma_start3A_73 = arith.constant 0 : i32
      %dma_start3A_74 = tpu.memref_slice %arg6[%dma_start3A_72, %dma_start3A_73] : memref<128x64xf32, #tpu.memory_space<vmem>> -> memref<64x64xf32, #tpu.memory_space<vmem>>
      tpu.enqueue_dma source(%dma_start3A_74 : memref<64x64xf32, #tpu.memory_space<vmem>>) target(%dma_start3A_71 : memref<64x64xf32, #tpu.memory_space<vmem_shared>>) target_semaphore(%run_scoped3A : memref<!tpu.dma_semaphore, #tpu.memory_space<semaphore_mem>>)
      %dma_wait3A_75 = arith.constant 0 : i32
      %dma_wait3A_76 = arith.constant 0 : i32
      %dma_wait3A_77 = tpu.memref_slice %arg6[%dma_wait3A_75, %dma_wait3A_76] : memref<128x64xf32, #tpu.memory_space<vmem>> -> memref<64x64xf32, #tpu.memory_space<vmem>>
      %dma_wait3A_78 = arith.constant 0 : i32
      %dma_wait3A_79 = tpu.memref_slice %arg15[%add3A_28, %dma_wait3A_78] : memref<5120x64xf32, #tpu.memory_space<vmem_shared>> -> memref<64x64xf32, #tpu.memory_space<vmem_shared>>
      %dma_wait3A_80 = arith.constant 0 : i32
      %dma_wait3A_81 = tpu.memref_slice %arg15[%add3A_28, %dma_wait3A_80] : memref<5120x64xf32, #tpu.memory_space<vmem_shared>> -> memref<64x64xf32, #tpu.memory_space<vmem_shared>>
      %dma_wait3A_82 = arith.constant 0 : i32
      %dma_wait3A_83 = arith.constant 0 : i32
      %dma_wait3A_84 = tpu.memref_slice %arg6[%dma_wait3A_82, %dma_wait3A_83] : memref<128x64xf32, #tpu.memory_space<vmem>> -> memref<64x64xf32, #tpu.memory_space<vmem>>
      tpu.wait_dma2 semaphore(%run_scoped3A : memref<!tpu.dma_semaphore, #tpu.memory_space<semaphore_mem>>) src(%dma_wait3A_84 : memref<64x64xf32, #tpu.memory_space<vmem>>) dst(%dma_wait3A_81 : memref<64x64xf32, #tpu.memory_space<vmem_shared>>)
      tpu.yield
    }) : () -> ()
    %dma_wait3A = arith.constant 0 : i32
    %dma_wait3A_29 = arith.constant 0 : i32
    %dma_wait3A_30 = tpu.memref_slice %arg3[%mul3A_2, %dma_wait3A, %dma_wait3A_29] : memref<320x2x128xi32, #tpu.memory_space<hbm>> -> memref<10x2x128xi32, #tpu.memory_space<hbm>>
    %dma_wait3A_31 = arith.constant 0 : i32
    %dma_wait3A_32 = arith.constant 0 : i32
    %dma_wait3A_33 = tpu.memref_slice %arg3[%mul3A_2, %dma_wait3A_31, %dma_wait3A_32] : memref<320x2x128xi32, #tpu.memory_space<hbm>> -> memref<10x2x128xi32, #tpu.memory_space<hbm>>
    tpu.wait_dma2 semaphore(%arg8 : memref<!tpu.dma_semaphore, #tpu.memory_space<semaphore_mem>>) src(%dma_wait3A_33 : memref<10x2x128xi32, #tpu.memory_space<hbm>>) dst(%arg5 : memref<10x2x128xi32, #tpu.memory_space<vmem>>)
    %dma_wait3A_34 = arith.constant 0 : i32
    %dma_wait3A_35 = tpu.memref_slice %arg14[%multiple_of3A, %dma_wait3A_34] : memref<10112x64xf32, #tpu.memory_space<vmem_shared>> -> memref<632x64xf32, #tpu.memory_space<vmem_shared>>
    %dma_wait3A_36 = arith.constant 0 : i32
    %dma_wait3A_37 = tpu.memref_slice %arg2[%multiple_of3A, %dma_wait3A_36] : memref<10112x64xf32, #tpu.memory_space<hbm>> -> memref<632x64xf32, #tpu.memory_space<hbm>>
    tpu.wait_dma2 semaphore(%arg9 : memref<!tpu.dma_semaphore, #tpu.memory_space<semaphore_mem>>) src(%dma_wait3A_37 : memref<632x64xf32, #tpu.memory_space<hbm>>) dst(%dma_wait3A_35 : memref<632x64xf32, #tpu.memory_space<vmem_shared>>)
    %barrier3A = arith.constant 0 : index
    tpu.barrier barrier_id(%barrier3A)
    %dma_start3A_38 = arith.constant 0 : i32
    %dma_start3A_39 = arith.constant 0 : i32
    %dma_start3A_40 = arith.constant 0 : i32
    %dma_start3A_41 = tpu.memref_slice %arg5[%dma_start3A_38, %dma_start3A_39, %dma_start3A_40] : memref<10x2x128xi32, #tpu.memory_space<vmem>> -> memref<1x1x128xi32, #tpu.memory_space<vmem>>
    %dma_start3A_42 = tpu.memref_squeeze %dma_start3A_41 : memref<1x1x128xi32, #tpu.memory_space<vmem>> -> memref<128xi32, #tpu.memory_space<vmem>>
    %dma_start3A_43 = arith.constant 0 : i32
    %dma_start3A_44 = arith.constant 0 : i32
    %dma_start3A_45 = tpu.memref_slice %arg14[%dma_start3A_43, %dma_start3A_44] : memref<10112x64xf32, #tpu.memory_space<vmem_shared>> -> memref<10112x64xf32, #tpu.memory_space<vmem_shared>>
    tpu.enqueue_indirect_dma source(%dma_start3A_45 : memref<10112x64xf32, #tpu.memory_space<vmem_shared>>) target(%arg6 : memref<128x64xf32, #tpu.memory_space<vmem>>) offsets(%dma_start3A_42 : memref<128xi32, #tpu.memory_space<vmem>>) semaphore(%arg10 : memref<!tpu.dma_semaphore, #tpu.memory_space<semaphore_mem>>)
    %scan3A_46 = arith.constant 0 : i32
    %scan3A_47 = arith.constant 0 : i32
    %scan3A_48 = arith.constant 5 : i32
    %scan3A_49 = arith.addi %scan3A_47, %scan3A_48 : i32
    %scan3A_50 = arith.constant 1 : i32
    scf.for %scan3A_65 = %scan3A_47 to %scan3A_49 step %scan3A_50  : i32 {
      %mul3A_66 = arith.constant 2 : i32
      %mul3A_67 = arith.muli %mul3A_66, %scan3A_65 : i32
      %add3A_68 = arith.constant 1 : i32
      %add3A_69 = arith.addi %mul3A_67, %add3A_68 : i32
      %dma_wait3A_70 = arith.constant 0 : i32
      %dma_wait3A_71 = arith.constant 0 : i32
      %dma_wait3A_72 = tpu.memref_slice %arg5[%mul3A_67, %dma_wait3A_70, %dma_wait3A_71] : memref<10x2x128xi32, #tpu.memory_space<vmem>> -> memref<1x1x128xi32, #tpu.memory_space<vmem>>
      %dma_wait3A_73 = tpu.memref_squeeze %dma_wait3A_72 : memref<1x1x128xi32, #tpu.memory_space<vmem>> -> memref<128xi32, #tpu.memory_space<vmem>>
      %dma_wait3A_74 = arith.constant 0 : i32
      %dma_wait3A_75 = arith.constant 0 : i32
      %dma_wait3A_76 = tpu.memref_slice %arg14[%dma_wait3A_74, %dma_wait3A_75] : memref<10112x64xf32, #tpu.memory_space<vmem_shared>> -> memref<10112x64xf32, #tpu.memory_space<vmem_shared>>
      tpu.wait_indirect_dma semaphore(%arg10 : memref<!tpu.dma_semaphore, #tpu.memory_space<semaphore_mem>>) src(%dma_wait3A_76 : memref<10112x64xf32, #tpu.memory_space<vmem_shared>>) dst(%arg6 : memref<128x64xf32, #tpu.memory_space<vmem>>)
      %dma_start3A_77 = arith.constant 1 : i32
      %dma_start3A_78 = arith.constant 0 : i32
      %dma_start3A_79 = tpu.memref_slice %arg5[%mul3A_67, %dma_start3A_77, %dma_start3A_78] : memref<10x2x128xi32, #tpu.memory_space<vmem>> -> memref<1x1x128xi32, #tpu.memory_space<vmem>>
      %dma_start3A_80 = tpu.memref_squeeze %dma_start3A_79 : memref<1x1x128xi32, #tpu.memory_space<vmem>> -> memref<128xi32, #tpu.memory_space<vmem>>
      %dma_start3A_81 = arith.constant 0 : i32
      %dma_start3A_82 = arith.constant 0 : i32
      %dma_start3A_83 = tpu.memref_slice %arg15[%dma_start3A_81, %dma_start3A_82] : memref<5120x64xf32, #tpu.memory_space<vmem_shared>> -> memref<5120x64xf32, #tpu.memory_space<vmem_shared>>
      tpu.enqueue_indirect_dma source(%arg6 : memref<128x64xf32, #tpu.memory_space<vmem>>) target(%dma_start3A_83 : memref<5120x64xf32, #tpu.memory_space<vmem_shared>>) offsets(%dma_start3A_80 : memref<128xi32, #tpu.memory_space<vmem>>) semaphore(%arg12 : memref<!tpu.dma_semaphore, #tpu.memory_space<semaphore_mem>>) {add = true}
      %gt3A = arith.constant 0 : i32
      %gt3A_84 = arith.cmpi sgt, %scan3A_65, %gt3A : i32
      %convert_element_type3A = arith.extui %gt3A_84 : i1 to i32
      %cond3A = arith.constant 0 : i32
      %cond3A_85 = arith.cmpi ne, %convert_element_type3A, %cond3A : i32
      scf.if %cond3A_85 {
        %dma_wait3A_118 = arith.constant 1 : i32
        %dma_wait3A_119 = arith.constant 0 : i32
        %dma_wait3A_120 = tpu.memref_slice %arg5[%add3A_69, %dma_wait3A_118, %dma_wait3A_119] : memref<10x2x128xi32, #tpu.memory_space<vmem>> -> memref<1x1x128xi32, #tpu.memory_space<vmem>>
        %dma_wait3A_121 = tpu.memref_squeeze %dma_wait3A_120 : memref<1x1x128xi32, #tpu.memory_space<vmem>> -> memref<128xi32, #tpu.memory_space<vmem>>
        %dma_wait3A_122 = arith.constant 0 : i32
        %dma_wait3A_123 = arith.constant 0 : i32
        %dma_wait3A_124 = tpu.memref_slice %arg15[%dma_wait3A_122, %dma_wait3A_123] : memref<5120x64xf32, #tpu.memory_space<vmem_shared>> -> memref<5120x64xf32, #tpu.memory_space<vmem_shared>>
        tpu.wait_indirect_dma semaphore(%arg13 : memref<!tpu.dma_semaphore, #tpu.memory_space<semaphore_mem>>) src(%arg7 : memref<128x64xf32, #tpu.memory_space<vmem>>) dst(%dma_wait3A_124 : memref<5120x64xf32, #tpu.memory_space<vmem_shared>>)
      } else {
      }
      %dma_start3A_86 = arith.constant 0 : i32
      %dma_start3A_87 = arith.constant 0 : i32
      %dma_start3A_88 = tpu.memref_slice %arg5[%add3A_69, %dma_start3A_86, %dma_start3A_87] : memref<10x2x128xi32, #tpu.memory_space<vmem>> -> memref<1x1x128xi32, #tpu.memory_space<vmem>>
      %dma_start3A_89 = tpu.memref_squeeze %dma_start3A_88 : memref<1x1x128xi32, #tpu.memory_space<vmem>> -> memref<128xi32, #tpu.memory_space<vmem>>
      %dma_start3A_90 = arith.constant 0 : i32
      %dma_start3A_91 = arith.constant 0 : i32
      %dma_start3A_92 = tpu.memref_slice %arg14[%dma_start3A_90, %dma_start3A_91] : memref<10112x64xf32, #tpu.memory_space<vmem_shared>> -> memref<10112x64xf32, #tpu.memory_space<vmem_shared>>
      tpu.enqueue_indirect_dma source(%dma_start3A_92 : memref<10112x64xf32, #tpu.memory_space<vmem_shared>>) target(%arg7 : memref<128x64xf32, #tpu.memory_space<vmem>>) offsets(%dma_start3A_89 : memref<128xi32, #tpu.memory_space<vmem>>) semaphore(%arg11 : memref<!tpu.dma_semaphore, #tpu.memory_space<semaphore_mem>>)
      %dma_wait3A_93 = arith.constant 0 : i32
      %dma_wait3A_94 = arith.constant 0 : i32
      %dma_wait3A_95 = tpu.memref_slice %arg5[%add3A_69, %dma_wait3A_93, %dma_wait3A_94] : memref<10x2x128xi32, #tpu.memory_space<vmem>> -> memref<1x1x128xi32, #tpu.memory_space<vmem>>
      %dma_wait3A_96 = tpu.memref_squeeze %dma_wait3A_95 : memref<1x1x128xi32, #tpu.memory_space<vmem>> -> memref<128xi32, #tpu.memory_space<vmem>>
      %dma_wait3A_97 = arith.constant 0 : i32
      %dma_wait3A_98 = arith.constant 0 : i32
      %dma_wait3A_99 = tpu.memref_slice %arg14[%dma_wait3A_97, %dma_wait3A_98] : memref<10112x64xf32, #tpu.memory_space<vmem_shared>> -> memref<10112x64xf32, #tpu.memory_space<vmem_shared>>
      tpu.wait_indirect_dma semaphore(%arg11 : memref<!tpu.dma_semaphore, #tpu.memory_space<semaphore_mem>>) src(%dma_wait3A_99 : memref<10112x64xf32, #tpu.memory_space<vmem_shared>>) dst(%arg7 : memref<128x64xf32, #tpu.memory_space<vmem>>)
      %dma_start3A_100 = arith.constant 1 : i32
      %dma_start3A_101 = arith.constant 0 : i32
      %dma_start3A_102 = tpu.memref_slice %arg5[%add3A_69, %dma_start3A_100, %dma_start3A_101] : memref<10x2x128xi32, #tpu.memory_space<vmem>> -> memref<1x1x128xi32, #tpu.memory_space<vmem>>
      %dma_start3A_103 = tpu.memref_squeeze %dma_start3A_102 : memref<1x1x128xi32, #tpu.memory_space<vmem>> -> memref<128xi32, #tpu.memory_space<vmem>>
      %dma_start3A_104 = arith.constant 0 : i32
      %dma_start3A_105 = arith.constant 0 : i32
      %dma_start3A_106 = tpu.memref_slice %arg15[%dma_start3A_104, %dma_start3A_105] : memref<5120x64xf32, #tpu.memory_space<vmem_shared>> -> memref<5120x64xf32, #tpu.memory_space<vmem_shared>>
      tpu.enqueue_indirect_dma source(%arg7 : memref<128x64xf32, #tpu.memory_space<vmem>>) target(%dma_start3A_106 : memref<5120x64xf32, #tpu.memory_space<vmem_shared>>) offsets(%dma_start3A_103 : memref<128xi32, #tpu.memory_space<vmem>>) semaphore(%arg13 : memref<!tpu.dma_semaphore, #tpu.memory_space<semaphore_mem>>) {add = true}
      %dma_wait3A_107 = arith.constant 1 : i32
      %dma_wait3A_108 = arith.constant 0 : i32
      %dma_wait3A_109 = tpu.memref_slice %arg5[%mul3A_67, %dma_wait3A_107, %dma_wait3A_108] : memref<10x2x128xi32, #tpu.memory_space<vmem>> -> memref<1x1x128xi32, #tpu.memory_space<vmem>>
      %dma_wait3A_110 = tpu.memref_squeeze %dma_wait3A_109 : memref<1x1x128xi32, #tpu.memory_space<vmem>> -> memref<128xi32, #tpu.memory_space<vmem>>
      %dma_wait3A_111 = arith.constant 0 : i32
      %dma_wait3A_112 = arith.constant 0 : i32
      %dma_wait3A_113 = tpu.memref_slice %arg15[%dma_wait3A_111, %dma_wait3A_112] : memref<5120x64xf32, #tpu.memory_space<vmem_shared>> -> memref<5120x64xf32, #tpu.memory_space<vmem_shared>>
      tpu.wait_indirect_dma semaphore(%arg12 : memref<!tpu.dma_semaphore, #tpu.memory_space<semaphore_mem>>) src(%arg6 : memref<128x64xf32, #tpu.memory_space<vmem>>) dst(%dma_wait3A_113 : memref<5120x64xf32, #tpu.memory_space<vmem_shared>>)
      %lt3A = arith.constant 4 : i32
      %lt3A_114 = arith.cmpi slt, %scan3A_65, %lt3A : i32
      %convert_element_type3A_115 = arith.extui %lt3A_114 : i1 to i32
      %cond3A_116 = arith.constant 0 : i32
      %cond3A_117 = arith.cmpi ne, %convert_element_type3A_115, %cond3A_116 : i32
      scf.if %cond3A_117 {
        %add3A_118 = arith.constant 2 : i32
        %add3A_119 = arith.addi %mul3A_67, %add3A_118 : i32
        %dma_start3A_120 = arith.constant 0 : i32
        %dma_start3A_121 = arith.constant 0 : i32
        %dma_start3A_122 = tpu.memref_slice %arg5[%add3A_119, %dma_start3A_120, %dma_start3A_121] : memref<10x2x128xi32, #tpu.memory_space<vmem>> -> memref<1x1x128xi32, #tpu.memory_space<vmem>>
        %dma_start3A_123 = tpu.memref_squeeze %dma_start3A_122 : memref<1x1x128xi32, #tpu.memory_space<vmem>> -> memref<128xi32, #tpu.memory_space<vmem>>
        %dma_start3A_124 = arith.constant 0 : i32
        %dma_start3A_125 = arith.constant 0 : i32
        %dma_start3A_126 = tpu.memref_slice %arg14[%dma_start3A_124, %dma_start3A_125] : memref<10112x64xf32, #tpu.memory_space<vmem_shared>> -> memref<10112x64xf32, #tpu.memory_space<vmem_shared>>
        tpu.enqueue_indirect_dma source(%dma_start3A_126 : memref<10112x64xf32, #tpu.memory_space<vmem_shared>>) target(%arg6 : memref<128x64xf32, #tpu.memory_space<vmem>>) offsets(%dma_start3A_123 : memref<128xi32, #tpu.memory_space<vmem>>) semaphore(%arg10 : memref<!tpu.dma_semaphore, #tpu.memory_space<semaphore_mem>>)
      } else {
      }
    }
    %scan3A_51 = arith.constant 5 : i32
    %dma_wait3A_52 = arith.constant 0 : i32
    %dma_wait3A_53 = arith.constant 1 : i32
    %dma_wait3A_54 = arith.constant 0 : i32
    %dma_wait3A_55 = tpu.memref_slice %arg5[%dma_wait3A_52, %dma_wait3A_53, %dma_wait3A_54] : memref<10x2x128xi32, #tpu.memory_space<vmem>> -> memref<1x1x128xi32, #tpu.memory_space<vmem>>
    %dma_wait3A_56 = tpu.memref_squeeze %dma_wait3A_55 : memref<1x1x128xi32, #tpu.memory_space<vmem>> -> memref<128xi32, #tpu.memory_space<vmem>>
    %dma_wait3A_57 = arith.constant 0 : i32
    %dma_wait3A_58 = arith.constant 0 : i32
    %dma_wait3A_59 = tpu.memref_slice %arg15[%dma_wait3A_57, %dma_wait3A_58] : memref<5120x64xf32, #tpu.memory_space<vmem_shared>> -> memref<5120x64xf32, #tpu.memory_space<vmem_shared>>
    tpu.wait_indirect_dma semaphore(%arg13 : memref<!tpu.dma_semaphore, #tpu.memory_space<semaphore_mem>>) src(%arg7 : memref<128x64xf32, #tpu.memory_space<vmem>>) dst(%dma_wait3A_59 : memref<5120x64xf32, #tpu.memory_space<vmem_shared>>)
    %barrier3A_60 = arith.constant 0 : index
    tpu.barrier barrier_id(%barrier3A_60)
    %mul3A_61 = arith.constant 5120 : i32
    %mul3A_62 = arith.muli %arg0, %mul3A_61 : i32
    %add3A_63 = arith.addi %mul3A_62, %multiple_of3A_22 : i32
    %multiple_of3A_64 = tpu.assume_multiple %add3A_63, 8 : i32
    "tpu.region"() ({
      %run_scoped3A = tpu.sem_alloc : memref<!tpu.dma_semaphore, #tpu.memory_space<semaphore_mem>>
      %dma_start3A_65 = arith.constant 0 : i32
      %dma_start3A_66 = tpu.memref_slice %arg4[%multiple_of3A_64, %dma_start3A_65] : memref<10240x64xf32, #tpu.memory_space<hbm>> -> memref<320x64xf32, #tpu.memory_space<hbm>>
      %dma_start3A_67 = arith.constant 0 : i32
      %dma_start3A_68 = tpu.memref_slice %arg15[%multiple_of3A_22, %dma_start3A_67] : memref<5120x64xf32, #tpu.memory_space<vmem_shared>> -> memref<320x64xf32, #tpu.memory_space<vmem_shared>>
      tpu.enqueue_dma source(%dma_start3A_68 : memref<320x64xf32, #tpu.memory_space<vmem_shared>>) target(%dma_start3A_66 : memref<320x64xf32, #tpu.memory_space<hbm>>) target_semaphore(%run_scoped3A : memref<!tpu.dma_semaphore, #tpu.memory_space<semaphore_mem>>)
      %dma_wait3A_69 = arith.constant 0 : i32
      %dma_wait3A_70 = tpu.memref_slice %arg4[%multiple_of3A_64, %dma_wait3A_69] : memref<10240x64xf32, #tpu.memory_space<hbm>> -> memref<320x64xf32, #tpu.memory_space<hbm>>
      %dma_wait3A_71 = arith.constant 0 : i32
      %dma_wait3A_72 = tpu.memref_slice %arg15[%multiple_of3A_22, %dma_wait3A_71] : memref<5120x64xf32, #tpu.memory_space<vmem_shared>> -> memref<320x64xf32, #tpu.memory_space<vmem_shared>>
      tpu.wait_dma2 semaphore(%run_scoped3A : memref<!tpu.dma_semaphore, #tpu.memory_space<semaphore_mem>>) src(%dma_wait3A_72 : memref<320x64xf32, #tpu.memory_space<vmem_shared>>) dst(%dma_wait3A_70 : memref<320x64xf32, #tpu.memory_space<hbm>>)
      tpu.yield
    }) : () -> ()
    return
  }
}

module attributes {stable_mosaic.version = 14 : i64} {
  func.func @body(%arg0: i32, %arg1: memref<632x128xf32, #tpu.memory_space<vmem>>, %arg2: memref<632x64xf32, #tpu.memory_space<vmem>>, %arg3: memref<632x64xf32, #tpu.memory_space<vmem>>, %arg4: memref<128x64xf32, #tpu.memory_space<vmem>>, %arg5: memref<128x64xf32, #tpu.memory_space<vmem>>, %arg6: memref<1x64xf32, #tpu.memory_space<vmem>>, %arg7: memref<632x64xf32, #tpu.memory_space<vmem>>) attributes {dimension_semantics = [#tpu.dimension_semantics<arbitrary>], iteration_bounds = array<i64: 16>, scalar_prefetch = 0 : i64, scratch_operands = 0 : i64, tpu.core_type = #tpu.core_type<tc>, window_params = [{transform_indices = @transform_0, window_bounds = array<i64: 632, 128>}, {transform_indices = @transform_1, window_bounds = array<i64: 632, 64>}, {transform_indices = @transform_2, window_bounds = array<i64: 632, 64>}, {pipeline_mode = #tpu.pipeline_mode<synchronous>, transform_indices = @transform_3, window_bounds = array<i64: 128, 64>}, {pipeline_mode = #tpu.pipeline_mode<synchronous>, transform_indices = @transform_4, window_bounds = array<i64: 128, 64>}, {pipeline_mode = #tpu.pipeline_mode<synchronous>, transform_indices = @transform_5, window_bounds = array<i64: 1, 64>}, {transform_indices = @transform_6, window_bounds = array<i64: 632, 64>}]} {
    %get3A = arith.constant 0 : index
    %get3A_0 = arith.constant 0 : index
    %get3A_1 = vector.load %arg2[%get3A, %get3A_0] : memref<632x64xf32, #tpu.memory_space<vmem>>, vector<632x64xf32>
    %get3A_2 = arith.constant 0 : index
    %get3A_3 = arith.constant 0 : index
    %get3A_4 = vector.load %arg3[%get3A_2, %get3A_3] : memref<632x64xf32, #tpu.memory_space<vmem>>, vector<632x64xf32>
    %concatenate3A = tpu.concatenate %get3A_1, %get3A_4 in 1 : vector<632x64xf32>, vector<632x64xf32> -> vector<632x128xf32>
    %get3A_5 = arith.constant 0 : index
    %get3A_6 = arith.constant 0 : index
    %get3A_7 = vector.load %arg1[%get3A_5, %get3A_6] : memref<632x128xf32, #tpu.memory_space<vmem>>, vector<632x128xf32>
    %get3A_8 = arith.constant 0 : index
    %get3A_9 = arith.constant 0 : index
    %get3A_10 = vector.load %arg4[%get3A_8, %get3A_9] : memref<128x64xf32, #tpu.memory_space<vmem>>, vector<128x64xf32>
    %dot_general3A = arith.constant dense<0.000000e+00> : vector<632x64xf32>
    %dot_general3A_11 = tpu.matmul %get3A_7, %get3A_10, %dot_general3A {dimension_numbers = #tpu.dot_dimension_numbers<[1], [0], [0], [1], [0, 0, 1, 1], [], []>, transpose_lhs_hint = false} : vector<632x128xf32>, vector<128x64xf32>, vector<632x64xf32> -> vector<632x64xf32>
    %get3A_12 = arith.constant 0 : index
    %get3A_13 = arith.constant 0 : index
    %get3A_14 = vector.load %arg5[%get3A_12, %get3A_13] : memref<128x64xf32, #tpu.memory_space<vmem>>, vector<128x64xf32>
    %dot_general3A_15 = arith.constant dense<0.000000e+00> : vector<632x64xf32>
    %dot_general3A_16 = tpu.matmul %concatenate3A, %get3A_14, %dot_general3A_15 {dimension_numbers = #tpu.dot_dimension_numbers<[1], [0], [0], [1], [0, 0, 1, 1], [], []>, transpose_lhs_hint = false} : vector<632x128xf32>, vector<128x64xf32>, vector<632x64xf32> -> vector<632x64xf32>
    %add3A = arith.addf %dot_general3A_11, %dot_general3A_16 : vector<632x64xf32>
    %get3A_17 = arith.constant 0 : index
    %get3A_18 = arith.constant 0 : index
    %get3A_19 = vector.load %arg6[%get3A_17, %get3A_18] : memref<1x64xf32, #tpu.memory_space<vmem>>, vector<1x64xf32>
    %add3A_20 = vector.broadcast %get3A_19 : vector<1x64xf32> to vector<632x64xf32>
    %add3A_21 = arith.addf %add3A, %add3A_20 : vector<632x64xf32>
    %gt3A = arith.constant 0.000000e+00 : f32
    %gt3A_22 = vector.broadcast %gt3A : f32 to vector<632x64xf32>
    %gt3A_23 = arith.cmpf ogt, %add3A_21, %gt3A_22 : vector<632x64xf32>
    %min3A = arith.constant 0.000000e+00 : f32
    %min3A_24 = vector.broadcast %min3A : f32 to vector<632x64xf32>
    %min3A_25 = arith.minimumf %add3A_21, %min3A_24 : vector<632x64xf32>
    %exp3A = math.exp %min3A_25 : vector<632x64xf32>
    %sub3A = arith.constant 1.000000e+00 : f32
    %sub3A_26 = vector.broadcast %sub3A : f32 to vector<632x64xf32>
    %sub3A_27 = arith.subf %exp3A, %sub3A_26 : vector<632x64xf32>
    %select_n3A = arith.select %gt3A_23, %add3A_21, %sub3A_27 : vector<632x64xi1>, vector<632x64xf32>
    %swap3A = arith.constant 0 : index
    %swap3A_28 = arith.constant 0 : index
    %swap3A_29 = vector.load %arg7[%swap3A, %swap3A_28] : memref<632x64xf32, #tpu.memory_space<vmem>>, vector<632x64xf32>
    tpu.vector_store %arg7[%swap3A, %swap3A_28], %select_n3A {strides = array<i32>} : memref<632x64xf32, #tpu.memory_space<vmem>>, vector<632x64xf32>,
    return
  }
  func.func @transform_0(%arg0: i32) -> (i32, i32) {
    %c0_i32 = arith.constant 0 : i32
    %c0_i32_0 = arith.constant 0 : i32
    return %arg0, %c0_i32 : i32, i32
  }
  func.func @transform_1(%arg0: i32) -> (i32, i32) {
    %c0_i32 = arith.constant 0 : i32
    %c0_i32_0 = arith.constant 0 : i32
    return %arg0, %c0_i32 : i32, i32
  }
  func.func @transform_2(%arg0: i32) -> (i32, i32) {
    %c0_i32 = arith.constant 0 : i32
    %c0_i32_0 = arith.constant 0 : i32
    return %arg0, %c0_i32 : i32, i32
  }
  func.func @transform_3(%arg0: i32) -> (i32, i32) {
    %c0_i32 = arith.constant 0 : i32
    %c0_i32_0 = arith.constant 0 : i32
    %c0_i32_1 = arith.constant 0 : i32
    return %c0_i32, %c0_i32_0 : i32, i32
  }
  func.func @transform_4(%arg0: i32) -> (i32, i32) {
    %c0_i32 = arith.constant 0 : i32
    %c0_i32_0 = arith.constant 0 : i32
    %c0_i32_1 = arith.constant 0 : i32
    return %c0_i32, %c0_i32_0 : i32, i32
  }
  func.func @transform_5(%arg0: i32) -> (i32, i32) {
    %c0_i32 = arith.constant 0 : i32
    %c0_i32_0 = arith.constant 0 : i32
    %c0_i32_1 = arith.constant 0 : i32
    return %c0_i32, %c0_i32_0 : i32, i32
  }
  func.func @transform_6(%arg0: i32) -> (i32, i32) {
    %c0_i32 = arith.constant 0 : i32
    %c0_i32_0 = arith.constant 0 : i32
    return %arg0, %c0_i32 : i32, i32
  }
}

module attributes {stable_mosaic.version = 14 : i64} {
  func.func @body(%arg0: i32, %arg1: memref<632x64xf32, #tpu.memory_space<vmem>>, %arg2: memref<632x64xf32, #tpu.memory_space<vmem>>, %arg3: memref<632x64xf32, #tpu.memory_space<vmem>>, %arg4: memref<64x64xf32, #tpu.memory_space<vmem>>, %arg5: memref<64x64xf32, #tpu.memory_space<vmem>>, %arg6: memref<1x64xf32, #tpu.memory_space<vmem>>, %arg7: memref<632x64xf32, #tpu.memory_space<vmem>>) attributes {dimension_semantics = [#tpu.dimension_semantics<arbitrary>], iteration_bounds = array<i64: 16>, scalar_prefetch = 0 : i64, scratch_operands = 0 : i64, tpu.core_type = #tpu.core_type<tc>, window_params = [{transform_indices = @transform_0, window_bounds = array<i64: 632, 64>}, {transform_indices = @transform_1, window_bounds = array<i64: 632, 64>}, {transform_indices = @transform_2, window_bounds = array<i64: 632, 64>}, {pipeline_mode = #tpu.pipeline_mode<synchronous>, transform_indices = @transform_3, window_bounds = array<i64: 64, 64>}, {pipeline_mode = #tpu.pipeline_mode<synchronous>, transform_indices = @transform_4, window_bounds = array<i64: 64, 64>}, {pipeline_mode = #tpu.pipeline_mode<synchronous>, transform_indices = @transform_5, window_bounds = array<i64: 1, 64>}, {transform_indices = @transform_6, window_bounds = array<i64: 632, 64>}]} {
    %get3A = arith.constant 0 : index
    %get3A_0 = arith.constant 0 : index
    %get3A_1 = vector.load %arg2[%get3A, %get3A_0] : memref<632x64xf32, #tpu.memory_space<vmem>>, vector<632x64xf32>
    %get3A_2 = arith.constant 0 : index
    %get3A_3 = arith.constant 0 : index
    %get3A_4 = vector.load %arg3[%get3A_2, %get3A_3] : memref<632x64xf32, #tpu.memory_space<vmem>>, vector<632x64xf32>
    %add3A = arith.addf %get3A_1, %get3A_4 : vector<632x64xf32>
    %get3A_5 = arith.constant 0 : index
    %get3A_6 = arith.constant 0 : index
    %get3A_7 = vector.load %arg1[%get3A_5, %get3A_6] : memref<632x64xf32, #tpu.memory_space<vmem>>, vector<632x64xf32>
    %get3A_8 = arith.constant 0 : index
    %get3A_9 = arith.constant 0 : index
    %get3A_10 = vector.load %arg4[%get3A_8, %get3A_9] : memref<64x64xf32, #tpu.memory_space<vmem>>, vector<64x64xf32>
    %dot_general3A = arith.constant dense<0.000000e+00> : vector<632x64xf32>
    %dot_general3A_11 = tpu.matmul %get3A_7, %get3A_10, %dot_general3A {dimension_numbers = #tpu.dot_dimension_numbers<[1], [0], [0], [1], [0, 0, 1, 1], [], []>, transpose_lhs_hint = false} : vector<632x64xf32>, vector<64x64xf32>, vector<632x64xf32> -> vector<632x64xf32>
    %get3A_12 = arith.constant 0 : index
    %get3A_13 = arith.constant 0 : index
    %get3A_14 = vector.load %arg5[%get3A_12, %get3A_13] : memref<64x64xf32, #tpu.memory_space<vmem>>, vector<64x64xf32>
    %dot_general3A_15 = arith.constant dense<0.000000e+00> : vector<632x64xf32>
    %dot_general3A_16 = tpu.matmul %add3A, %get3A_14, %dot_general3A_15 {dimension_numbers = #tpu.dot_dimension_numbers<[1], [0], [0], [1], [0, 0, 1, 1], [], []>, transpose_lhs_hint = false} : vector<632x64xf32>, vector<64x64xf32>, vector<632x64xf32> -> vector<632x64xf32>
    %add3A_17 = arith.addf %dot_general3A_11, %dot_general3A_16 : vector<632x64xf32>
    %get3A_18 = arith.constant 0 : index
    %get3A_19 = arith.constant 0 : index
    %get3A_20 = vector.load %arg6[%get3A_18, %get3A_19] : memref<1x64xf32, #tpu.memory_space<vmem>>, vector<1x64xf32>
    %add3A_21 = vector.broadcast %get3A_20 : vector<1x64xf32> to vector<632x64xf32>
    %add3A_22 = arith.addf %add3A_17, %add3A_21 : vector<632x64xf32>
    %gt3A = arith.constant 0.000000e+00 : f32
    %gt3A_23 = vector.broadcast %gt3A : f32 to vector<632x64xf32>
    %gt3A_24 = arith.cmpf ogt, %add3A_22, %gt3A_23 : vector<632x64xf32>
    %min3A = arith.constant 0.000000e+00 : f32
    %min3A_25 = vector.broadcast %min3A : f32 to vector<632x64xf32>
    %min3A_26 = arith.minimumf %add3A_22, %min3A_25 : vector<632x64xf32>
    %exp3A = math.exp %min3A_26 : vector<632x64xf32>
    %sub3A = arith.constant 1.000000e+00 : f32
    %sub3A_27 = vector.broadcast %sub3A : f32 to vector<632x64xf32>
    %sub3A_28 = arith.subf %exp3A, %sub3A_27 : vector<632x64xf32>
    %select_n3A = arith.select %gt3A_24, %add3A_22, %sub3A_28 : vector<632x64xi1>, vector<632x64xf32>
    %swap3A = arith.constant 0 : index
    %swap3A_29 = arith.constant 0 : index
    %swap3A_30 = vector.load %arg7[%swap3A, %swap3A_29] : memref<632x64xf32, #tpu.memory_space<vmem>>, vector<632x64xf32>
    tpu.vector_store %arg7[%swap3A, %swap3A_29], %select_n3A {strides = array<i32>} : memref<632x64xf32, #tpu.memory_space<vmem>>, vector<632x64xf32>,
    return
  }
  func.func @transform_0(%arg0: i32) -> (i32, i32) {
    %c0_i32 = arith.constant 0 : i32
    %c0_i32_0 = arith.constant 0 : i32
    return %arg0, %c0_i32 : i32, i32
  }
  func.func @transform_1(%arg0: i32) -> (i32, i32) {
    %c0_i32 = arith.constant 0 : i32
    %c0_i32_0 = arith.constant 0 : i32
    return %arg0, %c0_i32 : i32, i32
  }
  func.func @transform_2(%arg0: i32) -> (i32, i32) {
    %c0_i32 = arith.constant 0 : i32
    %c0_i32_0 = arith.constant 0 : i32
    return %arg0, %c0_i32 : i32, i32
  }
  func.func @transform_3(%arg0: i32) -> (i32, i32) {
    %c0_i32 = arith.constant 0 : i32
    %c0_i32_0 = arith.constant 0 : i32
    %c0_i32_1 = arith.constant 0 : i32
    return %c0_i32, %c0_i32_0 : i32, i32
  }
  func.func @transform_4(%arg0: i32) -> (i32, i32) {
    %c0_i32 = arith.constant 0 : i32
    %c0_i32_0 = arith.constant 0 : i32
    %c0_i32_1 = arith.constant 0 : i32
    return %c0_i32, %c0_i32_0 : i32, i32
  }
  func.func @transform_5(%arg0: i32) -> (i32, i32) {
    %c0_i32 = arith.constant 0 : i32
    %c0_i32_0 = arith.constant 0 : i32
    %c0_i32_1 = arith.constant 0 : i32
    return %c0_i32, %c0_i32_0 : i32, i32
  }
  func.func @transform_6(%arg0: i32) -> (i32, i32) {
    %c0_i32 = arith.constant 0 : i32
    %c0_i32_0 = arith.constant 0 : i32
    return %arg0, %c0_i32 : i32, i32
  }
}

module attributes {stable_mosaic.version = 14 : i64} {
  func.func @body(%arg0: i32, %arg1: memref<1000x64xf32, #tpu.memory_space<vmem>>, %arg2: memref<1000x64xf32, #tpu.memory_space<vmem>>, %arg3: memref<64x64xf32, #tpu.memory_space<vmem>>, %arg4: memref<1x64xf32, #tpu.memory_space<vmem>>, %arg5: memref<64x32xf32, #tpu.memory_space<vmem>>, %arg6: memref<1x32xf32, #tpu.memory_space<vmem>>, %arg7: memref<32x2xf32, #tpu.memory_space<vmem>>, %arg8: memref<1x2xf32, #tpu.memory_space<vmem>>, %arg9: memref<1000x2xf32, #tpu.memory_space<vmem>>) attributes {dimension_semantics = [#tpu.dimension_semantics<arbitrary>], iteration_bounds = array<i64: 5>, scalar_prefetch = 0 : i64, scratch_operands = 0 : i64, tpu.core_type = #tpu.core_type<tc>, window_params = [{transform_indices = @transform_0, window_bounds = array<i64: 1000, 64>}, {transform_indices = @transform_1, window_bounds = array<i64: 1000, 64>}, {pipeline_mode = #tpu.pipeline_mode<synchronous>, transform_indices = @transform_2, window_bounds = array<i64: 64, 64>}, {pipeline_mode = #tpu.pipeline_mode<synchronous>, transform_indices = @transform_3, window_bounds = array<i64: 1, 64>}, {pipeline_mode = #tpu.pipeline_mode<synchronous>, transform_indices = @transform_4, window_bounds = array<i64: 64, 32>}, {pipeline_mode = #tpu.pipeline_mode<synchronous>, transform_indices = @transform_5, window_bounds = array<i64: 1, 32>}, {pipeline_mode = #tpu.pipeline_mode<synchronous>, transform_indices = @transform_6, window_bounds = array<i64: 32, 2>}, {pipeline_mode = #tpu.pipeline_mode<synchronous>, transform_indices = @transform_7, window_bounds = array<i64: 1, 2>}, {transform_indices = @transform_8, window_bounds = array<i64: 1000, 2>}]} {
    %get3A = arith.constant 0 : index
    %get3A_0 = arith.constant 0 : index
    %get3A_1 = vector.load %arg1[%get3A, %get3A_0] : memref<1000x64xf32, #tpu.memory_space<vmem>>, vector<1000x64xf32>
    %get3A_2 = arith.constant 0 : index
    %get3A_3 = arith.constant 0 : index
    %get3A_4 = vector.load %arg2[%get3A_2, %get3A_3] : memref<1000x64xf32, #tpu.memory_space<vmem>>, vector<1000x64xf32>
    %add3A = arith.addf %get3A_1, %get3A_4 : vector<1000x64xf32>
    %get3A_5 = arith.constant 0 : index
    %get3A_6 = arith.constant 0 : index
    %get3A_7 = vector.load %arg3[%get3A_5, %get3A_6] : memref<64x64xf32, #tpu.memory_space<vmem>>, vector<64x64xf32>
    %dot_general3A = arith.constant dense<0.000000e+00> : vector<1000x64xf32>
    %dot_general3A_8 = tpu.matmul %add3A, %get3A_7, %dot_general3A {dimension_numbers = #tpu.dot_dimension_numbers<[1], [0], [0], [1], [0, 0, 1, 1], [], []>, transpose_lhs_hint = false} : vector<1000x64xf32>, vector<64x64xf32>, vector<1000x64xf32> -> vector<1000x64xf32>
    %get3A_9 = arith.constant 0 : index
    %get3A_10 = arith.constant 0 : index
    %get3A_11 = vector.load %arg4[%get3A_9, %get3A_10] : memref<1x64xf32, #tpu.memory_space<vmem>>, vector<1x64xf32>
    %add3A_12 = vector.broadcast %get3A_11 : vector<1x64xf32> to vector<1000x64xf32>
    %add3A_13 = arith.addf %dot_general3A_8, %add3A_12 : vector<1000x64xf32>
    %gt3A = arith.constant 0.000000e+00 : f32
    %gt3A_14 = vector.broadcast %gt3A : f32 to vector<1000x64xf32>
    %gt3A_15 = arith.cmpf ogt, %add3A_13, %gt3A_14 : vector<1000x64xf32>
    %min3A = arith.constant 0.000000e+00 : f32
    %min3A_16 = vector.broadcast %min3A : f32 to vector<1000x64xf32>
    %min3A_17 = arith.minimumf %add3A_13, %min3A_16 : vector<1000x64xf32>
    %exp3A = math.exp %min3A_17 : vector<1000x64xf32>
    %sub3A = arith.constant 1.000000e+00 : f32
    %sub3A_18 = vector.broadcast %sub3A : f32 to vector<1000x64xf32>
    %sub3A_19 = arith.subf %exp3A, %sub3A_18 : vector<1000x64xf32>
    %select_n3A = arith.select %gt3A_15, %add3A_13, %sub3A_19 : vector<1000x64xi1>, vector<1000x64xf32>
    %get3A_20 = arith.constant 0 : index
    %get3A_21 = arith.constant 0 : index
    %get3A_22 = vector.load %arg5[%get3A_20, %get3A_21] : memref<64x32xf32, #tpu.memory_space<vmem>>, vector<64x32xf32>
    %dot_general3A_23 = arith.constant dense<0.000000e+00> : vector<1000x32xf32>
    %dot_general3A_24 = tpu.matmul %select_n3A, %get3A_22, %dot_general3A_23 {dimension_numbers = #tpu.dot_dimension_numbers<[1], [0], [0], [1], [0, 0, 1, 1], [], []>, transpose_lhs_hint = false} : vector<1000x64xf32>, vector<64x32xf32>, vector<1000x32xf32> -> vector<1000x32xf32>
    %get3A_25 = arith.constant 0 : index
    %get3A_26 = arith.constant 0 : index
    %get3A_27 = vector.load %arg6[%get3A_25, %get3A_26] : memref<1x32xf32, #tpu.memory_space<vmem>>, vector<1x32xf32>
    %add3A_28 = vector.broadcast %get3A_27 : vector<1x32xf32> to vector<1000x32xf32>
    %add3A_29 = arith.addf %dot_general3A_24, %add3A_28 : vector<1000x32xf32>
    %gt3A_30 = arith.constant 0.000000e+00 : f32
    %gt3A_31 = vector.broadcast %gt3A_30 : f32 to vector<1000x32xf32>
    %gt3A_32 = arith.cmpf ogt, %add3A_29, %gt3A_31 : vector<1000x32xf32>
    %min3A_33 = arith.constant 0.000000e+00 : f32
    %min3A_34 = vector.broadcast %min3A_33 : f32 to vector<1000x32xf32>
    %min3A_35 = arith.minimumf %add3A_29, %min3A_34 : vector<1000x32xf32>
    %exp3A_36 = math.exp %min3A_35 : vector<1000x32xf32>
    %sub3A_37 = arith.constant 1.000000e+00 : f32
    %sub3A_38 = vector.broadcast %sub3A_37 : f32 to vector<1000x32xf32>
    %sub3A_39 = arith.subf %exp3A_36, %sub3A_38 : vector<1000x32xf32>
    %select_n3A_40 = arith.select %gt3A_32, %add3A_29, %sub3A_39 : vector<1000x32xi1>, vector<1000x32xf32>
    %get3A_41 = arith.constant 0 : index
    %get3A_42 = arith.constant 0 : index
    %get3A_43 = vector.load %arg7[%get3A_41, %get3A_42] : memref<32x2xf32, #tpu.memory_space<vmem>>, vector<32x2xf32>
    %dot_general3A_44 = arith.constant dense<0.000000e+00> : vector<1000x2xf32>
    %dot_general3A_45 = tpu.matmul %select_n3A_40, %get3A_43, %dot_general3A_44 {dimension_numbers = #tpu.dot_dimension_numbers<[1], [0], [0], [1], [0, 0, 1, 1], [], []>, transpose_lhs_hint = false} : vector<1000x32xf32>, vector<32x2xf32>, vector<1000x2xf32> -> vector<1000x2xf32>
    %get3A_46 = arith.constant 0 : index
    %get3A_47 = arith.constant 0 : index
    %get3A_48 = vector.load %arg8[%get3A_46, %get3A_47] : memref<1x2xf32, #tpu.memory_space<vmem>>, vector<1x2xf32>
    %add3A_49 = vector.broadcast %get3A_48 : vector<1x2xf32> to vector<1000x2xf32>
    %add3A_50 = arith.addf %dot_general3A_45, %add3A_49 : vector<1000x2xf32>
    %reduce_max3A = arith.constant dense<0xFF800000> : vector<1000xf32>
    %reduce_max3A_51 = vector.multi_reduction <maximumf>, %add3A_50, %reduce_max3A [1] : vector<1000x2xf32> to vector<1000xf32>
    %broadcast_in_dim3A = vector.shape_cast %reduce_max3A_51 : vector<1000xf32> to vector<1000x1xf32>
    %sub3A_52 = vector.broadcast %broadcast_in_dim3A : vector<1000x1xf32> to vector<1000x2xf32>
    %sub3A_53 = arith.subf %add3A_50, %sub3A_52 : vector<1000x2xf32>
    %exp3A_54 = math.exp %sub3A_53 : vector<1000x2xf32>
    %sub3A_55 = vector.broadcast %broadcast_in_dim3A : vector<1000x1xf32> to vector<1000x2xf32>
    %sub3A_56 = arith.subf %add3A_50, %sub3A_55 : vector<1000x2xf32>
    %reduce_sum3A = arith.constant dense<0.000000e+00> : vector<1000xf32>
    %reduce_sum3A_57 = vector.multi_reduction <add>, %exp3A_54, %reduce_sum3A [1] : vector<1000x2xf32> to vector<1000xf32>
    %broadcast_in_dim3A_58 = vector.shape_cast %reduce_sum3A_57 : vector<1000xf32> to vector<1000x1xf32>
    %log3A = math.log %broadcast_in_dim3A_58 : vector<1000x1xf32>
    %sub3A_59 = vector.broadcast %log3A : vector<1000x1xf32> to vector<1000x2xf32>
    %sub3A_60 = arith.subf %sub3A_56, %sub3A_59 : vector<1000x2xf32>
    %swap3A = arith.constant 0 : index
    %swap3A_61 = arith.constant 0 : index
    %swap3A_62 = vector.load %arg9[%swap3A, %swap3A_61] : memref<1000x2xf32, #tpu.memory_space<vmem>>, vector<1000x2xf32>
    tpu.vector_store %arg9[%swap3A, %swap3A_61], %sub3A_60 {strides = array<i32>} : memref<1000x2xf32, #tpu.memory_space<vmem>>, vector<1000x2xf32>,
    return
  }
  func.func @transform_0(%arg0: i32) -> (i32, i32) {
    %c0_i32 = arith.constant 0 : i32
    %c0_i32_0 = arith.constant 0 : i32
    return %arg0, %c0_i32 : i32, i32
  }
  func.func @transform_1(%arg0: i32) -> (i32, i32) {
    %c0_i32 = arith.constant 0 : i32
    %c0_i32_0 = arith.constant 0 : i32
    return %arg0, %c0_i32 : i32, i32
  }
  func.func @transform_2(%arg0: i32) -> (i32, i32) {
    %c0_i32 = arith.constant 0 : i32
    %c0_i32_0 = arith.constant 0 : i32
    %c0_i32_1 = arith.constant 0 : i32
    return %c0_i32, %c0_i32_0 : i32, i32
  }
  func.func @transform_3(%arg0: i32) -> (i32, i32) {
    %c0_i32 = arith.constant 0 : i32
    %c0_i32_0 = arith.constant 0 : i32
    %c0_i32_1 = arith.constant 0 : i32
    return %c0_i32, %c0_i32_0 : i32, i32
  }
  func.func @transform_4(%arg0: i32) -> (i32, i32) {
    %c0_i32 = arith.constant 0 : i32
    %c0_i32_0 = arith.constant 0 : i32
    %c0_i32_1 = arith.constant 0 : i32
    return %c0_i32, %c0_i32_0 : i32, i32
  }
  func.func @transform_5(%arg0: i32) -> (i32, i32) {
    %c0_i32 = arith.constant 0 : i32
    %c0_i32_0 = arith.constant 0 : i32
    %c0_i32_1 = arith.constant 0 : i32
    return %c0_i32, %c0_i32_0 : i32, i32
  }
  func.func @transform_6(%arg0: i32) -> (i32, i32) {
    %c0_i32 = arith.constant 0 : i32
    %c0_i32_0 = arith.constant 0 : i32
    %c0_i32_1 = arith.constant 0 : i32
    return %c0_i32, %c0_i32_0 : i32, i32
  }
  func.func @transform_7(%arg0: i32) -> (i32, i32) {
    %c0_i32 = arith.constant 0 : i32
    %c0_i32_0 = arith.constant 0 : i32
    %c0_i32_1 = arith.constant 0 : i32
    return %c0_i32, %c0_i32_0 : i32, i32
  }
  func.func @transform_8(%arg0: i32) -> (i32, i32) {
    %c0_i32 = arith.constant 0 : i32
    %c0_i32_0 = arith.constant 0 : i32
    return %arg0, %c0_i32 : i32, i32
  }
}

</mosaic_0001>

<sc_bundles>
// kernel: kernel.10.cloned.1.call-start
scs
__scs_entry_jumppad:
0x0: {  	(pc) =	sbr.rel $0x88, $3  }
0x1: {  	(tag) =	ssettag $0x0;
	lr =	simm.s32 $0x1  }
0x2: {  	[smem:$0x3F8E] =	sst lr;
	_ =	strace $0xD0000000  }
0x3: {  	_ = 	snop  }
0x4: {  	_ = 	snop  }
0x5: {  	_ = 	snop  }
0x6: {  	_ = 	snop  }
0x7: {  	_ = 	snop  }
__scs_overlays_trampoline_lowered:
0x8: {  	[smem:$0x3F9D] =	sst s0  }
0x9: {  	[smem:$0x3F9E] =	sst s1  }
0xa: {  	[smem:$0x3F9F] =	sst s2  }
0xb: {  	[smem:$0x3FA0] =	sst s3  }
0xc: {  	[smem:$0x3FA1] =	sst s4  }
0xd: {  	[smem:$0x3FA2] =	sst s5  }
0xe: {  	[smem:$0x3FA3] =	sst s6  }
0xf: {  	[smem:$0x3FA4] =	sst s7  }
0x10: {  	[smem:$0x3FA5] =	sst s8  }
0x11: {  	[smem:$0x3FA6] =	sst s9;
	s0 =	simm.s32 @!p0 $0x0  }
0x12: {  	s1 =	sld [smem:$0x3F8C];
	s0 =	simm.s32 @p0 $0x1  }
0x13: {  	[smem:$0x3FA7] =	sst s0;
	s0 =	simm.s32 @!p1 $0x0  }
0x14: {  	s2 =	sld [smem:$0x3F8B];
	s0 =	simm.s32 @p1 $0x1  }
0x15: {  	[smem:$0x3FA8] =	sst s0;
	s0 =	simm.s32 @!p2 $0x0  }
0x16: {  	s3 =	sld [smem:$0x3FDB];
	s0 =	simm.s32 @p2 $0x1  }
0x17: {  	s4 =	simm.s32 $0x1BF5;
	[smem:$0x3FAA] =	sst s0  }
0x18: {  	s0 =	sld [smem:$0x3F8D];
	_ =	swait.ge [sflag:s4], $0x0  }
0x19: {  	s7 =	sld [smem:$0x3F8E]  }
0x1a: {  	s8 =	sadd.s32 $0xFFFFE003, lr  }
0x1b: {  	s9 =	sadd.s32 $0xFFFFFEF7, lr;
	s5 =	simm.s32 $0xFFFFFFFF;
	p2 =	slt.u32 s8, $0xFFFFF086  }
0x1c: {  	p1 =	slt.u32 s9, $0xF7A;
	s5 =	simm.s32 @!p2 $0x0  }
0x1d: {  	s5 =	simm.s32 @p1 $0x1;
	p0 =	seq.s32 s7, s2  }
0x1e: {  	s7 =	smul.u32 @!p0 $0xF7A, s2;
	p2 =	seq.s32 @!p0 s5, $0x0  }
0x1f: {  	s9 =	smul.u32 $0xF7A, s1;
	s8 =	simm.s32 @!p0 $0x1BF5;
	p2 =	por !p2, p0  }
0x20: {  	[sflag:s8] =	ssyncset.s32 @!p0 $0xFFFFF086;
	s6 =	sadd.s32 @!p0 s3, s7;
	s7 =	simm.s32 @!p0 $0x108  }
0x21: {  	s3 =	sadd.s32 s3, s9;
	s6 =	sadd.s32 @!p0 $0x88, s6;
	s7 =	simm.s32 @p2 $0x1082  }
0x22: {  	[simem:s7], [sflag:s8] =	dma.local @!p0 [hbm:s6], $0xF7A  }
0x23: {  	s9 =	sor.u32 $0xD0000000, s2;
	s6 =	simm.s32 $0x108;
	_ =	swait.ge @!p0 [sflag:s8], $0x0  }
0x24: {  	s3 =	sadd.s32 $0x88, s3;
	s6 =	simm.s32 @!p1 $0x1082;
	[sflag:s4] =	ssyncset.s32 $0xFFFFF086  }
0x25: {  	[simem:s6], [sflag:s4] =	dma.local [hbm:s3], $0xF7A  }
0x26: {  	[smem:$0x3F8E] =	sst s1;
	(tag) =	ssettag s2;
	_ =	strace s9  }
0x27: {  	s1 =	sld [smem:$0x3F9E]  }
0x28: {  	s2 =	sld [smem:$0x3F9F]  }
0x29: {  	s4 =	sld [smem:$0x3FA1]  }
0x2a: {  	p0 =	seq.s32 s5, $0x0;
	s5 =	sld [smem:$0x3FA2]  }
0x2b: {  	s6 =	sld [smem:$0x3FA3]  }
0x2c: {  	s7 =	sld [smem:$0x3FA4]  }
0x2d: {  	s3 =	simm.s32 $0x108;
	s8 =	sld [smem:$0x3FA5]  }
0x2e: {  	s3 =	simm.s32 @!p0 $0x1082;
	s9 =	sld [smem:$0x3FA6]  }
0x2f: {  	lr =	sadd.s32 s0, s3;
	s0 =	sld [smem:$0x3F9D]  }
0x30: {  	s3 =	sld [smem:$0x3FA0]  }
0x31: {  	[smem:$0x3FA9] =	sst s10  }
0x32: {  	s10 =	sld [smem:$0x3FA7];
	_ =	sdelay $0x3  }
0x33: {  	p0 =	seq.s32 s10, $0x1;
	s10 =	sld [smem:$0x3FA9];
	_ =	sdelay $0x3  }
0x34: {  	[smem:$0x3FA9] =	sst s10  }
0x35: {  	s10 =	sld [smem:$0x3FA8];
	_ =	sdelay $0x3  }
0x36: {  	p1 =	seq.s32 s10, $0x1;
	s10 =	sld [smem:$0x3FA9];
	_ =	sdelay $0x3  }
0x37: {  	[smem:$0x3FA9] =	sst s10  }
0x38: {  	s10 =	sld [smem:$0x3FAA]  }
0x39: {  	_ = 	snop;
	(pc) =	sbr.ind lr, $3  }
0x3a: {  	_ = 	snop  }
0x3b: {  	_ = 	snop  }
0x3c: {  	p2 =	seq.s32 s10, $0x1;
	s10 =	sld [smem:$0x3FA9]  }
0x3d: {  	_ =	shalt  }
0x3e: {  	_ =	shalt  }
0x3f: {  	_ =	shalt  }
0x40: {  	_ =	shalt  }
0x41: {  	_ =	shalt  }
0x42: {  	_ =	shalt  }
0x43: {  	_ =	shalt  }
0x44: {  	_ =	shalt  }
0x45: {  	_ =	shalt  }
0x46: {  	_ =	shalt  }
0x47: {  	_ =	shalt  }
0x48: {  	_ =	shalt  }
0x49: {  	_ =	shalt  }
0x4a: {  	_ =	shalt  }
0x4b: {  	_ =	shalt  }
0x4c: {  	_ =	shalt  }
0x4d: {  	_ =	shalt  }
0x4e: {  	_ =	shalt  }
0x4f: {  	_ =	shalt  }
0x50: {  	_ =	shalt  }
0x51: {  	_ =	shalt  }
0x52: {  	_ =	shalt  }
0x53: {  	_ =	shalt  }
0x54: {  	_ =	shalt  }
0x55: {  	_ =	shalt  }
0x56: {  	_ =	shalt  }
0x57: {  	_ =	shalt  }
0x58: {  	_ =	shalt  }
0x59: {  	_ =	shalt  }
0x5a: {  	_ =	shalt  }
0x5b: {  	_ =	shalt  }
0x5c: {  	_ =	shalt  }
0x5d: {  	_ =	shalt  }
0x5e: {  	_ =	shalt  }
0x5f: {  	_ =	shalt  }
0x60: {  	_ =	shalt  }
0x61: {  	_ =	shalt  }
0x62: {  	_ =	shalt  }
0x63: {  	_ =	shalt  }
0x64: {  	_ =	shalt  }
0x65: {  	_ =	shalt  }
0x66: {  	_ =	shalt  }
0x67: {  	_ =	shalt  }
0x68: {  	_ =	shalt  }
0x69: {  	_ =	shalt  }
0x6a: {  	_ =	shalt  }
0x6b: {  	_ =	shalt  }
0x6c: {  	_ =	shalt  }
0x6d: {  	_ =	shalt  }
0x6e: {  	_ =	shalt  }
0x6f: {  	_ =	shalt  }
0x70: {  	_ =	shalt  }
0x71: {  	_ =	shalt  }
0x72: {  	_ =	shalt  }
0x73: {  	_ =	shalt  }
0x74: {  	_ =	shalt  }
0x75: {  	_ =	shalt  }
0x76: {  	_ =	shalt  }
0x77: {  	_ =	shalt  }
0x78: {  	_ =	shalt  }
0x79: {  	_ =	shalt  }
0x7a: {  	_ =	shalt  }
0x7b: {  	_ =	shalt  }
0x7c: {  	_ =	shalt  }
0x7d: {  	_ =	shalt  }
0x7e: {  	_ =	shalt  }
0x7f: {  	_ =	shalt  }
0x80: {  	_ =	shalt  }
0x81: {  	_ =	shalt  }
0x82: {  	_ =	shalt  }
0x83: {  	_ =	shalt  }
0x84: {  	_ =	shalt  }
0x85: {  	_ =	shalt  }
0x86: {  	_ =	shalt  }
0x87: {  	_ =	shalt  }
.Lfunc_end0:
.L_simem_size_0:
called_computation_lowered:
.L_overlay_start_0:
0x88: {  	s2 =	sld [smem:$0x3FD9]  }
0x89: {  	s3 =	sld [smem:$0x3FFE];
	_ =	sdelay $0x1  }
0x8a: {  	s1 =	srdreg.scid  }
0x8b: {  	s0 =	sand.u32 $0x1, s1  }
0x8c: {  	s16 =	sshll.u32 s0, $0xA;
	s2 =	sadd.s32 s3, s2  }
0x8d: {  	s2 =	sadd.s32 s2, s16  }
0x8e: {  	[smem:$0x3FB5] =	sst s2  }
0x8f: {  	_ = 	snop  }
0x90: {  	(tm) =	ssettm $0x1  }
0x91: {  	s17 =	sld [smem:$0x3FFB];
	_ =	sdelay $0x3  }
0x92: {  	_ =	strace s17  }
0x93: {  	s2 =	sld [smem:$0x3FFC];
	_ =	sdelay $0x3  }
0x94: {  	_ =	strace s2  }
0x95: {  	s2 =	sld [smem:$0x3FFD];
	_ =	sdelay $0x3  }
0x96: {  	_ =	strace s2  }
0x97: {  	_ =	strace $0x8FFFFFFF  }
0x98: {  	s18 =	sld [smem:$0x3FDB];
	_ =	sdelay $0x1  }
0x99: {  	s19 =	simm.s32 $_scs_section_size  }
0x9a: {  	s4 =	simm.s32 $_size__tile_overlayer_lowered;
	s5 =	simm.s32 $_tile_overlayer_lowered  }
0x9b: {  	s22 =	simm.s32 $0x1BFF;
	s21 =	sshll.u32 s5, $0x1;
	s2 =	sadd.s32 s19, s18  }
0x9c: {  	s6 =	simm.s32 $0x0;
	s20 =	sshll.u32 s4, $0x1;
	s4 =	sadd.s32 s21, s2  }
0x9d: {  	[timem:s6], [sflag:s22] =	dma.local [hbm:s4], s20  }
0x9e: {  	_ =	swait.ge [sflag:s22], s20  }
0x9f: {  	s3 =	ssub.s32 $0x0, s20;
	[sflag:s22] =	ssyncset.done $0x0  }
0xa0: {  	[sflag:s22] =	ssyncadd.s32 s3;
	_ =	sdelay $0x1  }
0xa1: {  	s23 =	simm.s32 $0x1B8B  }
0xa2: {  	_ =	swait.ge [sflag:s23], $0x1  }
0xa3: {  	[sflag:s23] =	ssyncset.done $0x0  }
0xa4: {  	s25 =	simm.s32 $0x1B8E;
	s24 =	sld [smem:$0x3FFE];
	[sflag:s23] =	ssyncadd.s32 $0xFFFFFFFF  }
0xa5: {  	s26 =	simm.s32 $execute0_lowered;
	[smem:$0x3FD2] =	sst s25  }
0xa6: {  	s4 =	sshll.u32 s26, $0x1;
	_ =	strace $0x80000046;
	[dreg:$0x1] =	wrdreg $0xFFFFFFFF  }
0xa7: {  	s28 =	simm.s32 $_size_execute0_lowered;
	s2 =	sadd.s32 s2, s4;
	[dreg:$0x0] =	wrdreg $0x0  }
0xa8: {  	s4 =	sshll.u32 s28, $0x1;
	[dreg:$0x2] =	wrdreg s2  }
0xa9: {  	[dreg:$0x3] =	wrdreg s4  }
0xaa: {  	[dreg:$0x4] =	wrdreg $0xC0  }
0xab: {  	_ =	task [dreg:s6], $0x5FFFF  }
0xac: {  	[dreg:$0x1] =	wrdreg $0xFFFFFFFF  }
0xad: {  	[dreg:$0x0] =	wrdreg $0x60  }
0xae: {  	[dreg:$0x2] =	wrdreg s24  }
0xaf: {  	[dreg:$0x3] =	wrdreg $0x90000  }
0xb0: {  	[dreg:$0x4] =	wrdreg $0x12E000  }
0xb1: {  	[dreg:$0x5] =	wrdreg $0x9  }
0xb2: {  	_ =	task.clear_ibuf [dreg:s6], $0x6FFFF;
	_ =	strace $0x90000046  }
0xb3: {  	s29 =	simm.s32 $0x9;
	_ =	strace $0x80000048  }
0xb4: {  	_ =	swait.ge [sflag:s29], $0x1  }
0xb5: {  	[sflag:s29] =	ssyncadd.s32 $0xFFFFFFFF  }
0xb6: {  	_ =	strace $0x90000048  }
0xb7: {  	_ =	sfence  }
0xb8: {  	s30 =	sld [smem:$0x0];
	_ =	sdelay $0x2  }
0xb9: {  	s31 =	sshll.u32 s1, $0xD;
	s1 =	sshrl.u32 s1, $0x2  }
0xba: {  	s3 =	sand.u32 $0x4000, s31;
	s1 =	sadd.s32 s1, s30  }
0xbb: {  	s0 =	sor.u32 s3, s0;
	s1 =	sshll.u32 s1, $0x11  }
0xbc: {  	s0 =	sor.u32 s1, s0  }
0xbd: {  	s0 =	sadd.s32 $0x8F2B, s0  }
0xbe: {  	[sflag:s0] =	ssyncadd.remote.s32 $0x1  }
0xbf: {  	_ =	sfence.sel $0xFFFF  }
0xc0: {  	[dreg:$0x0] =	wrdreg $0xFFFFFFFF;
	(pc) =	sbr.abs _section_cstart, $3  }
0xc1: {  	[dreg:$0x1] =	wrdreg $0xFFFFFFFF  }
0xc2: {  	_ =	task.clear_ibuf [dreg:s6], $0x2FFFF;
	_ =	strace $0x9FFFFFFF  }
0xc3: {  	(tm) =	ssettm $0x7FFFFFFF  }
tec
execute0_lowered:
.L_overlay_start_1:
0x0: {  	(tag) =	ssettag $0x1  }
0x1: {  	s0 =	rddreg [dreg:$0x0]  }
0x2: {  	s2 =	rddreg [dreg:$0x1]  }
0x3: {  	s1 =	srdreg.scid;
	s11 =	stileid.u32  }
0x4: {  	s3 =	rddreg [dreg:$0x2];
	s4 =	simm.s32 $0x0;
	s18 =	simm.s32 $0x1  }
0x5: {  	s21 =	simm.s32 $0x5000;
	s28 =	simm.s32 $0x7000;
	s5 =	smul.u32 $0x13C00, s11  }
0x6: {  	s29 =	simm.s32 $0x4;
	s30 =	simm.s32 $0x180;
	s22 =	smul.u32 $0x13C0, s11  }
0x7: {  	s31 =	simm.s32 $0x5;
	s19 =	simm.s32 $0x0;
	s8 =	smul.u32 $0x1400, s11  }
0x8: {  	s1 =	sand.u32 $0x1, s1;
	[smem:$0x7FF] =	sst s4;
	s9 =	smul.u32 $0x9E00, s11  }
0x9: {  	s13 =	sadd.s32 $0x4200, s0;
	s24 =	smul.u32 $0x27800, s11;
	s6 =	sshll.u32 s1, $0x6  }
0xa: {  	_ =	strace $0x80000047;
	s7 =	smul.u32 $0x13C00, s1;
	s1 =	ssub.s32 $0x2, s1  }
0xb: {  	s5 =	sor.u32 s6, s5;
	s23 =	sshrl.u32 s1, $0x1;
	s25 =	sadd.s32 s13, s8  }
0xc: {  	s17 =	sadd.s32 s9, s2;
	s10 =	sshrl.u32 s24, $0x2;
	s9 =	sadd.s32 s9, s3  }
0xd: {  	s24 =	simm.s32 $0x80;
	s5 =	sshrl.u32 s5, $0x3;
	s6 =	sadd.s32 s22, s7  }
0xe: {  	s1 =	ssub.s32 s1, s23;
	[dreg:$0x4] =	wrdreg s25;
	s26 =	sadd.s32 s10, s3  }
0xf: {  	s17 =	sshrl.u32 s17, $0x3;
	s22 =	simm.s32 $0x7;
	s23 =	simm.s32 $0x2  }
0x10: {  	s25 =	simm.s32 $0x3;
	s5 =	sadd.s32 s5, s0;
	s0 =	sadd.s32 s6, s0  }
0x11: {  	s6 =	sshll.u32 s11, $0x6;
	s11 =	smul.u32 $0xA000, s11;
	s10 =	sadd.s32 $0x2000, s26  }
.Ltmp0:
0x12: {  	s12 =	sadd.s32 $0x6000, s26;
	s16 =	smax.u32 s1, $0x1;
	(pc) =	sbr.rel .LBB2_1-.Ltmp0, $4  }
0x13: {  	s1 =	simm.s32 $0x200;
	s5 =	sadd.s32 $0x18200, s5;
	s8 =	sor.u32 $0x1C02, s6  }
0x14: {  	s15 =	sadd.s32 $0x3FA00, s0;
	s0 =	simm.s32 $0x6;
	s14 =	sshrl.u32 s11, $0x3  }
0x15: {  	[dreg:$0x5] =	wrdreg s5;
	s11 =	sadd.s32 $0x4000, s26;
	s14 =	sadd.s32 s13, s14  }
0x16: {  	v0 =	vimm.f32 $0.0e+00;
	s13 =	sadd.s32 $0x8000, s26;
	s26 =	simm.s32 $0x100;
	s14 =	sadd.s32 $0xA00, s14  }
.LBB2_9:
0x17: {  	_ =	swait.ge [sflag:s0], $0x2000  }
0x18: {  	s19 =	sadd.s32 $0x1, s19;
	[sflag:s0] =	ssyncset.done $0x0  }
0x19: {  	s5 =	sor.u32 $0x1C07, s6;
	p0 =	sne.s32 s19, s16;
	[sflag:s0] =	ssyncadd.s32 $0xFFFFE000  }
.Ltmp1:
0x1a: {  	s7 =	sshrl.u32 s9, $0x3;
	[bflag:$0x0] =	sbarrier.arrive $0xFFFF;
	(pc) =	sbr.rel @!p0 .LBB2_10-.Ltmp1, $4  }
0x1b: {  	[hbm:s15], [sflag:s5] =	dma.local [spmem:s7], $0x13C0  }
0x1c: {  	_ =	swait.ge [sflag:s22], $0x13C0  }
0x1d: {  	[sflag:s22] =	ssyncset.done $0x0  }
0x1e: {  	[sflag:s22] =	ssyncadd.s32 $0xFFFFEC40  }
.LBB2_1:
0x1f: {  	s5 =	rddreg [dreg:$0x4]  }
0x20: {  	[tilespmem:s4], [sflag:$0x1] =	stream.linear.gather [hbm4b:s5+s4], $0x5000, $0x38;
	[tilespmem:$0x1CC00] =	vst v63  }
0x21: {  	s7 =	simm.s32 $0x8;
	s20 =	simm.s32 $0x10;
	s5 =	rddreg [dreg:$0x5]  }
0x22: {  	[spmem:s17@s7], [sflag:s8] =	dma.strided [hbm:s5@s20], $0x13C0, s18, $0x8   }
0x23: {  	s20 =	simm.s32 $0x100;
	s5 =	simm.s32 $0x0  }
.LBB2_2:
0x24: {  	p0 =	sne.s32 s20, $0x7F00;
	[tilespmem:s5+$0x5030] =	vst v0;
	s7 =	smov.u32 s20;
	s20 =	sadd.s32 $0x100, s20  }
.Ltmp2:
0x25: {  	[tilespmem:s5+$0x5020] =	vst v0;
	(pc) =	sbr.rel @p0 .LBB2_2-.Ltmp2, $3  }
0x26: {  	[tilespmem:s5+$0x5000] =	vst v0  }
0x27: {  	[tilespmem:s5+$0x5010] =	vst v0;
	_ =	sdelay $0x1  }
0x28: {  	s5 =	sshra.s32 s7, $0x2  }
0x29: {  	[tilespmem:s5+$0x5030] =	vst v0  }
0x2a: {  	[tilespmem:s5+$0x5020] =	vst v0  }
0x2b: {  	[tilespmem:s5+$0x5000] =	vst v0  }
0x2c: {  	[tilespmem:s5+$0x5010] =	vst v0  }
0x2d: {  	[spmem:s9] =	stream.linear.scatter [tilespmem:s21], [sflag:$0x7], $0x2000, $0x38;
	[tilespmem:$0x1CC00] =	vst v63  }
0x2e: {  	_ =	swait.ge [sflag:s22], $0x2000  }
0x2f: {  	[sflag:s22] =	ssyncset.done $0x0  }
0x30: {  	[sflag:s22] =	ssyncadd.s32 $0xFFFFE000  }
0x31: {  	[spmem:s10] =	stream.linear.scatter [tilespmem:s21], [sflag:$0x7], $0x2000, $0x38;
	[tilespmem:$0x1CC00] =	vst v63  }
0x32: {  	_ =	swait.ge [sflag:s22], $0x2000  }
0x33: {  	[sflag:s22] =	ssyncset.done $0x0  }
0x34: {  	[sflag:s22] =	ssyncadd.s32 $0xFFFFE000  }
0x35: {  	[spmem:s11] =	stream.linear.scatter [tilespmem:s21], [sflag:$0x7], $0x2000, $0x38;
	[tilespmem:$0x1CC00] =	vst v63  }
0x36: {  	_ =	swait.ge [sflag:s22], $0x2000  }
0x37: {  	[sflag:s22] =	ssyncset.done $0x0  }
0x38: {  	[sflag:s22] =	ssyncadd.s32 $0xFFFFE000  }
0x39: {  	[spmem:s12] =	stream.linear.scatter [tilespmem:s21], [sflag:$0x7], $0x2000, $0x38;
	[tilespmem:$0x1CC00] =	vst v63  }
0x3a: {  	_ =	swait.ge [sflag:s22], $0x2000  }
0x3b: {  	[sflag:s22] =	ssyncset.done $0x0  }
0x3c: {  	[sflag:s22] =	ssyncadd.s32 $0xFFFFE000  }
0x3d: {  	[spmem:s13] =	stream.linear.scatter [tilespmem:s21], [sflag:$0x7], $0x1E00, $0x38;
	[tilespmem:$0x1CC00] =	vst v63  }
0x3e: {  	_ =	swait.ge [sflag:s22], $0x1E00  }
0x3f: {  	[sflag:s22] =	ssyncset.done $0x0  }
0x40: {  	[sflag:s22] =	ssyncadd.s32 $0xFFFFE200  }
0x41: {  	_ =	swait.ge [sflag:s18], $0x5000  }
0x42: {  	[sflag:s18] =	ssyncset.done $0x0  }
0x43: {  	[sflag:s18] =	ssyncadd.s32 $0xFFFFB000  }
0x44: {  	_ =	swait.ge [sflag:s23], $0x13C0  }
0x45: {  	[sflag:s23] =	ssyncset.done $0x0  }
0x46: {  	[sflag:s23] =	ssyncadd.s32 $0xFFFFEC40  }
0x47: {  	[bflag:$0x0] =	sbarrier.arrive $0xFFFF  }
0x48: {  	[tilespmem:s21], [sflag:$0x3] =	stream.indirect.gather [spmem:s2], $0x40, s4, s24, $0xb8;
	[tilespmem:$0x1CC00] =	vst v63  }
0x49: {  	_ =	swait.ge [sflag:s25], $0x2000  }
0x4a: {  	[sflag:s25] =	ssyncset.done $0x0  }
0x4b: {  	[sflag:s25] =	ssyncadd.s32 $0xFFFFE000  }
0x4c: {  	[spmem:s3] =	stream.indirect.scatter.add.f32 [tilespmem:s21], [sflag:$0x5], $0x40, s24, s24, $0xb8;
	[tilespmem:$0x1CC00] =	vst v63  }
0x4d: {  	_ = 	snop  }
0x4e: {  	[tilespmem:s28], [sflag:$0x4] =	stream.indirect.gather [spmem:s2], $0x40, s26, s24, $0xb8;
	[tilespmem:$0x1CC00] =	vst v63  }
0x4f: {  	_ =	swait.ge [sflag:s29], $0x2000  }
0x50: {  	[sflag:s29] =	ssyncset.done $0x0  }
0x51: {  	[sflag:s29] =	ssyncadd.s32 $0xFFFFE000  }
0x52: {  	[spmem:s3] =	stream.indirect.scatter.add.f32 [tilespmem:s28], [sflag:$0x6], $0x40, s30, s24, $0xb8;
	[tilespmem:$0x1CC00] =	vst v63  }
0x53: {  	_ =	swait.ge [sflag:s31], $0x2000  }
0x54: {  	[sflag:s31] =	ssyncset.done $0x0  }
0x55: {  	s20 =	simm.s32 $0xFFFED000;
	[sflag:s31] =	ssyncadd.s32 $0xFFFFE000  }
0x56: {  	[tilespmem:s21], [sflag:$0x3] =	stream.indirect.gather [spmem:s2], $0x40, s1, s24, $0xb8;
	[tilespmem:$0x1CC00] =	vst v63  }
.LBB2_4:
0x57: {  	_ =	swait.ge [sflag:s25], $0x2000  }
0x58: {  	s5 =	sshra.s32 s20, $0x2;
	[sflag:s25] =	ssyncset.done $0x0  }
0x59: {  	s7 =	sadd.s32 $0x4E80, s5;
	[sflag:s25] =	ssyncadd.s32 $0xFFFFE000  }
0x5a: {  	[spmem:s3] =	stream.indirect.scatter.add.f32 [tilespmem:s21], [sflag:$0x5], $0x40, s7, s24, $0xb8;
	[tilespmem:$0x1CC00] =	vst v63  }
0x5b: {  	_ =	swait.ge [sflag:s0], $0x2000  }
0x5c: {  	[sflag:s0] =	ssyncset.done $0x0  }
0x5d: {  	s7 =	sadd.s32 $0x4F00, s5;
	[sflag:s0] =	ssyncadd.s32 $0xFFFFE000  }
0x5e: {  	[tilespmem:s28], [sflag:$0x4] =	stream.indirect.gather [spmem:s2], $0x40, s7, s24, $0xb8;
	[tilespmem:$0x1CC00] =	vst v63  }
0x5f: {  	_ =	swait.ge [sflag:s29], $0x2000  }
0x60: {  	p0 =	seq.s32 s20, $0x0;
	[sflag:s29] =	ssyncset.done $0x0  }
.Ltmp3:
0x61: {  	s7 =	sadd.s32 $0x4F80, s5;
	[sflag:s29] =	ssyncadd.s32 $0xFFFFE000;
	(pc) =	sbr.rel @p0 .LBB2_6-.Ltmp3, $4  }
0x62: {  	[spmem:s3] =	stream.indirect.scatter.add.f32 [tilespmem:s28], [sflag:$0x6], $0x40, s7, s24, $0xb8;
	[tilespmem:$0x1CC00] =	vst v63  }
0x63: {  	_ =	swait.ge [sflag:s31], $0x2000  }
0x64: {  	[sflag:s31] =	ssyncset.done $0x0  }
0x65: {  	[sflag:s31] =	ssyncadd.s32 $0xFFFFE000  }
.Ltmp4:
0x66: {  	(pc) =	sbr.rel .LBB2_4-.Ltmp4, $3  }
0x67: {  	_ =	sdelay $0x1  }
0x68: {  	s5 =	sadd.s32 $0x5000, s5;
	s20 =	sadd.s32 $0x800, s20  }
0x69: {  	[tilespmem:s21], [sflag:$0x3] =	stream.indirect.gather [spmem:s2], $0x40, s5, s24, $0xb8;
	[tilespmem:$0x1CC00] =	vst v63  }
.LBB2_6:
0x6a: {  	_ =	swait.ge [sflag:s0], $0x2000  }
0x6b: {  	[sflag:s0] =	ssyncset.done $0x0  }
0x6c: {  	[sflag:s0] =	ssyncadd.s32 $0xFFFFE000  }
0x6d: {  	[tilespmem:s4], [sflag:$0x7] =	stream.linear.gather [hbm4b:s14+s4], $0x5000, $0x38;
	[tilespmem:$0x1CC00] =	vst v63  }
0x6e: {  	_ =	swait.ge [sflag:s22], $0x5000  }
0x6f: {  	[sflag:s22] =	ssyncset.done $0x0  }
0x70: {  	[sflag:s22] =	ssyncadd.s32 $0xFFFFB000  }
0x71: {  	[tilespmem:s21], [sflag:$0x3] =	stream.indirect.gather [spmem:s2], $0x40, s4, s24, $0xb8;
	[tilespmem:$0x1CC00] =	vst v63  }
0x72: {  	_ =	swait.ge [sflag:s25], $0x2000  }
0x73: {  	[sflag:s25] =	ssyncset.done $0x0  }
0x74: {  	[sflag:s25] =	ssyncadd.s32 $0xFFFFE000  }
0x75: {  	[spmem:s3] =	stream.indirect.scatter.add.f32 [tilespmem:s21], [sflag:$0x5], $0x40, s24, s24, $0xb8;
	[tilespmem:$0x1CC00] =	vst v63  }
0x76: {  	_ = 	snop  }
0x77: {  	[tilespmem:s28], [sflag:$0x4] =	stream.indirect.gather [spmem:s2], $0x40, s26, s24, $0xb8;
	[tilespmem:$0x1CC00] =	vst v63  }
0x78: {  	_ =	swait.ge [sflag:s29], $0x2000  }
0x79: {  	[sflag:s29] =	ssyncset.done $0x0  }
0x7a: {  	[sflag:s29] =	ssyncadd.s32 $0xFFFFE000  }
0x7b: {  	[spmem:s3] =	stream.indirect.scatter.add.f32 [tilespmem:s28], [sflag:$0x6], $0x40, s30, s24, $0xb8;
	[tilespmem:$0x1CC00] =	vst v63  }
0x7c: {  	_ =	swait.ge [sflag:s31], $0x2000  }
0x7d: {  	[sflag:s31] =	ssyncset.done $0x0  }
0x7e: {  	s20 =	simm.s32 $0xFFFED000;
	[sflag:s31] =	ssyncadd.s32 $0xFFFFE000  }
0x7f: {  	[tilespmem:s21], [sflag:$0x3] =	stream.indirect.gather [spmem:s2], $0x40, s1, s24, $0xb8;
	[tilespmem:$0x1CC00] =	vst v63  }
.LBB2_7:
0x80: {  	_ =	swait.ge [sflag:s25], $0x2000  }
0x81: {  	s5 =	sshra.s32 s20, $0x2;
	[sflag:s25] =	ssyncset.done $0x0  }
0x82: {  	s7 =	sadd.s32 $0x4E80, s5;
	[sflag:s25] =	ssyncadd.s32 $0xFFFFE000  }
0x83: {  	[spmem:s3] =	stream.indirect.scatter.add.f32 [tilespmem:s21], [sflag:$0x5], $0x40, s7, s24, $0xb8;
	[tilespmem:$0x1CC00] =	vst v63  }
0x84: {  	_ =	swait.ge [sflag:s0], $0x2000  }
0x85: {  	[sflag:s0] =	ssyncset.done $0x0  }
0x86: {  	s7 =	sadd.s32 $0x4F00, s5;
	[sflag:s0] =	ssyncadd.s32 $0xFFFFE000  }
0x87: {  	[tilespmem:s28], [sflag:$0x4] =	stream.indirect.gather [spmem:s2], $0x40, s7, s24, $0xb8;
	[tilespmem:$0x1CC00] =	vst v63  }
0x88: {  	_ =	swait.ge [sflag:s29], $0x2000  }
0x89: {  	p0 =	seq.s32 s20, $0x0;
	[sflag:s29] =	ssyncset.done $0x0  }
.Ltmp5:
0x8a: {  	s7 =	sadd.s32 $0x4F80, s5;
	[sflag:s29] =	ssyncadd.s32 $0xFFFFE000;
	(pc) =	sbr.rel @p0 .LBB2_9-.Ltmp5, $4  }
0x8b: {  	[spmem:s3] =	stream.indirect.scatter.add.f32 [tilespmem:s28], [sflag:$0x6], $0x40, s7, s24, $0xb8;
	[tilespmem:$0x1CC00] =	vst v63  }
0x8c: {  	_ =	swait.ge [sflag:s31], $0x2000  }
0x8d: {  	[sflag:s31] =	ssyncset.done $0x0  }
0x8e: {  	[sflag:s31] =	ssyncadd.s32 $0xFFFFE000  }
.Ltmp6:
0x8f: {  	(pc) =	sbr.rel .LBB2_7-.Ltmp6, $3  }
0x90: {  	_ =	sdelay $0x1  }
0x91: {  	s5 =	sadd.s32 $0x5000, s5;
	s20 =	sadd.s32 $0x800, s20  }
0x92: {  	[tilespmem:s21], [sflag:$0x3] =	stream.indirect.gather [spmem:s2], $0x40, s5, s24, $0xb8;
	[tilespmem:$0x1CC00] =	vst v63  }
.LBB2_10:
0x93: {  	_ =	sfence.sel $0x180000  }
0x94: {  	[bflag:$0x0] =	sbarrier.arrive $0xFFFF  }
0x95: {  	_ =	strace $0x90000047  }
0x96: {  	s0 =	stileid.u32;
	[bflag:$0x2] =	sbarrier.arrive $0xFFFF  }
0x97: {  	p0 =	sne.s32 s0, $0x0;
	s0 =	rddreg [dreg:$0x3]  }
0x98: {  	s0 =	sadd.s32 @!p0 $0x100000, s0  }
0x99: {  	[sflag:s0] =	ssyncadd.tile.s32 @!p0 $0x1;
	_ =	shalt  }
.Lfunc_end2:
_tile_overlayer_lowered:
.L_overlay_start_2:
0x9a: {  	(tag) =	ssettag $0x2  }
0x9b: {  	s0 =	rddreg [dreg:$0x0];
	s2 =	stileid.u32  }
0x9c: {  	s1 =	rddreg [dreg:$0x1];
	p0 =	sne.s32 s2, $0x0  }
0x9d: {  	s3 =	rddreg [dreg:$0x2];
	[bflag:$0x3] =	sbarrier.arrive $0xFFFF;
	s2 =	simm.s32 @!p0 $0x1C07  }
0x9e: {  	[timem:s3], [sflag:s2] =	dma.local @!p0 [hbm:s0], s1  }
0x9f: {  	s0 =	simm.s32 @!p0 $0x7  }
0xa0: {  	_ =	swait.ge @!p0 [sflag:s0], s1  }
0xa1: {  	s1 =	ssub.s32 @!p0 $0x0, s1;
	[sflag:s0] =	ssyncset.done @!p0 $0x0  }
0xa2: {  	[sflag:s0] =	ssyncadd.s32 @!p0 s1  }
0xa3: {  	[bflag:$0x3] =	sbarrier.arrive $0xFFFF  }
0xa4: {  	_ =	shalt  }

// kernel: kernel.13.cloned.1.call-start
scs
__scs_entry_jumppad:
0x0: {  	(pc) =	sbr.rel $0x88, $3  }
0x1: {  	(tag) =	ssettag $0x0;
	lr =	simm.s32 $0x1  }
0x2: {  	[smem:$0x3F8E] =	sst lr;
	_ =	strace $0xD0000000  }
0x3: {  	_ = 	snop  }
0x4: {  	_ = 	snop  }
0x5: {  	_ = 	snop  }
0x6: {  	_ = 	snop  }
0x7: {  	_ = 	snop  }
__scs_overlays_trampoline_lowered:
0x8: {  	[smem:$0x3F9D] =	sst s0  }
0x9: {  	[smem:$0x3F9E] =	sst s1  }
0xa: {  	[smem:$0x3F9F] =	sst s2  }
0xb: {  	[smem:$0x3FA0] =	sst s3  }
0xc: {  	[smem:$0x3FA1] =	sst s4  }
0xd: {  	[smem:$0x3FA2] =	sst s5  }
0xe: {  	[smem:$0x3FA3] =	sst s6  }
0xf: {  	[smem:$0x3FA4] =	sst s7  }
0x10: {  	[smem:$0x3FA5] =	sst s8  }
0x11: {  	[smem:$0x3FA6] =	sst s9;
	s0 =	simm.s32 @!p0 $0x0  }
0x12: {  	s1 =	sld [smem:$0x3F8C];
	s0 =	simm.s32 @p0 $0x1  }
0x13: {  	[smem:$0x3FA7] =	sst s0;
	s0 =	simm.s32 @!p1 $0x0  }
0x14: {  	s2 =	sld [smem:$0x3F8B];
	s0 =	simm.s32 @p1 $0x1  }
0x15: {  	[smem:$0x3FA8] =	sst s0;
	s0 =	simm.s32 @!p2 $0x0  }
0x16: {  	s3 =	sld [smem:$0x3FDB];
	s0 =	simm.s32 @p2 $0x1  }
0x17: {  	s4 =	simm.s32 $0x1BF5;
	[smem:$0x3FAA] =	sst s0  }
0x18: {  	s0 =	sld [smem:$0x3F8D];
	_ =	swait.ge [sflag:s4], $0x0  }
0x19: {  	s7 =	sld [smem:$0x3F8E]  }
0x1a: {  	s8 =	sadd.s32 $0xFFFFE003, lr  }
0x1b: {  	s9 =	sadd.s32 $0xFFFFFEF7, lr;
	s5 =	simm.s32 $0xFFFFFFFF;
	p2 =	slt.u32 s8, $0xFFFFF086  }
0x1c: {  	p1 =	slt.u32 s9, $0xF7A;
	s5 =	simm.s32 @!p2 $0x0  }
0x1d: {  	s5 =	simm.s32 @p1 $0x1;
	p0 =	seq.s32 s7, s2  }
0x1e: {  	s7 =	smul.u32 @!p0 $0xF7A, s2;
	p2 =	seq.s32 @!p0 s5, $0x0  }
0x1f: {  	s9 =	smul.u32 $0xF7A, s1;
	s8 =	simm.s32 @!p0 $0x1BF5;
	p2 =	por !p2, p0  }
0x20: {  	[sflag:s8] =	ssyncset.s32 @!p0 $0xFFFFF086;
	s6 =	sadd.s32 @!p0 s3, s7;
	s7 =	simm.s32 @!p0 $0x108  }
0x21: {  	s3 =	sadd.s32 s3, s9;
	s6 =	sadd.s32 @!p0 $0x88, s6;
	s7 =	simm.s32 @p2 $0x1082  }
0x22: {  	[simem:s7], [sflag:s8] =	dma.local @!p0 [hbm:s6], $0xF7A  }
0x23: {  	s9 =	sor.u32 $0xD0000000, s2;
	s6 =	simm.s32 $0x108;
	_ =	swait.ge @!p0 [sflag:s8], $0x0  }
0x24: {  	s3 =	sadd.s32 $0x88, s3;
	s6 =	simm.s32 @!p1 $0x1082;
	[sflag:s4] =	ssyncset.s32 $0xFFFFF086  }
0x25: {  	[simem:s6], [sflag:s4] =	dma.local [hbm:s3], $0xF7A  }
0x26: {  	[smem:$0x3F8E] =	sst s1;
	(tag) =	ssettag s2;
	_ =	strace s9  }
0x27: {  	s1 =	sld [smem:$0x3F9E]  }
0x28: {  	s2 =	sld [smem:$0x3F9F]  }
0x29: {  	s4 =	sld [smem:$0x3FA1]  }
0x2a: {  	p0 =	seq.s32 s5, $0x0;
	s5 =	sld [smem:$0x3FA2]  }
0x2b: {  	s6 =	sld [smem:$0x3FA3]  }
0x2c: {  	s7 =	sld [smem:$0x3FA4]  }
0x2d: {  	s3 =	simm.s32 $0x108;
	s8 =	sld [smem:$0x3FA5]  }
0x2e: {  	s3 =	simm.s32 @!p0 $0x1082;
	s9 =	sld [smem:$0x3FA6]  }
0x2f: {  	lr =	sadd.s32 s0, s3;
	s0 =	sld [smem:$0x3F9D]  }
0x30: {  	s3 =	sld [smem:$0x3FA0]  }
0x31: {  	[smem:$0x3FA9] =	sst s10  }
0x32: {  	s10 =	sld [smem:$0x3FA7];
	_ =	sdelay $0x3  }
0x33: {  	p0 =	seq.s32 s10, $0x1;
	s10 =	sld [smem:$0x3FA9];
	_ =	sdelay $0x3  }
0x34: {  	[smem:$0x3FA9] =	sst s10  }
0x35: {  	s10 =	sld [smem:$0x3FA8];
	_ =	sdelay $0x3  }
0x36: {  	p1 =	seq.s32 s10, $0x1;
	s10 =	sld [smem:$0x3FA9];
	_ =	sdelay $0x3  }
0x37: {  	[smem:$0x3FA9] =	sst s10  }
0x38: {  	s10 =	sld [smem:$0x3FAA]  }
0x39: {  	_ = 	snop;
	(pc) =	sbr.ind lr, $3  }
0x3a: {  	_ = 	snop  }
0x3b: {  	_ = 	snop  }
0x3c: {  	p2 =	seq.s32 s10, $0x1;
	s10 =	sld [smem:$0x3FA9]  }
0x3d: {  	_ =	shalt  }
0x3e: {  	_ =	shalt  }
0x3f: {  	_ =	shalt  }
0x40: {  	_ =	shalt  }
0x41: {  	_ =	shalt  }
0x42: {  	_ =	shalt  }
0x43: {  	_ =	shalt  }
0x44: {  	_ =	shalt  }
0x45: {  	_ =	shalt  }
0x46: {  	_ =	shalt  }
0x47: {  	_ =	shalt  }
0x48: {  	_ =	shalt  }
0x49: {  	_ =	shalt  }
0x4a: {  	_ =	shalt  }
0x4b: {  	_ =	shalt  }
0x4c: {  	_ =	shalt  }
0x4d: {  	_ =	shalt  }
0x4e: {  	_ =	shalt  }
0x4f: {  	_ =	shalt  }
0x50: {  	_ =	shalt  }
0x51: {  	_ =	shalt  }
0x52: {  	_ =	shalt  }
0x53: {  	_ =	shalt  }
0x54: {  	_ =	shalt  }
0x55: {  	_ =	shalt  }
0x56: {  	_ =	shalt  }
0x57: {  	_ =	shalt  }
0x58: {  	_ =	shalt  }
0x59: {  	_ =	shalt  }
0x5a: {  	_ =	shalt  }
0x5b: {  	_ =	shalt  }
0x5c: {  	_ =	shalt  }
0x5d: {  	_ =	shalt  }
0x5e: {  	_ =	shalt  }
0x5f: {  	_ =	shalt  }
0x60: {  	_ =	shalt  }
0x61: {  	_ =	shalt  }
0x62: {  	_ =	shalt  }
0x63: {  	_ =	shalt  }
0x64: {  	_ =	shalt  }
0x65: {  	_ =	shalt  }
0x66: {  	_ =	shalt  }
0x67: {  	_ =	shalt  }
0x68: {  	_ =	shalt  }
0x69: {  	_ =	shalt  }
0x6a: {  	_ =	shalt  }
0x6b: {  	_ =	shalt  }
0x6c: {  	_ =	shalt  }
0x6d: {  	_ =	shalt  }
0x6e: {  	_ =	shalt  }
0x6f: {  	_ =	shalt  }
0x70: {  	_ =	shalt  }
0x71: {  	_ =	shalt  }
0x72: {  	_ =	shalt  }
0x73: {  	_ =	shalt  }
0x74: {  	_ =	shalt  }
0x75: {  	_ =	shalt  }
0x76: {  	_ =	shalt  }
0x77: {  	_ =	shalt  }
0x78: {  	_ =	shalt  }
0x79: {  	_ =	shalt  }
0x7a: {  	_ =	shalt  }
0x7b: {  	_ =	shalt  }
0x7c: {  	_ =	shalt  }
0x7d: {  	_ =	shalt  }
0x7e: {  	_ =	shalt  }
0x7f: {  	_ =	shalt  }
0x80: {  	_ =	shalt  }
0x81: {  	_ =	shalt  }
0x82: {  	_ =	shalt  }
0x83: {  	_ =	shalt  }
0x84: {  	_ =	shalt  }
0x85: {  	_ =	shalt  }
0x86: {  	_ =	shalt  }
0x87: {  	_ =	shalt  }
.Lfunc_end0:
.L_simem_size_0:
called_computation.1_lowered:
.L_overlay_start_0:
0x88: {  	s2 =	sld [smem:$0x3FD9]  }
0x89: {  	s3 =	sld [smem:$0x3FFE];
	_ =	sdelay $0x1  }
0x8a: {  	s1 =	srdreg.scid  }
0x8b: {  	s0 =	sand.u32 $0x1, s1  }
0x8c: {  	s16 =	sshll.u32 s0, $0xA;
	s2 =	sadd.s32 s3, s2  }
0x8d: {  	s2 =	sadd.s32 s2, s16  }
0x8e: {  	[smem:$0x3FB5] =	sst s2  }
0x8f: {  	_ = 	snop  }
0x90: {  	(tm) =	ssettm $0x1  }
0x91: {  	s17 =	sld [smem:$0x3FFB];
	_ =	sdelay $0x3  }
0x92: {  	_ =	strace s17  }
0x93: {  	s2 =	sld [smem:$0x3FFC];
	_ =	sdelay $0x3  }
0x94: {  	_ =	strace s2  }
0x95: {  	s2 =	sld [smem:$0x3FFD];
	_ =	sdelay $0x3  }
0x96: {  	_ =	strace s2  }
0x97: {  	_ =	strace $0x8FFFFFFF  }
0x98: {  	s18 =	sld [smem:$0x3FDB];
	_ =	sdelay $0x1  }
0x99: {  	s19 =	simm.s32 $_scs_section_size  }
0x9a: {  	s4 =	simm.s32 $_size__tile_overlayer_lowered;
	s5 =	simm.s32 $_tile_overlayer_lowered  }
0x9b: {  	s22 =	simm.s32 $0x1BFF;
	s21 =	sshll.u32 s5, $0x1;
	s2 =	sadd.s32 s19, s18  }
0x9c: {  	s6 =	simm.s32 $0x0;
	s20 =	sshll.u32 s4, $0x1;
	s4 =	sadd.s32 s21, s2  }
0x9d: {  	[timem:s6], [sflag:s22] =	dma.local [hbm:s4], s20  }
0x9e: {  	_ =	swait.ge [sflag:s22], s20  }
0x9f: {  	s3 =	ssub.s32 $0x0, s20;
	[sflag:s22] =	ssyncset.done $0x0  }
0xa0: {  	[sflag:s22] =	ssyncadd.s32 s3;
	_ =	sdelay $0x1  }
0xa1: {  	s23 =	simm.s32 $0x1B8B  }
0xa2: {  	_ =	swait.ge [sflag:s23], $0x1  }
0xa3: {  	[sflag:s23] =	ssyncset.done $0x0  }
0xa4: {  	s25 =	simm.s32 $0x1B8E;
	s24 =	sld [smem:$0x3FFE];
	[sflag:s23] =	ssyncadd.s32 $0xFFFFFFFF  }
0xa5: {  	s26 =	simm.s32 $execute0_lowered;
	[smem:$0x3FD2] =	sst s25  }
0xa6: {  	s4 =	sshll.u32 s26, $0x1;
	_ =	strace $0x80000049;
	[dreg:$0x1] =	wrdreg $0xFFFFFFFF  }
0xa7: {  	s28 =	simm.s32 $_size_execute0_lowered;
	s2 =	sadd.s32 s2, s4;
	[dreg:$0x0] =	wrdreg $0x0  }
0xa8: {  	s4 =	sshll.u32 s28, $0x1;
	[dreg:$0x2] =	wrdreg s2  }
0xa9: {  	[dreg:$0x3] =	wrdreg s4  }
0xaa: {  	[dreg:$0x4] =	wrdreg $0xC0  }
0xab: {  	_ =	task [dreg:s6], $0x5FFFF  }
0xac: {  	[dreg:$0x1] =	wrdreg $0xFFFFFFFF  }
0xad: {  	[dreg:$0x0] =	wrdreg $0x60  }
0xae: {  	[dreg:$0x2] =	wrdreg s24  }
0xaf: {  	[dreg:$0x3] =	wrdreg $0x90000  }
0xb0: {  	[dreg:$0x4] =	wrdreg $0x12E000  }
0xb1: {  	[dreg:$0x5] =	wrdreg $0x9  }
0xb2: {  	_ =	task.clear_ibuf [dreg:s6], $0x6FFFF;
	_ =	strace $0x90000049  }
0xb3: {  	s29 =	simm.s32 $0x9;
	_ =	strace $0x8000004B  }
0xb4: {  	_ =	swait.ge [sflag:s29], $0x1  }
0xb5: {  	[sflag:s29] =	ssyncadd.s32 $0xFFFFFFFF  }
0xb6: {  	_ =	strace $0x9000004B  }
0xb7: {  	_ =	sfence  }
0xb8: {  	s30 =	sld [smem:$0x0];
	_ =	sdelay $0x2  }
0xb9: {  	s31 =	sshll.u32 s1, $0xD;
	s1 =	sshrl.u32 s1, $0x2  }
0xba: {  	s3 =	sand.u32 $0x4000, s31;
	s1 =	sadd.s32 s1, s30  }
0xbb: {  	s0 =	sor.u32 s3, s0;
	s1 =	sshll.u32 s1, $0x11  }
0xbc: {  	s0 =	sor.u32 s1, s0  }
0xbd: {  	s0 =	sadd.s32 $0x8F2B, s0  }
0xbe: {  	[sflag:s0] =	ssyncadd.remote.s32 $0x1  }
0xbf: {  	_ =	sfence.sel $0xFFFF  }
0xc0: {  	[dreg:$0x0] =	wrdreg $0xFFFFFFFF;
	(pc) =	sbr.abs _section_cstart, $3  }
0xc1: {  	[dreg:$0x1] =	wrdreg $0xFFFFFFFF  }
0xc2: {  	_ =	task.clear_ibuf [dreg:s6], $0x2FFFF;
	_ =	strace $0x9FFFFFFF  }
0xc3: {  	(tm) =	ssettm $0x7FFFFFFF  }
tec
execute0_lowered:
.L_overlay_start_1:
0x0: {  	(tag) =	ssettag $0x1  }
0x1: {  	s0 =	srdreg.scid;
	s1 =	rddreg [dreg:$0x0]  }
0x2: {  	s10 =	stileid.u32;
	s2 =	rddreg [dreg:$0x1];
	s17 =	simm.s32 $0x5000  }
0x3: {  	s18 =	simm.s32 $0x7;
	s19 =	simm.s32 $0x1;
	s20 =	simm.s32 $0x2  }
0x4: {  	s21 =	simm.s32 $0x80;
	s22 =	simm.s32 $0x3;
	s9 =	smul.u32 $0x9E00, s10  }
0x5: {  	s28 =	simm.s32 $0x5;
	s29 =	simm.s32 $0x200;
	s6 =	smul.u32 $0x13C0, s10  }
0x6: {  	s30 =	simm.s32 $0x6;
	s0 =	sand.u32 $0x1, s0;
	s25 =	smul.u32 $0x27800, s10  }
0x7: {  	s31 =	simm.s32 $0x0;
	s3 =	sshll.u32 s0, $0x4;
	s8 =	smul.u32 $0x13C00, s0  }
0x8: {  	s0 =	ssub.s32 $0x2, s0;
	s4 =	sor.u32 s10, s3;
	s3 =	rddreg [dreg:$0x2]  }
0x9: {  	s7 =	sshrl.u32 s9, $0x3;
	s24 =	sshrl.u32 s0, $0x1;
	s16 =	sadd.s32 s9, s2  }
0xa: {  	s26 =	sshrl.u32 s25, $0x2;
	s25 =	simm.s32 $0x4;
	s5 =	smul.u32 $0xA00, s4  }
0xb: {  	s4 =	simm.s32 $0x0;
	s7 =	sadd.s32 s7, s1;
	s6 =	sadd.s32 s6, s8  }
0xc: {  	s0 =	ssub.s32 s0, s24;
	s9 =	sadd.s32 s9, s3;
	s13 =	sadd.s32 s26, s3  }
0xd: {  	s16 =	sshrl.u32 s16, $0x3;
	s24 =	simm.s32 $0x7000;
	s26 =	simm.s32 $0x180  }
.Ltmp0:
0xe: {  	[smem:$0x7FF] =	sst s4;
	s11 =	sadd.s32 $0x4000, s13;
	(pc) =	sbr.rel .LBB2_1-.Ltmp0, $4  }
0xf: {  	s12 =	sadd.s32 $0x6000, s13;
	s15 =	smax.u32 s0, $0x1;
	_ =	strace $0x8000004A  }
0x10: {  	s5 =	sadd.s32 s5, s1;
	s1 =	sadd.s32 s6, s1;
	s6 =	sadd.s32 $0x18200, s7  }
0x11: {  	s7 =	sshll.u32 s10, $0x6;
	s10 =	sadd.s32 $0x2000, s13;
	s13 =	sadd.s32 $0x8000, s13  }
0x12: {  	v0 =	vimm.f32 $0.0e+00;
	s5 =	sadd.s32 $0x4200, s5;
	s8 =	sor.u32 $0x1C02, s7;
	s14 =	sadd.s32 $0x2BE00, s1  }
.LBB2_6:
0x13: {  	_ =	swait.ge [sflag:s30], $0x2000  }
0x14: {  	s31 =	sadd.s32 $0x1, s31;
	[sflag:s30] =	ssyncset.done $0x0  }
0x15: {  	s0 =	sor.u32 $0x1C07, s7;
	p0 =	sne.s32 s31, s15;
	[sflag:s30] =	ssyncadd.s32 $0xFFFFE000  }
.Ltmp1:
0x16: {  	s1 =	sshrl.u32 s9, $0x3;
	[bflag:$0x0] =	sbarrier.arrive $0xFFFF;
	(pc) =	sbr.rel @!p0 .LBB2_7-.Ltmp1, $4  }
0x17: {  	[hbm:s14], [sflag:s0] =	dma.local [spmem:s1], $0x13C0  }
0x18: {  	_ =	swait.ge [sflag:s18], $0x13C0  }
0x19: {  	[sflag:s18] =	ssyncset.done $0x0  }
0x1a: {  	[sflag:s18] =	ssyncadd.s32 $0xFFFFEC40  }
.LBB2_1:
0x1b: {  	[tilespmem:s4], [sflag:$0x1] =	stream.linear.gather [hbm4b:s5+s4], $0x5000, $0x38;
	[tilespmem:$0x1CC00] =	vst v63  }
0x1c: {  	s1 =	simm.s32 $0x100;
	s0 =	simm.s32 $0x0  }
0x1d: {  	[spmem:s16], [sflag:s8] =	dma.local [hbm:s6], $0x13C0  }
.LBB2_2:
0x1e: {  	p0 =	sne.s32 s1, $0x7F00;
	[tilespmem:s0+$0x5030] =	vst v0;
	s23 =	smov.u32 s1;
	s1 =	sadd.s32 $0x100, s1  }
.Ltmp2:
0x1f: {  	[tilespmem:s0+$0x5020] =	vst v0;
	(pc) =	sbr.rel @p0 .LBB2_2-.Ltmp2, $3  }
0x20: {  	[tilespmem:s0+$0x5000] =	vst v0  }
0x21: {  	[tilespmem:s0+$0x5010] =	vst v0;
	_ =	sdelay $0x1  }
0x22: {  	s0 =	sshra.s32 s23, $0x2  }
0x23: {  	[tilespmem:s0+$0x5030] =	vst v0  }
0x24: {  	[tilespmem:s0+$0x5020] =	vst v0  }
0x25: {  	[tilespmem:s0+$0x5000] =	vst v0  }
0x26: {  	[tilespmem:s0+$0x5010] =	vst v0  }
0x27: {  	[spmem:s9] =	stream.linear.scatter [tilespmem:s17], [sflag:$0x7], $0x2000, $0x38;
	[tilespmem:$0x1CC00] =	vst v63  }
0x28: {  	_ =	swait.ge [sflag:s18], $0x2000  }
0x29: {  	[sflag:s18] =	ssyncset.done $0x0  }
0x2a: {  	[sflag:s18] =	ssyncadd.s32 $0xFFFFE000  }
0x2b: {  	[spmem:s10] =	stream.linear.scatter [tilespmem:s17], [sflag:$0x7], $0x2000, $0x38;
	[tilespmem:$0x1CC00] =	vst v63  }
0x2c: {  	_ =	swait.ge [sflag:s18], $0x2000  }
0x2d: {  	[sflag:s18] =	ssyncset.done $0x0  }
0x2e: {  	[sflag:s18] =	ssyncadd.s32 $0xFFFFE000  }
0x2f: {  	[spmem:s11] =	stream.linear.scatter [tilespmem:s17], [sflag:$0x7], $0x2000, $0x38;
	[tilespmem:$0x1CC00] =	vst v63  }
0x30: {  	_ =	swait.ge [sflag:s18], $0x2000  }
0x31: {  	[sflag:s18] =	ssyncset.done $0x0  }
0x32: {  	[sflag:s18] =	ssyncadd.s32 $0xFFFFE000  }
0x33: {  	[spmem:s12] =	stream.linear.scatter [tilespmem:s17], [sflag:$0x7], $0x2000, $0x38;
	[tilespmem:$0x1CC00] =	vst v63  }
0x34: {  	_ =	swait.ge [sflag:s18], $0x2000  }
0x35: {  	[sflag:s18] =	ssyncset.done $0x0  }
0x36: {  	[sflag:s18] =	ssyncadd.s32 $0xFFFFE000  }
0x37: {  	[spmem:s13] =	stream.linear.scatter [tilespmem:s17], [sflag:$0x7], $0x1E00, $0x38;
	[tilespmem:$0x1CC00] =	vst v63  }
0x38: {  	_ =	swait.ge [sflag:s18], $0x1E00  }
0x39: {  	[sflag:s18] =	ssyncset.done $0x0  }
0x3a: {  	[sflag:s18] =	ssyncadd.s32 $0xFFFFE200  }
0x3b: {  	_ =	swait.ge [sflag:s19], $0x5000  }
0x3c: {  	[sflag:s19] =	ssyncset.done $0x0  }
0x3d: {  	[sflag:s19] =	ssyncadd.s32 $0xFFFFB000  }
0x3e: {  	_ =	swait.ge [sflag:s20], $0x13C0  }
0x3f: {  	[sflag:s20] =	ssyncset.done $0x0  }
0x40: {  	[sflag:s20] =	ssyncadd.s32 $0xFFFFEC40  }
0x41: {  	[bflag:$0x0] =	sbarrier.arrive $0xFFFF  }
0x42: {  	[tilespmem:s17], [sflag:$0x3] =	stream.indirect.gather [spmem:s2], $0x40, s4, s21, $0xb8;
	[tilespmem:$0x1CC00] =	vst v63  }
0x43: {  	_ =	swait.ge [sflag:s22], $0x2000  }
0x44: {  	[sflag:s22] =	ssyncset.done $0x0  }
0x45: {  	[sflag:s22] =	ssyncadd.s32 $0xFFFFE000  }
0x46: {  	[spmem:s3] =	stream.indirect.scatter.add.f32 [tilespmem:s17], [sflag:$0x5], $0x40, s21, s21, $0xb8;
	[tilespmem:$0x1CC00] =	vst v63  }
0x47: {  	s23 =	simm.s32 $0x100  }
0x48: {  	[tilespmem:s24], [sflag:$0x4] =	stream.indirect.gather [spmem:s2], $0x40, s23, s21, $0xb8;
	[tilespmem:$0x1CC00] =	vst v63  }
0x49: {  	_ =	swait.ge [sflag:s25], $0x2000  }
0x4a: {  	[sflag:s25] =	ssyncset.done $0x0  }
0x4b: {  	[sflag:s25] =	ssyncadd.s32 $0xFFFFE000  }
0x4c: {  	[spmem:s3] =	stream.indirect.scatter.add.f32 [tilespmem:s24], [sflag:$0x6], $0x40, s26, s21, $0xb8;
	[tilespmem:$0x1CC00] =	vst v63  }
0x4d: {  	_ =	swait.ge [sflag:s28], $0x2000  }
0x4e: {  	[sflag:s28] =	ssyncset.done $0x0  }
0x4f: {  	s1 =	simm.s32 $0xFFFED000;
	[sflag:s28] =	ssyncadd.s32 $0xFFFFE000  }
0x50: {  	[tilespmem:s17], [sflag:$0x3] =	stream.indirect.gather [spmem:s2], $0x40, s29, s21, $0xb8;
	[tilespmem:$0x1CC00] =	vst v63  }
.LBB2_4:
0x51: {  	_ =	swait.ge [sflag:s22], $0x2000  }
0x52: {  	s0 =	sshra.s32 s1, $0x2;
	[sflag:s22] =	ssyncset.done $0x0  }
0x53: {  	s23 =	sadd.s32 $0x4E80, s0;
	[sflag:s22] =	ssyncadd.s32 $0xFFFFE000  }
0x54: {  	[spmem:s3] =	stream.indirect.scatter.add.f32 [tilespmem:s17], [sflag:$0x5], $0x40, s23, s21, $0xb8;
	[tilespmem:$0x1CC00] =	vst v63  }
0x55: {  	_ =	swait.ge [sflag:s30], $0x2000  }
0x56: {  	[sflag:s30] =	ssyncset.done $0x0  }
0x57: {  	s23 =	sadd.s32 $0x4F00, s0;
	[sflag:s30] =	ssyncadd.s32 $0xFFFFE000  }
0x58: {  	[tilespmem:s24], [sflag:$0x4] =	stream.indirect.gather [spmem:s2], $0x40, s23, s21, $0xb8;
	[tilespmem:$0x1CC00] =	vst v63  }
0x59: {  	_ =	swait.ge [sflag:s25], $0x2000  }
0x5a: {  	p0 =	seq.s32 s1, $0x0;
	[sflag:s25] =	ssyncset.done $0x0  }
.Ltmp3:
0x5b: {  	s23 =	sadd.s32 $0x4F80, s0;
	[sflag:s25] =	ssyncadd.s32 $0xFFFFE000;
	(pc) =	sbr.rel @p0 .LBB2_6-.Ltmp3, $4  }
0x5c: {  	[spmem:s3] =	stream.indirect.scatter.add.f32 [tilespmem:s24], [sflag:$0x6], $0x40, s23, s21, $0xb8;
	[tilespmem:$0x1CC00] =	vst v63  }
0x5d: {  	_ =	swait.ge [sflag:s28], $0x2000  }
0x5e: {  	[sflag:s28] =	ssyncset.done $0x0  }
0x5f: {  	[sflag:s28] =	ssyncadd.s32 $0xFFFFE000  }
.Ltmp4:
0x60: {  	(pc) =	sbr.rel .LBB2_4-.Ltmp4, $3  }
0x61: {  	_ =	sdelay $0x1  }
0x62: {  	s0 =	sadd.s32 $0x5000, s0;
	s1 =	sadd.s32 $0x800, s1  }
0x63: {  	[tilespmem:s17], [sflag:$0x3] =	stream.indirect.gather [spmem:s2], $0x40, s0, s21, $0xb8;
	[tilespmem:$0x1CC00] =	vst v63  }
.LBB2_7:
0x64: {  	_ =	sfence.sel $0x180000  }
0x65: {  	[bflag:$0x0] =	sbarrier.arrive $0xFFFF  }
0x66: {  	_ =	strace $0x9000004A  }
0x67: {  	s0 =	stileid.u32;
	[bflag:$0x2] =	sbarrier.arrive $0xFFFF  }
0x68: {  	p0 =	sne.s32 s0, $0x0;
	s0 =	rddreg [dreg:$0x3]  }
0x69: {  	s0 =	sadd.s32 @!p0 $0x100000, s0  }
0x6a: {  	[sflag:s0] =	ssyncadd.tile.s32 @!p0 $0x1;
	_ =	shalt  }
.Lfunc_end2:
_tile_overlayer_lowered:
.L_overlay_start_2:
0x6b: {  	(tag) =	ssettag $0x2  }
0x6c: {  	s0 =	rddreg [dreg:$0x0];
	s2 =	stileid.u32  }
0x6d: {  	s1 =	rddreg [dreg:$0x1];
	p0 =	sne.s32 s2, $0x0  }
0x6e: {  	s3 =	rddreg [dreg:$0x2];
	[bflag:$0x3] =	sbarrier.arrive $0xFFFF;
	s2 =	simm.s32 @!p0 $0x1C07  }
0x6f: {  	[timem:s3], [sflag:s2] =	dma.local @!p0 [hbm:s0], s1  }
0x70: {  	s0 =	simm.s32 @!p0 $0x7  }
0x71: {  	_ =	swait.ge @!p0 [sflag:s0], s1  }
0x72: {  	s1 =	ssub.s32 @!p0 $0x0, s1;
	[sflag:s0] =	ssyncset.done @!p0 $0x0  }
0x73: {  	[sflag:s0] =	ssyncadd.s32 @!p0 s1  }
0x74: {  	[bflag:$0x3] =	sbarrier.arrive $0xFFFF  }
0x75: {  	_ =	shalt  }

// kernel: kernel.16.cloned.1.call-start
scs
__scs_entry_jumppad:
0x0: {  	(pc) =	sbr.rel $0x88, $3  }
0x1: {  	(tag) =	ssettag $0x0;
	lr =	simm.s32 $0x1  }
0x2: {  	[smem:$0x3F8E] =	sst lr;
	_ =	strace $0xD0000000  }
0x3: {  	_ = 	snop  }
0x4: {  	_ = 	snop  }
0x5: {  	_ = 	snop  }
0x6: {  	_ = 	snop  }
0x7: {  	_ = 	snop  }
__scs_overlays_trampoline_lowered:
0x8: {  	[smem:$0x3F9D] =	sst s0  }
0x9: {  	[smem:$0x3F9E] =	sst s1  }
0xa: {  	[smem:$0x3F9F] =	sst s2  }
0xb: {  	[smem:$0x3FA0] =	sst s3  }
0xc: {  	[smem:$0x3FA1] =	sst s4  }
0xd: {  	[smem:$0x3FA2] =	sst s5  }
0xe: {  	[smem:$0x3FA3] =	sst s6  }
0xf: {  	[smem:$0x3FA4] =	sst s7  }
0x10: {  	[smem:$0x3FA5] =	sst s8  }
0x11: {  	[smem:$0x3FA6] =	sst s9;
	s0 =	simm.s32 @!p0 $0x0  }
0x12: {  	s1 =	sld [smem:$0x3F8C];
	s0 =	simm.s32 @p0 $0x1  }
0x13: {  	[smem:$0x3FA7] =	sst s0;
	s0 =	simm.s32 @!p1 $0x0  }
0x14: {  	s2 =	sld [smem:$0x3F8B];
	s0 =	simm.s32 @p1 $0x1  }
0x15: {  	[smem:$0x3FA8] =	sst s0;
	s0 =	simm.s32 @!p2 $0x0  }
0x16: {  	s3 =	sld [smem:$0x3FDB];
	s0 =	simm.s32 @p2 $0x1  }
0x17: {  	s4 =	simm.s32 $0x1BF5;
	[smem:$0x3FAA] =	sst s0  }
0x18: {  	s0 =	sld [smem:$0x3F8D];
	_ =	swait.ge [sflag:s4], $0x0  }
0x19: {  	s7 =	sld [smem:$0x3F8E]  }
0x1a: {  	s8 =	sadd.s32 $0xFFFFE003, lr  }
0x1b: {  	s9 =	sadd.s32 $0xFFFFFEF7, lr;
	s5 =	simm.s32 $0xFFFFFFFF;
	p2 =	slt.u32 s8, $0xFFFFF086  }
0x1c: {  	p1 =	slt.u32 s9, $0xF7A;
	s5 =	simm.s32 @!p2 $0x0  }
0x1d: {  	s5 =	simm.s32 @p1 $0x1;
	p0 =	seq.s32 s7, s2  }
0x1e: {  	s7 =	smul.u32 @!p0 $0xF7A, s2;
	p2 =	seq.s32 @!p0 s5, $0x0  }
0x1f: {  	s9 =	smul.u32 $0xF7A, s1;
	s8 =	simm.s32 @!p0 $0x1BF5;
	p2 =	por !p2, p0  }
0x20: {  	[sflag:s8] =	ssyncset.s32 @!p0 $0xFFFFF086;
	s6 =	sadd.s32 @!p0 s3, s7;
	s7 =	simm.s32 @!p0 $0x108  }
0x21: {  	s3 =	sadd.s32 s3, s9;
	s6 =	sadd.s32 @!p0 $0x88, s6;
	s7 =	simm.s32 @p2 $0x1082  }
0x22: {  	[simem:s7], [sflag:s8] =	dma.local @!p0 [hbm:s6], $0xF7A  }
0x23: {  	s9 =	sor.u32 $0xD0000000, s2;
	s6 =	simm.s32 $0x108;
	_ =	swait.ge @!p0 [sflag:s8], $0x0  }
0x24: {  	s3 =	sadd.s32 $0x88, s3;
	s6 =	simm.s32 @!p1 $0x1082;
	[sflag:s4] =	ssyncset.s32 $0xFFFFF086  }
0x25: {  	[simem:s6], [sflag:s4] =	dma.local [hbm:s3], $0xF7A  }
0x26: {  	[smem:$0x3F8E] =	sst s1;
	(tag) =	ssettag s2;
	_ =	strace s9  }
0x27: {  	s1 =	sld [smem:$0x3F9E]  }
0x28: {  	s2 =	sld [smem:$0x3F9F]  }
0x29: {  	s4 =	sld [smem:$0x3FA1]  }
0x2a: {  	p0 =	seq.s32 s5, $0x0;
	s5 =	sld [smem:$0x3FA2]  }
0x2b: {  	s6 =	sld [smem:$0x3FA3]  }
0x2c: {  	s7 =	sld [smem:$0x3FA4]  }
0x2d: {  	s3 =	simm.s32 $0x108;
	s8 =	sld [smem:$0x3FA5]  }
0x2e: {  	s3 =	simm.s32 @!p0 $0x1082;
	s9 =	sld [smem:$0x3FA6]  }
0x2f: {  	lr =	sadd.s32 s0, s3;
	s0 =	sld [smem:$0x3F9D]  }
0x30: {  	s3 =	sld [smem:$0x3FA0]  }
0x31: {  	[smem:$0x3FA9] =	sst s10  }
0x32: {  	s10 =	sld [smem:$0x3FA7];
	_ =	sdelay $0x3  }
0x33: {  	p0 =	seq.s32 s10, $0x1;
	s10 =	sld [smem:$0x3FA9];
	_ =	sdelay $0x3  }
0x34: {  	[smem:$0x3FA9] =	sst s10  }
0x35: {  	s10 =	sld [smem:$0x3FA8];
	_ =	sdelay $0x3  }
0x36: {  	p1 =	seq.s32 s10, $0x1;
	s10 =	sld [smem:$0x3FA9];
	_ =	sdelay $0x3  }
0x37: {  	[smem:$0x3FA9] =	sst s10  }
0x38: {  	s10 =	sld [smem:$0x3FAA]  }
0x39: {  	_ = 	snop;
	(pc) =	sbr.ind lr, $3  }
0x3a: {  	_ = 	snop  }
0x3b: {  	_ = 	snop  }
0x3c: {  	p2 =	seq.s32 s10, $0x1;
	s10 =	sld [smem:$0x3FA9]  }
0x3d: {  	_ =	shalt  }
0x3e: {  	_ =	shalt  }
0x3f: {  	_ =	shalt  }
0x40: {  	_ =	shalt  }
0x41: {  	_ =	shalt  }
0x42: {  	_ =	shalt  }
0x43: {  	_ =	shalt  }
0x44: {  	_ =	shalt  }
0x45: {  	_ =	shalt  }
0x46: {  	_ =	shalt  }
0x47: {  	_ =	shalt  }
0x48: {  	_ =	shalt  }
0x49: {  	_ =	shalt  }
0x4a: {  	_ =	shalt  }
0x4b: {  	_ =	shalt  }
0x4c: {  	_ =	shalt  }
0x4d: {  	_ =	shalt  }
0x4e: {  	_ =	shalt  }
0x4f: {  	_ =	shalt  }
0x50: {  	_ =	shalt  }
0x51: {  	_ =	shalt  }
0x52: {  	_ =	shalt  }
0x53: {  	_ =	shalt  }
0x54: {  	_ =	shalt  }
0x55: {  	_ =	shalt  }
0x56: {  	_ =	shalt  }
0x57: {  	_ =	shalt  }
0x58: {  	_ =	shalt  }
0x59: {  	_ =	shalt  }
0x5a: {  	_ =	shalt  }
0x5b: {  	_ =	shalt  }
0x5c: {  	_ =	shalt  }
0x5d: {  	_ =	shalt  }
0x5e: {  	_ =	shalt  }
0x5f: {  	_ =	shalt  }
0x60: {  	_ =	shalt  }
0x61: {  	_ =	shalt  }
0x62: {  	_ =	shalt  }
0x63: {  	_ =	shalt  }
0x64: {  	_ =	shalt  }
0x65: {  	_ =	shalt  }
0x66: {  	_ =	shalt  }
0x67: {  	_ =	shalt  }
0x68: {  	_ =	shalt  }
0x69: {  	_ =	shalt  }
0x6a: {  	_ =	shalt  }
0x6b: {  	_ =	shalt  }
0x6c: {  	_ =	shalt  }
0x6d: {  	_ =	shalt  }
0x6e: {  	_ =	shalt  }
0x6f: {  	_ =	shalt  }
0x70: {  	_ =	shalt  }
0x71: {  	_ =	shalt  }
0x72: {  	_ =	shalt  }
0x73: {  	_ =	shalt  }
0x74: {  	_ =	shalt  }
0x75: {  	_ =	shalt  }
0x76: {  	_ =	shalt  }
0x77: {  	_ =	shalt  }
0x78: {  	_ =	shalt  }
0x79: {  	_ =	shalt  }
0x7a: {  	_ =	shalt  }
0x7b: {  	_ =	shalt  }
0x7c: {  	_ =	shalt  }
0x7d: {  	_ =	shalt  }
0x7e: {  	_ =	shalt  }
0x7f: {  	_ =	shalt  }
0x80: {  	_ =	shalt  }
0x81: {  	_ =	shalt  }
0x82: {  	_ =	shalt  }
0x83: {  	_ =	shalt  }
0x84: {  	_ =	shalt  }
0x85: {  	_ =	shalt  }
0x86: {  	_ =	shalt  }
0x87: {  	_ =	shalt  }
.Lfunc_end0:
.L_simem_size_0:
called_computation.2_lowered:
.L_overlay_start_0:
0x88: {  	s2 =	sld [smem:$0x3FD9]  }
0x89: {  	s3 =	sld [smem:$0x3FFE];
	_ =	sdelay $0x1  }
0x8a: {  	s1 =	srdreg.scid  }
0x8b: {  	s0 =	sand.u32 $0x1, s1  }
0x8c: {  	s16 =	sshll.u32 s0, $0xA;
	s2 =	sadd.s32 s3, s2  }
0x8d: {  	s2 =	sadd.s32 s2, s16  }
0x8e: {  	[smem:$0x3FB5] =	sst s2  }
0x8f: {  	_ = 	snop  }
0x90: {  	(tm) =	ssettm $0x1  }
0x91: {  	s17 =	sld [smem:$0x3FFB];
	_ =	sdelay $0x3  }
0x92: {  	_ =	strace s17  }
0x93: {  	s2 =	sld [smem:$0x3FFC];
	_ =	sdelay $0x3  }
0x94: {  	_ =	strace s2  }
0x95: {  	s2 =	sld [smem:$0x3FFD];
	_ =	sdelay $0x3  }
0x96: {  	_ =	strace s2  }
0x97: {  	_ =	strace $0x8FFFFFFF  }
0x98: {  	s18 =	sld [smem:$0x3FDB];
	_ =	sdelay $0x1  }
0x99: {  	s19 =	simm.s32 $_scs_section_size  }
0x9a: {  	s4 =	simm.s32 $_size__tile_overlayer_lowered;
	s5 =	simm.s32 $_tile_overlayer_lowered  }
0x9b: {  	s22 =	simm.s32 $0x1BFF;
	s21 =	sshll.u32 s5, $0x1;
	s2 =	sadd.s32 s19, s18  }
0x9c: {  	s6 =	simm.s32 $0x0;
	s20 =	sshll.u32 s4, $0x1;
	s4 =	sadd.s32 s21, s2  }
0x9d: {  	[timem:s6], [sflag:s22] =	dma.local [hbm:s4], s20  }
0x9e: {  	_ =	swait.ge [sflag:s22], s20  }
0x9f: {  	s3 =	ssub.s32 $0x0, s20;
	[sflag:s22] =	ssyncset.done $0x0  }
0xa0: {  	[sflag:s22] =	ssyncadd.s32 s3;
	_ =	sdelay $0x1  }
0xa1: {  	s23 =	simm.s32 $0x1B8B  }
0xa2: {  	_ =	swait.ge [sflag:s23], $0x1  }
0xa3: {  	[sflag:s23] =	ssyncset.done $0x0  }
0xa4: {  	s25 =	simm.s32 $0x1B8E;
	s24 =	sld [smem:$0x3FFE];
	[sflag:s23] =	ssyncadd.s32 $0xFFFFFFFF  }
0xa5: {  	s26 =	simm.s32 $execute0_lowered;
	[smem:$0x3FD2] =	sst s25  }
0xa6: {  	s4 =	sshll.u32 s26, $0x1;
	_ =	strace $0x8000004C;
	[dreg:$0x1] =	wrdreg $0xFFFFFFFF  }
0xa7: {  	s28 =	simm.s32 $_size_execute0_lowered;
	s2 =	sadd.s32 s2, s4;
	[dreg:$0x0] =	wrdreg $0x0  }
0xa8: {  	s4 =	sshll.u32 s28, $0x1;
	[dreg:$0x2] =	wrdreg s2  }
0xa9: {  	[dreg:$0x3] =	wrdreg s4  }
0xaa: {  	[dreg:$0x4] =	wrdreg $0xC0  }
0xab: {  	_ =	task [dreg:s6], $0x5FFFF  }
0xac: {  	[dreg:$0x1] =	wrdreg $0xFFFFFFFF  }
0xad: {  	[dreg:$0x0] =	wrdreg $0x60  }
0xae: {  	[dreg:$0x2] =	wrdreg s24  }
0xaf: {  	[dreg:$0x3] =	wrdreg $0x90000  }
0xb0: {  	[dreg:$0x4] =	wrdreg $0x12E000  }
0xb1: {  	[dreg:$0x5] =	wrdreg $0x9  }
0xb2: {  	_ =	task.clear_ibuf [dreg:s6], $0x6FFFF;
	_ =	strace $0x9000004C  }
0xb3: {  	s29 =	simm.s32 $0x9;
	_ =	strace $0x8000004E  }
0xb4: {  	_ =	swait.ge [sflag:s29], $0x1  }
0xb5: {  	[sflag:s29] =	ssyncadd.s32 $0xFFFFFFFF  }
0xb6: {  	_ =	strace $0x9000004E  }
0xb7: {  	_ =	sfence  }
0xb8: {  	s30 =	sld [smem:$0x0];
	_ =	sdelay $0x2  }
0xb9: {  	s31 =	sshll.u32 s1, $0xD;
	s1 =	sshrl.u32 s1, $0x2  }
0xba: {  	s3 =	sand.u32 $0x4000, s31;
	s1 =	sadd.s32 s1, s30  }
0xbb: {  	s0 =	sor.u32 s3, s0;
	s1 =	sshll.u32 s1, $0x11  }
0xbc: {  	s0 =	sor.u32 s1, s0  }
0xbd: {  	s0 =	sadd.s32 $0x8F2B, s0  }
0xbe: {  	[sflag:s0] =	ssyncadd.remote.s32 $0x1  }
0xbf: {  	_ =	sfence.sel $0xFFFF  }
0xc0: {  	[dreg:$0x0] =	wrdreg $0xFFFFFFFF;
	(pc) =	sbr.abs _section_cstart, $3  }
0xc1: {  	[dreg:$0x1] =	wrdreg $0xFFFFFFFF  }
0xc2: {  	_ =	task.clear_ibuf [dreg:s6], $0x2FFFF;
	_ =	strace $0x9FFFFFFF  }
0xc3: {  	(tm) =	ssettm $0x7FFFFFFF  }
tec
execute0_lowered:
.L_overlay_start_1:
0x0: {  	(tag) =	ssettag $0x1  }
0x1: {  	s0 =	srdreg.scid;
	s1 =	rddreg [dreg:$0x0]  }
0x2: {  	s10 =	stileid.u32;
	s2 =	rddreg [dreg:$0x1];
	s17 =	simm.s32 $0x5000  }
0x3: {  	s18 =	simm.s32 $0x7;
	s19 =	simm.s32 $0x1;
	s20 =	simm.s32 $0x2  }
0x4: {  	s21 =	simm.s32 $0x80;
	s22 =	simm.s32 $0x3;
	s9 =	smul.u32 $0x9E00, s10  }
0x5: {  	s28 =	simm.s32 $0x5;
	s29 =	simm.s32 $0x200;
	s6 =	smul.u32 $0x13C0, s10  }
0x6: {  	s30 =	simm.s32 $0x6;
	s0 =	sand.u32 $0x1, s0;
	s25 =	smul.u32 $0x27800, s10  }
0x7: {  	s31 =	simm.s32 $0x0;
	s3 =	sshll.u32 s0, $0x4;
	s8 =	smul.u32 $0x13C00, s0  }
0x8: {  	s0 =	ssub.s32 $0x2, s0;
	s4 =	sor.u32 s10, s3;
	s3 =	rddreg [dreg:$0x2]  }
0x9: {  	s7 =	sshrl.u32 s9, $0x3;
	s24 =	sshrl.u32 s0, $0x1;
	s16 =	sadd.s32 s9, s2  }
0xa: {  	s26 =	sshrl.u32 s25, $0x2;
	s25 =	simm.s32 $0x4;
	s5 =	smul.u32 $0xA00, s4  }
0xb: {  	s4 =	simm.s32 $0x0;
	s7 =	sadd.s32 s7, s1;
	s6 =	sadd.s32 s6, s8  }
0xc: {  	s0 =	ssub.s32 s0, s24;
	s9 =	sadd.s32 s9, s3;
	s13 =	sadd.s32 s26, s3  }
0xd: {  	s16 =	sshrl.u32 s16, $0x3;
	s24 =	simm.s32 $0x7000;
	s26 =	simm.s32 $0x180  }
.Ltmp0:
0xe: {  	[smem:$0x7FF] =	sst s4;
	s11 =	sadd.s32 $0x4000, s13;
	(pc) =	sbr.rel .LBB2_1-.Ltmp0, $4  }
0xf: {  	s12 =	sadd.s32 $0x6000, s13;
	s15 =	smax.u32 s0, $0x1;
	_ =	strace $0x8000004D  }
0x10: {  	s5 =	sadd.s32 s5, s1;
	s1 =	sadd.s32 s6, s1;
	s6 =	sadd.s32 $0x18200, s7  }
0x11: {  	s7 =	sshll.u32 s10, $0x6;
	s10 =	sadd.s32 $0x2000, s13;
	s13 =	sadd.s32 $0x8000, s13  }
0x12: {  	v0 =	vimm.f32 $0.0e+00;
	s5 =	sadd.s32 $0x4200, s5;
	s8 =	sor.u32 $0x1C02, s7;
	s14 =	sadd.s32 $0x2BE00, s1  }
.LBB2_6:
0x13: {  	_ =	swait.ge [sflag:s30], $0x2000  }
0x14: {  	s31 =	sadd.s32 $0x1, s31;
	[sflag:s30] =	ssyncset.done $0x0  }
0x15: {  	s0 =	sor.u32 $0x1C07, s7;
	p0 =	sne.s32 s31, s15;
	[sflag:s30] =	ssyncadd.s32 $0xFFFFE000  }
.Ltmp1:
0x16: {  	s1 =	sshrl.u32 s9, $0x3;
	[bflag:$0x0] =	sbarrier.arrive $0xFFFF;
	(pc) =	sbr.rel @!p0 .LBB2_7-.Ltmp1, $4  }
0x17: {  	[hbm:s14], [sflag:s0] =	dma.local [spmem:s1], $0x13C0  }
0x18: {  	_ =	swait.ge [sflag:s18], $0x13C0  }
0x19: {  	[sflag:s18] =	ssyncset.done $0x0  }
0x1a: {  	[sflag:s18] =	ssyncadd.s32 $0xFFFFEC40  }
.LBB2_1:
0x1b: {  	[tilespmem:s4], [sflag:$0x1] =	stream.linear.gather [hbm4b:s5+s4], $0x5000, $0x38;
	[tilespmem:$0x1CC00] =	vst v63  }
0x1c: {  	s1 =	simm.s32 $0x100;
	s0 =	simm.s32 $0x0  }
0x1d: {  	[spmem:s16], [sflag:s8] =	dma.local [hbm:s6], $0x13C0  }
.LBB2_2:
0x1e: {  	p0 =	sne.s32 s1, $0x7F00;
	[tilespmem:s0+$0x5030] =	vst v0;
	s23 =	smov.u32 s1;
	s1 =	sadd.s32 $0x100, s1  }
.Ltmp2:
0x1f: {  	[tilespmem:s0+$0x5020] =	vst v0;
	(pc) =	sbr.rel @p0 .LBB2_2-.Ltmp2, $3  }
0x20: {  	[tilespmem:s0+$0x5000] =	vst v0  }
0x21: {  	[tilespmem:s0+$0x5010] =	vst v0;
	_ =	sdelay $0x1  }
0x22: {  	s0 =	sshra.s32 s23, $0x2  }
0x23: {  	[tilespmem:s0+$0x5030] =	vst v0  }
0x24: {  	[tilespmem:s0+$0x5020] =	vst v0  }
0x25: {  	[tilespmem:s0+$0x5000] =	vst v0  }
0x26: {  	[tilespmem:s0+$0x5010] =	vst v0  }
0x27: {  	[spmem:s9] =	stream.linear.scatter [tilespmem:s17], [sflag:$0x7], $0x2000, $0x38;
	[tilespmem:$0x1CC00] =	vst v63  }
0x28: {  	_ =	swait.ge [sflag:s18], $0x2000  }
0x29: {  	[sflag:s18] =	ssyncset.done $0x0  }
0x2a: {  	[sflag:s18] =	ssyncadd.s32 $0xFFFFE000  }
0x2b: {  	[spmem:s10] =	stream.linear.scatter [tilespmem:s17], [sflag:$0x7], $0x2000, $0x38;
	[tilespmem:$0x1CC00] =	vst v63  }
0x2c: {  	_ =	swait.ge [sflag:s18], $0x2000  }
0x2d: {  	[sflag:s18] =	ssyncset.done $0x0  }
0x2e: {  	[sflag:s18] =	ssyncadd.s32 $0xFFFFE000  }
0x2f: {  	[spmem:s11] =	stream.linear.scatter [tilespmem:s17], [sflag:$0x7], $0x2000, $0x38;
	[tilespmem:$0x1CC00] =	vst v63  }
0x30: {  	_ =	swait.ge [sflag:s18], $0x2000  }
0x31: {  	[sflag:s18] =	ssyncset.done $0x0  }
0x32: {  	[sflag:s18] =	ssyncadd.s32 $0xFFFFE000  }
0x33: {  	[spmem:s12] =	stream.linear.scatter [tilespmem:s17], [sflag:$0x7], $0x2000, $0x38;
	[tilespmem:$0x1CC00] =	vst v63  }
0x34: {  	_ =	swait.ge [sflag:s18], $0x2000  }
0x35: {  	[sflag:s18] =	ssyncset.done $0x0  }
0x36: {  	[sflag:s18] =	ssyncadd.s32 $0xFFFFE000  }
0x37: {  	[spmem:s13] =	stream.linear.scatter [tilespmem:s17], [sflag:$0x7], $0x1E00, $0x38;
	[tilespmem:$0x1CC00] =	vst v63  }
0x38: {  	_ =	swait.ge [sflag:s18], $0x1E00  }
0x39: {  	[sflag:s18] =	ssyncset.done $0x0  }
0x3a: {  	[sflag:s18] =	ssyncadd.s32 $0xFFFFE200  }
0x3b: {  	_ =	swait.ge [sflag:s19], $0x5000  }
0x3c: {  	[sflag:s19] =	ssyncset.done $0x0  }
0x3d: {  	[sflag:s19] =	ssyncadd.s32 $0xFFFFB000  }
0x3e: {  	_ =	swait.ge [sflag:s20], $0x13C0  }
0x3f: {  	[sflag:s20] =	ssyncset.done $0x0  }
0x40: {  	[sflag:s20] =	ssyncadd.s32 $0xFFFFEC40  }
0x41: {  	[bflag:$0x0] =	sbarrier.arrive $0xFFFF  }
0x42: {  	[tilespmem:s17], [sflag:$0x3] =	stream.indirect.gather [spmem:s2], $0x40, s4, s21, $0xb8;
	[tilespmem:$0x1CC00] =	vst v63  }
0x43: {  	_ =	swait.ge [sflag:s22], $0x2000  }
0x44: {  	[sflag:s22] =	ssyncset.done $0x0  }
0x45: {  	[sflag:s22] =	ssyncadd.s32 $0xFFFFE000  }
0x46: {  	[spmem:s3] =	stream.indirect.scatter.add.f32 [tilespmem:s17], [sflag:$0x5], $0x40, s21, s21, $0xb8;
	[tilespmem:$0x1CC00] =	vst v63  }
0x47: {  	s23 =	simm.s32 $0x100  }
0x48: {  	[tilespmem:s24], [sflag:$0x4] =	stream.indirect.gather [spmem:s2], $0x40, s23, s21, $0xb8;
	[tilespmem:$0x1CC00] =	vst v63  }
0x49: {  	_ =	swait.ge [sflag:s25], $0x2000  }
0x4a: {  	[sflag:s25] =	ssyncset.done $0x0  }
0x4b: {  	[sflag:s25] =	ssyncadd.s32 $0xFFFFE000  }
0x4c: {  	[spmem:s3] =	stream.indirect.scatter.add.f32 [tilespmem:s24], [sflag:$0x6], $0x40, s26, s21, $0xb8;
	[tilespmem:$0x1CC00] =	vst v63  }
0x4d: {  	_ =	swait.ge [sflag:s28], $0x2000  }
0x4e: {  	[sflag:s28] =	ssyncset.done $0x0  }
0x4f: {  	s1 =	simm.s32 $0xFFFED000;
	[sflag:s28] =	ssyncadd.s32 $0xFFFFE000  }
0x50: {  	[tilespmem:s17], [sflag:$0x3] =	stream.indirect.gather [spmem:s2], $0x40, s29, s21, $0xb8;
	[tilespmem:$0x1CC00] =	vst v63  }
.LBB2_4:
0x51: {  	_ =	swait.ge [sflag:s22], $0x2000  }
0x52: {  	s0 =	sshra.s32 s1, $0x2;
	[sflag:s22] =	ssyncset.done $0x0  }
0x53: {  	s23 =	sadd.s32 $0x4E80, s0;
	[sflag:s22] =	ssyncadd.s32 $0xFFFFE000  }
0x54: {  	[spmem:s3] =	stream.indirect.scatter.add.f32 [tilespmem:s17], [sflag:$0x5], $0x40, s23, s21, $0xb8;
	[tilespmem:$0x1CC00] =	vst v63  }
0x55: {  	_ =	swait.ge [sflag:s30], $0x2000  }
0x56: {  	[sflag:s30] =	ssyncset.done $0x0  }
0x57: {  	s23 =	sadd.s32 $0x4F00, s0;
	[sflag:s30] =	ssyncadd.s32 $0xFFFFE000  }
0x58: {  	[tilespmem:s24], [sflag:$0x4] =	stream.indirect.gather [spmem:s2], $0x40, s23, s21, $0xb8;
	[tilespmem:$0x1CC00] =	vst v63  }
0x59: {  	_ =	swait.ge [sflag:s25], $0x2000  }
0x5a: {  	p0 =	seq.s32 s1, $0x0;
	[sflag:s25] =	ssyncset.done $0x0  }
.Ltmp3:
0x5b: {  	s23 =	sadd.s32 $0x4F80, s0;
	[sflag:s25] =	ssyncadd.s32 $0xFFFFE000;
	(pc) =	sbr.rel @p0 .LBB2_6-.Ltmp3, $4  }
0x5c: {  	[spmem:s3] =	stream.indirect.scatter.add.f32 [tilespmem:s24], [sflag:$0x6], $0x40, s23, s21, $0xb8;
	[tilespmem:$0x1CC00] =	vst v63  }
0x5d: {  	_ =	swait.ge [sflag:s28], $0x2000  }
0x5e: {  	[sflag:s28] =	ssyncset.done $0x0  }
0x5f: {  	[sflag:s28] =	ssyncadd.s32 $0xFFFFE000  }
.Ltmp4:
0x60: {  	(pc) =	sbr.rel .LBB2_4-.Ltmp4, $3  }
0x61: {  	_ =	sdelay $0x1  }
0x62: {  	s0 =	sadd.s32 $0x5000, s0;
	s1 =	sadd.s32 $0x800, s1  }
0x63: {  	[tilespmem:s17], [sflag:$0x3] =	stream.indirect.gather [spmem:s2], $0x40, s0, s21, $0xb8;
	[tilespmem:$0x1CC00] =	vst v63  }
.LBB2_7:
0x64: {  	_ =	sfence.sel $0x180000  }
0x65: {  	[bflag:$0x0] =	sbarrier.arrive $0xFFFF  }
0x66: {  	_ =	strace $0x9000004D  }
0x67: {  	s0 =	stileid.u32;
	[bflag:$0x2] =	sbarrier.arrive $0xFFFF  }
0x68: {  	p0 =	sne.s32 s0, $0x0;
	s0 =	rddreg [dreg:$0x3]  }
0x69: {  	s0 =	sadd.s32 @!p0 $0x100000, s0  }
0x6a: {  	[sflag:s0] =	ssyncadd.tile.s32 @!p0 $0x1;
	_ =	shalt  }
.Lfunc_end2:
_tile_overlayer_lowered:
.L_overlay_start_2:
0x6b: {  	(tag) =	ssettag $0x2  }
0x6c: {  	s0 =	rddreg [dreg:$0x0];
	s2 =	stileid.u32  }
0x6d: {  	s1 =	rddreg [dreg:$0x1];
	p0 =	sne.s32 s2, $0x0  }
0x6e: {  	s3 =	rddreg [dreg:$0x2];
	[bflag:$0x3] =	sbarrier.arrive $0xFFFF;
	s2 =	simm.s32 @!p0 $0x1C07  }
0x6f: {  	[timem:s3], [sflag:s2] =	dma.local @!p0 [hbm:s0], s1  }
0x70: {  	s0 =	simm.s32 @!p0 $0x7  }
0x71: {  	_ =	swait.ge @!p0 [sflag:s0], s1  }
0x72: {  	s1 =	ssub.s32 @!p0 $0x0, s1;
	[sflag:s0] =	ssyncset.done @!p0 $0x0  }
0x73: {  	[sflag:s0] =	ssyncadd.s32 @!p0 s1  }
0x74: {  	[bflag:$0x3] =	sbarrier.arrive $0xFFFF  }
0x75: {  	_ =	shalt  }

// kernel: kernel.19.cloned.1.call-start
scs
__scs_entry_jumppad:
0x0: {  	(pc) =	sbr.rel $0x88, $3  }
0x1: {  	(tag) =	ssettag $0x0;
	lr =	simm.s32 $0x1  }
0x2: {  	[smem:$0x3F8E] =	sst lr;
	_ =	strace $0xD0000000  }
0x3: {  	_ = 	snop  }
0x4: {  	_ = 	snop  }
0x5: {  	_ = 	snop  }
0x6: {  	_ = 	snop  }
0x7: {  	_ = 	snop  }
__scs_overlays_trampoline_lowered:
0x8: {  	[smem:$0x3F9D] =	sst s0  }
0x9: {  	[smem:$0x3F9E] =	sst s1  }
0xa: {  	[smem:$0x3F9F] =	sst s2  }
0xb: {  	[smem:$0x3FA0] =	sst s3  }
0xc: {  	[smem:$0x3FA1] =	sst s4  }
0xd: {  	[smem:$0x3FA2] =	sst s5  }
0xe: {  	[smem:$0x3FA3] =	sst s6  }
0xf: {  	[smem:$0x3FA4] =	sst s7  }
0x10: {  	[smem:$0x3FA5] =	sst s8  }
0x11: {  	[smem:$0x3FA6] =	sst s9;
	s0 =	simm.s32 @!p0 $0x0  }
0x12: {  	s1 =	sld [smem:$0x3F8C];
	s0 =	simm.s32 @p0 $0x1  }
0x13: {  	[smem:$0x3FA7] =	sst s0;
	s0 =	simm.s32 @!p1 $0x0  }
0x14: {  	s2 =	sld [smem:$0x3F8B];
	s0 =	simm.s32 @p1 $0x1  }
0x15: {  	[smem:$0x3FA8] =	sst s0;
	s0 =	simm.s32 @!p2 $0x0  }
0x16: {  	s3 =	sld [smem:$0x3FDB];
	s0 =	simm.s32 @p2 $0x1  }
0x17: {  	s4 =	simm.s32 $0x1BF5;
	[smem:$0x3FAA] =	sst s0  }
0x18: {  	s0 =	sld [smem:$0x3F8D];
	_ =	swait.ge [sflag:s4], $0x0  }
0x19: {  	s7 =	sld [smem:$0x3F8E]  }
0x1a: {  	s8 =	sadd.s32 $0xFFFFE003, lr  }
0x1b: {  	s9 =	sadd.s32 $0xFFFFFEF7, lr;
	s5 =	simm.s32 $0xFFFFFFFF;
	p2 =	slt.u32 s8, $0xFFFFF086  }
0x1c: {  	p1 =	slt.u32 s9, $0xF7A;
	s5 =	simm.s32 @!p2 $0x0  }
0x1d: {  	s5 =	simm.s32 @p1 $0x1;
	p0 =	seq.s32 s7, s2  }
0x1e: {  	s7 =	smul.u32 @!p0 $0xF7A, s2;
	p2 =	seq.s32 @!p0 s5, $0x0  }
0x1f: {  	s9 =	smul.u32 $0xF7A, s1;
	s8 =	simm.s32 @!p0 $0x1BF5;
	p2 =	por !p2, p0  }
0x20: {  	[sflag:s8] =	ssyncset.s32 @!p0 $0xFFFFF086;
	s6 =	sadd.s32 @!p0 s3, s7;
	s7 =	simm.s32 @!p0 $0x108  }
0x21: {  	s3 =	sadd.s32 s3, s9;
	s6 =	sadd.s32 @!p0 $0x88, s6;
	s7 =	simm.s32 @p2 $0x1082  }
0x22: {  	[simem:s7], [sflag:s8] =	dma.local @!p0 [hbm:s6], $0xF7A  }
0x23: {  	s9 =	sor.u32 $0xD0000000, s2;
	s6 =	simm.s32 $0x108;
	_ =	swait.ge @!p0 [sflag:s8], $0x0  }
0x24: {  	s3 =	sadd.s32 $0x88, s3;
	s6 =	simm.s32 @!p1 $0x1082;
	[sflag:s4] =	ssyncset.s32 $0xFFFFF086  }
0x25: {  	[simem:s6], [sflag:s4] =	dma.local [hbm:s3], $0xF7A  }
0x26: {  	[smem:$0x3F8E] =	sst s1;
	(tag) =	ssettag s2;
	_ =	strace s9  }
0x27: {  	s1 =	sld [smem:$0x3F9E]  }
0x28: {  	s2 =	sld [smem:$0x3F9F]  }
0x29: {  	s4 =	sld [smem:$0x3FA1]  }
0x2a: {  	p0 =	seq.s32 s5, $0x0;
	s5 =	sld [smem:$0x3FA2]  }
0x2b: {  	s6 =	sld [smem:$0x3FA3]  }
0x2c: {  	s7 =	sld [smem:$0x3FA4]  }
0x2d: {  	s3 =	simm.s32 $0x108;
	s8 =	sld [smem:$0x3FA5]  }
0x2e: {  	s3 =	simm.s32 @!p0 $0x1082;
	s9 =	sld [smem:$0x3FA6]  }
0x2f: {  	lr =	sadd.s32 s0, s3;
	s0 =	sld [smem:$0x3F9D]  }
0x30: {  	s3 =	sld [smem:$0x3FA0]  }
0x31: {  	[smem:$0x3FA9] =	sst s10  }
0x32: {  	s10 =	sld [smem:$0x3FA7];
	_ =	sdelay $0x3  }
0x33: {  	p0 =	seq.s32 s10, $0x1;
	s10 =	sld [smem:$0x3FA9];
	_ =	sdelay $0x3  }
0x34: {  	[smem:$0x3FA9] =	sst s10  }
0x35: {  	s10 =	sld [smem:$0x3FA8];
	_ =	sdelay $0x3  }
0x36: {  	p1 =	seq.s32 s10, $0x1;
	s10 =	sld [smem:$0x3FA9];
	_ =	sdelay $0x3  }
0x37: {  	[smem:$0x3FA9] =	sst s10  }
0x38: {  	s10 =	sld [smem:$0x3FAA]  }
0x39: {  	_ = 	snop;
	(pc) =	sbr.ind lr, $3  }
0x3a: {  	_ = 	snop  }
0x3b: {  	_ = 	snop  }
0x3c: {  	p2 =	seq.s32 s10, $0x1;
	s10 =	sld [smem:$0x3FA9]  }
0x3d: {  	_ =	shalt  }
0x3e: {  	_ =	shalt  }
0x3f: {  	_ =	shalt  }
0x40: {  	_ =	shalt  }
0x41: {  	_ =	shalt  }
0x42: {  	_ =	shalt  }
0x43: {  	_ =	shalt  }
0x44: {  	_ =	shalt  }
0x45: {  	_ =	shalt  }
0x46: {  	_ =	shalt  }
0x47: {  	_ =	shalt  }
0x48: {  	_ =	shalt  }
0x49: {  	_ =	shalt  }
0x4a: {  	_ =	shalt  }
0x4b: {  	_ =	shalt  }
0x4c: {  	_ =	shalt  }
0x4d: {  	_ =	shalt  }
0x4e: {  	_ =	shalt  }
0x4f: {  	_ =	shalt  }
0x50: {  	_ =	shalt  }
0x51: {  	_ =	shalt  }
0x52: {  	_ =	shalt  }
0x53: {  	_ =	shalt  }
0x54: {  	_ =	shalt  }
0x55: {  	_ =	shalt  }
0x56: {  	_ =	shalt  }
0x57: {  	_ =	shalt  }
0x58: {  	_ =	shalt  }
0x59: {  	_ =	shalt  }
0x5a: {  	_ =	shalt  }
0x5b: {  	_ =	shalt  }
0x5c: {  	_ =	shalt  }
0x5d: {  	_ =	shalt  }
0x5e: {  	_ =	shalt  }
0x5f: {  	_ =	shalt  }
0x60: {  	_ =	shalt  }
0x61: {  	_ =	shalt  }
0x62: {  	_ =	shalt  }
0x63: {  	_ =	shalt  }
0x64: {  	_ =	shalt  }
0x65: {  	_ =	shalt  }
0x66: {  	_ =	shalt  }
0x67: {  	_ =	shalt  }
0x68: {  	_ =	shalt  }
0x69: {  	_ =	shalt  }
0x6a: {  	_ =	shalt  }
0x6b: {  	_ =	shalt  }
0x6c: {  	_ =	shalt  }
0x6d: {  	_ =	shalt  }
0x6e: {  	_ =	shalt  }
0x6f: {  	_ =	shalt  }
0x70: {  	_ =	shalt  }
0x71: {  	_ =	shalt  }
0x72: {  	_ =	shalt  }
0x73: {  	_ =	shalt  }
0x74: {  	_ =	shalt  }
0x75: {  	_ =	shalt  }
0x76: {  	_ =	shalt  }
0x77: {  	_ =	shalt  }
0x78: {  	_ =	shalt  }
0x79: {  	_ =	shalt  }
0x7a: {  	_ =	shalt  }
0x7b: {  	_ =	shalt  }
0x7c: {  	_ =	shalt  }
0x7d: {  	_ =	shalt  }
0x7e: {  	_ =	shalt  }
0x7f: {  	_ =	shalt  }
0x80: {  	_ =	shalt  }
0x81: {  	_ =	shalt  }
0x82: {  	_ =	shalt  }
0x83: {  	_ =	shalt  }
0x84: {  	_ =	shalt  }
0x85: {  	_ =	shalt  }
0x86: {  	_ =	shalt  }
0x87: {  	_ =	shalt  }
.Lfunc_end0:
.L_simem_size_0:
called_computation.3_lowered:
.L_overlay_start_0:
0x88: {  	s2 =	sld [smem:$0x3FD9]  }
0x89: {  	s3 =	sld [smem:$0x3FFE];
	_ =	sdelay $0x1  }
0x8a: {  	s1 =	srdreg.scid  }
0x8b: {  	s0 =	sand.u32 $0x1, s1  }
0x8c: {  	s16 =	sshll.u32 s0, $0xA;
	s2 =	sadd.s32 s3, s2  }
0x8d: {  	s2 =	sadd.s32 s2, s16  }
0x8e: {  	[smem:$0x3FB5] =	sst s2  }
0x8f: {  	_ = 	snop  }
0x90: {  	(tm) =	ssettm $0x1  }
0x91: {  	s17 =	sld [smem:$0x3FFB];
	_ =	sdelay $0x3  }
0x92: {  	_ =	strace s17  }
0x93: {  	s2 =	sld [smem:$0x3FFC];
	_ =	sdelay $0x3  }
0x94: {  	_ =	strace s2  }
0x95: {  	s2 =	sld [smem:$0x3FFD];
	_ =	sdelay $0x3  }
0x96: {  	_ =	strace s2  }
0x97: {  	_ =	strace $0x8FFFFFFF  }
0x98: {  	s18 =	sld [smem:$0x3FDB];
	_ =	sdelay $0x1  }
0x99: {  	s19 =	simm.s32 $_scs_section_size  }
0x9a: {  	s4 =	simm.s32 $_size__tile_overlayer_lowered;
	s5 =	simm.s32 $_tile_overlayer_lowered  }
0x9b: {  	s22 =	simm.s32 $0x1BFF;
	s21 =	sshll.u32 s5, $0x1;
	s2 =	sadd.s32 s19, s18  }
0x9c: {  	s6 =	simm.s32 $0x0;
	s20 =	sshll.u32 s4, $0x1;
	s4 =	sadd.s32 s21, s2  }
0x9d: {  	[timem:s6], [sflag:s22] =	dma.local [hbm:s4], s20  }
0x9e: {  	_ =	swait.ge [sflag:s22], s20  }
0x9f: {  	s3 =	ssub.s32 $0x0, s20;
	[sflag:s22] =	ssyncset.done $0x0  }
0xa0: {  	[sflag:s22] =	ssyncadd.s32 s3;
	_ =	sdelay $0x1  }
0xa1: {  	s23 =	simm.s32 $0x1B8B  }
0xa2: {  	_ =	swait.ge [sflag:s23], $0x1  }
0xa3: {  	[sflag:s23] =	ssyncset.done $0x0  }
0xa4: {  	s25 =	simm.s32 $0x1B8E;
	s24 =	sld [smem:$0x3FFE];
	[sflag:s23] =	ssyncadd.s32 $0xFFFFFFFF  }
0xa5: {  	s26 =	simm.s32 $execute0_lowered;
	[smem:$0x3FD2] =	sst s25  }
0xa6: {  	s4 =	sshll.u32 s26, $0x1;
	_ =	strace $0x8000004F;
	[dreg:$0x1] =	wrdreg $0xFFFFFFFF  }
0xa7: {  	s28 =	simm.s32 $_size_execute0_lowered;
	s2 =	sadd.s32 s2, s4;
	[dreg:$0x0] =	wrdreg $0x0  }
0xa8: {  	s4 =	sshll.u32 s28, $0x1;
	[dreg:$0x2] =	wrdreg s2  }
0xa9: {  	[dreg:$0x3] =	wrdreg s4  }
0xaa: {  	[dreg:$0x4] =	wrdreg $0xC0  }
0xab: {  	_ =	task [dreg:s6], $0x5FFFF  }
0xac: {  	[dreg:$0x1] =	wrdreg $0xFFFFFFFF  }
0xad: {  	[dreg:$0x0] =	wrdreg $0x60  }
0xae: {  	[dreg:$0x2] =	wrdreg s24  }
0xaf: {  	[dreg:$0x3] =	wrdreg $0x4A000  }
0xb0: {  	[dreg:$0x4] =	wrdreg $0xE8000  }
0xb1: {  	[dreg:$0x5] =	wrdreg $0x9  }
0xb2: {  	_ =	task.clear_ibuf [dreg:s6], $0x6FFFF;
	_ =	strace $0x9000004F  }
0xb3: {  	s29 =	simm.s32 $0x9;
	_ =	strace $0x80000051  }
0xb4: {  	_ =	swait.ge [sflag:s29], $0x1  }
0xb5: {  	[sflag:s29] =	ssyncadd.s32 $0xFFFFFFFF  }
0xb6: {  	_ =	strace $0x90000051  }
0xb7: {  	_ =	sfence  }
0xb8: {  	s30 =	sld [smem:$0x0];
	_ =	sdelay $0x2  }
0xb9: {  	s31 =	sshll.u32 s1, $0xD;
	s1 =	sshrl.u32 s1, $0x2  }
0xba: {  	s3 =	sand.u32 $0x4000, s31;
	s1 =	sadd.s32 s1, s30  }
0xbb: {  	s0 =	sor.u32 s3, s0;
	s1 =	sshll.u32 s1, $0x11  }
0xbc: {  	s0 =	sor.u32 s1, s0  }
0xbd: {  	s0 =	sadd.s32 $0x8F2B, s0  }
0xbe: {  	[sflag:s0] =	ssyncadd.remote.s32 $0x1  }
0xbf: {  	_ =	sfence.sel $0xFFFF  }
0xc0: {  	[dreg:$0x0] =	wrdreg $0xFFFFFFFF;
	(pc) =	sbr.abs _section_cstart, $3  }
0xc1: {  	[dreg:$0x1] =	wrdreg $0xFFFFFFFF  }
0xc2: {  	_ =	task.clear_ibuf [dreg:s6], $0x2FFFF;
	_ =	strace $0x9FFFFFFF  }
0xc3: {  	(tm) =	ssettm $0x7FFFFFFF  }
tec
execute0_lowered:
.L_overlay_start_1:
0x0: {  	(tag) =	ssettag $0x1  }
0x1: {  	s0 =	rddreg [dreg:$0x0]  }
0x2: {  	s2 =	rddreg [dreg:$0x1]  }
0x3: {  	s3 =	rddreg [dreg:$0x2]  }
0x4: {  	s10 =	stileid.u32;
	s1 =	srdreg.scid;
	s4 =	simm.s32 $0x0  }
0x5: {  	s15 =	simm.s32 $0xA00;
	s16 =	simm.s32 $0x7;
	s17 =	simm.s32 $0x1  }
0x6: {  	s18 =	simm.s32 $0x2;
	s19 =	simm.s32 $0x80;
	s20 =	simm.s32 $0x3  }
0x7: {  	s22 =	simm.s32 $0x2A00;
	s23 =	simm.s32 $0x4;
	s25 =	simm.s32 $0x5  }
0x8: {  	s29 =	simm.s32 $0x6;
	s21 =	simm.s32 $0x900;
	s6 =	smul.u32 $0x9E00, s10  }
0x9: {  	s24 =	simm.s32 $0x980;
	s26 =	simm.s32 $0x0;
	s7 =	smul.u32 $0xA00, s10  }
0xa: {  	s1 =	sand.u32 $0x1, s1;
	[smem:$0x7FF] =	sst s4;
	s28 =	smul.u32 $0x14000, s10  }
0xb: {  	s5 =	sshll.u32 s1, $0x4;
	s9 =	smul.u32 $0xA000, s1;
	_ =	strace $0x80000050  }
0xc: {  	s1 =	ssub.s32 $0x2, s1;
	s8 =	sshrl.u32 s6, $0x3;
	s5 =	sor.u32 s10, s5  }
0xd: {  	s30 =	sshrl.u32 s1, $0x1;
	s31 =	sshrl.u32 s28, $0x2;
	s14 =	sadd.s32 s6, s2  }
0xe: {  	s6 =	sshll.u32 s10, $0x6;
	s8 =	sadd.s32 s8, s0;
	s5 =	smul.u32 $0x140, s5  }
0xf: {  	s7 =	sadd.s32 s7, s9;
	s1 =	ssub.s32 s1, s30;
	s9 =	sor.u32 $0x1C02, s6  }
0x10: {  	s14 =	sshrl.u32 s14, $0x3;
	s8 =	sadd.s32 $0x4200, s8;
	s13 =	smax.u32 s1, $0x1  }
0x11: {  	s5 =	sadd.s32 s5, s0;
	s0 =	sadd.s32 s7, s0;
	s7 =	sadd.s32 s31, s3  }
0x12: {  	s1 =	simm.s32 $0x880;
	s5 =	sadd.s32 $0x53600, s5;
	s10 =	sadd.s32 $0x2000, s7  }
0x13: {  	v0 =	vimm.f32 $0.0e+00;
	s11 =	sadd.s32 $0x4000, s7;
	s12 =	sadd.s32 $0x17E00, s0;
	s0 =	simm.s32 $0x800  }
.LBB2_1:
0x14: {  	[tilespmem:s4], [sflag:$0x1] =	stream.linear.gather [hbm4b:s5+s4], $0xA00, $0x38;
	[tilespmem:$0x13800] =	vst v63  }
0x15: {  	s30 =	simm.s32 $0x100;
	s28 =	simm.s32 $0x0  }
0x16: {  	[spmem:s14], [sflag:s9] =	dma.local [hbm:s8], $0x13C0  }
.LBB2_2:
0x17: {  	p0 =	sne.s32 s30, $0x7F00;
	[tilespmem:s28+$0xA30] =	vst v0;
	s31 =	smov.u32 s30;
	s30 =	sadd.s32 $0x100, s30  }
.Ltmp0:
0x18: {  	[tilespmem:s28+$0xA20] =	vst v0;
	(pc) =	sbr.rel @p0 .LBB2_2-.Ltmp0, $3  }
0x19: {  	[tilespmem:s28+$0xA00] =	vst v0  }
0x1a: {  	[tilespmem:s28+$0xA10] =	vst v0;
	_ =	sdelay $0x1  }
0x1b: {  	s28 =	sshra.s32 s31, $0x2  }
0x1c: {  	[tilespmem:s28+$0xA30] =	vst v0  }
0x1d: {  	[tilespmem:s28+$0xA20] =	vst v0  }
0x1e: {  	[tilespmem:s28+$0xA00] =	vst v0  }
0x1f: {  	[tilespmem:s28+$0xA10] =	vst v0  }
0x20: {  	[spmem:s7] =	stream.linear.scatter [tilespmem:s15], [sflag:$0x7], $0x2000, $0x38;
	[tilespmem:$0x13800] =	vst v63  }
0x21: {  	_ =	swait.ge [sflag:s16], $0x2000  }
0x22: {  	[sflag:s16] =	ssyncset.done $0x0  }
0x23: {  	[sflag:s16] =	ssyncadd.s32 $0xFFFFE000  }
0x24: {  	[spmem:s10] =	stream.linear.scatter [tilespmem:s15], [sflag:$0x7], $0x2000, $0x38;
	[tilespmem:$0x13800] =	vst v63  }
0x25: {  	_ =	swait.ge [sflag:s16], $0x2000  }
0x26: {  	[sflag:s16] =	ssyncset.done $0x0  }
0x27: {  	[sflag:s16] =	ssyncadd.s32 $0xFFFFE000  }
0x28: {  	[spmem:s11] =	stream.linear.scatter [tilespmem:s15], [sflag:$0x7], $0x1000, $0x38;
	[tilespmem:$0x13800] =	vst v63  }
0x29: {  	_ =	swait.ge [sflag:s16], $0x1000  }
0x2a: {  	[sflag:s16] =	ssyncset.done $0x0  }
0x2b: {  	[sflag:s16] =	ssyncadd.s32 $0xFFFFF000  }
0x2c: {  	_ =	swait.ge [sflag:s17], $0xA00  }
0x2d: {  	[sflag:s17] =	ssyncset.done $0x0  }
0x2e: {  	[sflag:s17] =	ssyncadd.s32 $0xFFFFF600  }
0x2f: {  	_ =	swait.ge [sflag:s18], $0x13C0  }
0x30: {  	[sflag:s18] =	ssyncset.done $0x0  }
0x31: {  	[sflag:s18] =	ssyncadd.s32 $0xFFFFEC40  }
0x32: {  	[bflag:$0x0] =	sbarrier.arrive $0xFFFF  }
0x33: {  	[tilespmem:s15], [sflag:$0x3] =	stream.indirect.gather [spmem:s2], $0x40, s4, s19, $0xb8;
	[tilespmem:$0x13800] =	vst v63  }
0x34: {  	_ =	swait.ge [sflag:s20], $0x2000  }
0x35: {  	[sflag:s20] =	ssyncset.done $0x0  }
0x36: {  	[sflag:s20] =	ssyncadd.s32 $0xFFFFE000  }
0x37: {  	[spmem:s3] =	stream.indirect.scatter.add.f32 [tilespmem:s15], [sflag:$0x5], $0x40, s19, s19, $0xb8;
	[tilespmem:$0x13800] =	vst v63  }
0x38: {  	s31 =	simm.s32 $0x100  }
0x39: {  	[tilespmem:s22], [sflag:$0x4] =	stream.indirect.gather [spmem:s2], $0x40, s31, s19, $0xb8;
	[tilespmem:$0x13800] =	vst v63  }
0x3a: {  	_ =	swait.ge [sflag:s23], $0x2000  }
0x3b: {  	[sflag:s23] =	ssyncset.done $0x0  }
0x3c: {  	s30 =	simm.s32 $0x180;
	[sflag:s23] =	ssyncadd.s32 $0xFFFFE000  }
0x3d: {  	[spmem:s3] =	stream.indirect.scatter.add.f32 [tilespmem:s22], [sflag:$0x6], $0x40, s30, s19, $0xb8;
	[tilespmem:$0x13800] =	vst v63  }
0x3e: {  	_ =	swait.ge [sflag:s25], $0x2000  }
0x3f: {  	[sflag:s25] =	ssyncset.done $0x0  }
0x40: {  	s31 =	simm.s32 $0x200;
	[sflag:s25] =	ssyncadd.s32 $0xFFFFE000  }
0x41: {  	[tilespmem:s15], [sflag:$0x3] =	stream.indirect.gather [spmem:s2], $0x40, s31, s19, $0xb8;
	[tilespmem:$0x13800] =	vst v63  }
0x42: {  	_ =	swait.ge [sflag:s20], $0x2000  }
0x43: {  	[sflag:s20] =	ssyncset.done $0x0  }
0x44: {  	s30 =	simm.s32 $0x280;
	[sflag:s20] =	ssyncadd.s32 $0xFFFFE000  }
0x45: {  	[spmem:s3] =	stream.indirect.scatter.add.f32 [tilespmem:s15], [sflag:$0x5], $0x40, s30, s19, $0xb8;
	[tilespmem:$0x13800] =	vst v63  }
0x46: {  	_ =	swait.ge [sflag:s29], $0x2000  }
0x47: {  	[sflag:s29] =	ssyncset.done $0x0  }
0x48: {  	s31 =	simm.s32 $0x300;
	[sflag:s29] =	ssyncadd.s32 $0xFFFFE000  }
0x49: {  	[tilespmem:s22], [sflag:$0x4] =	stream.indirect.gather [spmem:s2], $0x40, s31, s19, $0xb8;
	[tilespmem:$0x13800] =	vst v63  }
0x4a: {  	_ =	swait.ge [sflag:s23], $0x2000  }
0x4b: {  	[sflag:s23] =	ssyncset.done $0x0  }
0x4c: {  	s30 =	simm.s32 $0x380;
	[sflag:s23] =	ssyncadd.s32 $0xFFFFE000  }
0x4d: {  	[spmem:s3] =	stream.indirect.scatter.add.f32 [tilespmem:s22], [sflag:$0x6], $0x40, s30, s19, $0xb8;
	[tilespmem:$0x13800] =	vst v63  }
0x4e: {  	_ =	swait.ge [sflag:s25], $0x2000  }
0x4f: {  	[sflag:s25] =	ssyncset.done $0x0  }
0x50: {  	s31 =	simm.s32 $0x400;
	[sflag:s25] =	ssyncadd.s32 $0xFFFFE000  }
0x51: {  	[tilespmem:s15], [sflag:$0x3] =	stream.indirect.gather [spmem:s2], $0x40, s31, s19, $0xb8;
	[tilespmem:$0x13800] =	vst v63  }
0x52: {  	_ =	swait.ge [sflag:s20], $0x2000  }
0x53: {  	[sflag:s20] =	ssyncset.done $0x0  }
0x54: {  	s30 =	simm.s32 $0x480;
	[sflag:s20] =	ssyncadd.s32 $0xFFFFE000  }
0x55: {  	[spmem:s3] =	stream.indirect.scatter.add.f32 [tilespmem:s15], [sflag:$0x5], $0x40, s30, s19, $0xb8;
	[tilespmem:$0x13800] =	vst v63  }
0x56: {  	_ =	swait.ge [sflag:s29], $0x2000  }
0x57: {  	[sflag:s29] =	ssyncset.done $0x0  }
0x58: {  	s31 =	simm.s32 $0x500;
	[sflag:s29] =	ssyncadd.s32 $0xFFFFE000  }
0x59: {  	[tilespmem:s22], [sflag:$0x4] =	stream.indirect.gather [spmem:s2], $0x40, s31, s19, $0xb8;
	[tilespmem:$0x13800] =	vst v63  }
0x5a: {  	_ =	swait.ge [sflag:s23], $0x2000  }
0x5b: {  	[sflag:s23] =	ssyncset.done $0x0  }
0x5c: {  	s30 =	simm.s32 $0x580;
	[sflag:s23] =	ssyncadd.s32 $0xFFFFE000  }
0x5d: {  	[spmem:s3] =	stream.indirect.scatter.add.f32 [tilespmem:s22], [sflag:$0x6], $0x40, s30, s19, $0xb8;
	[tilespmem:$0x13800] =	vst v63  }
0x5e: {  	_ =	swait.ge [sflag:s25], $0x2000  }
0x5f: {  	[sflag:s25] =	ssyncset.done $0x0  }
0x60: {  	s31 =	simm.s32 $0x600;
	[sflag:s25] =	ssyncadd.s32 $0xFFFFE000  }
0x61: {  	[tilespmem:s15], [sflag:$0x3] =	stream.indirect.gather [spmem:s2], $0x40, s31, s19, $0xb8;
	[tilespmem:$0x13800] =	vst v63  }
0x62: {  	_ =	swait.ge [sflag:s20], $0x2000  }
0x63: {  	[sflag:s20] =	ssyncset.done $0x0  }
0x64: {  	s30 =	simm.s32 $0x680;
	[sflag:s20] =	ssyncadd.s32 $0xFFFFE000  }
0x65: {  	[spmem:s3] =	stream.indirect.scatter.add.f32 [tilespmem:s15], [sflag:$0x5], $0x40, s30, s19, $0xb8;
	[tilespmem:$0x13800] =	vst v63  }
0x66: {  	_ =	swait.ge [sflag:s29], $0x2000  }
0x67: {  	[sflag:s29] =	ssyncset.done $0x0  }
0x68: {  	s31 =	simm.s32 $0x700;
	[sflag:s29] =	ssyncadd.s32 $0xFFFFE000  }
0x69: {  	[tilespmem:s22], [sflag:$0x4] =	stream.indirect.gather [spmem:s2], $0x40, s31, s19, $0xb8;
	[tilespmem:$0x13800] =	vst v63  }
0x6a: {  	_ =	swait.ge [sflag:s23], $0x2000  }
0x6b: {  	[sflag:s23] =	ssyncset.done $0x0  }
0x6c: {  	s30 =	simm.s32 $0x780;
	[sflag:s23] =	ssyncadd.s32 $0xFFFFE000  }
0x6d: {  	[spmem:s3] =	stream.indirect.scatter.add.f32 [tilespmem:s22], [sflag:$0x6], $0x40, s30, s19, $0xb8;
	[tilespmem:$0x13800] =	vst v63  }
0x6e: {  	_ =	swait.ge [sflag:s25], $0x2000  }
0x6f: {  	[sflag:s25] =	ssyncset.done $0x0  }
0x70: {  	[sflag:s25] =	ssyncadd.s32 $0xFFFFE000  }
0x71: {  	[tilespmem:s15], [sflag:$0x3] =	stream.indirect.gather [spmem:s2], $0x40, s0, s19, $0xb8;
	[tilespmem:$0x13800] =	vst v63  }
0x72: {  	_ =	swait.ge [sflag:s20], $0x2000  }
0x73: {  	[sflag:s20] =	ssyncset.done $0x0  }
0x74: {  	[sflag:s20] =	ssyncadd.s32 $0xFFFFE000  }
0x75: {  	[spmem:s3] =	stream.indirect.scatter.add.f32 [tilespmem:s15], [sflag:$0x5], $0x40, s1, s19, $0xb8;
	[tilespmem:$0x13800] =	vst v63  }
0x76: {  	_ =	swait.ge [sflag:s29], $0x2000  }
0x77: {  	[sflag:s29] =	ssyncset.done $0x0  }
0x78: {  	[sflag:s29] =	ssyncadd.s32 $0xFFFFE000  }
0x79: {  	[tilespmem:s22], [sflag:$0x4] =	stream.indirect.gather [spmem:s2], $0x40, s21, s19, $0xb8;
	[tilespmem:$0x13800] =	vst v63  }
0x7a: {  	_ =	swait.ge [sflag:s23], $0x2000  }
0x7b: {  	[sflag:s23] =	ssyncset.done $0x0  }
0x7c: {  	[sflag:s23] =	ssyncadd.s32 $0xFFFFE000  }
0x7d: {  	[spmem:s3] =	stream.indirect.scatter.add.f32 [tilespmem:s22], [sflag:$0x6], $0x40, s24, s19, $0xb8;
	[tilespmem:$0x13800] =	vst v63  }
0x7e: {  	_ =	swait.ge [sflag:s25], $0x2000  }
0x7f: {  	[sflag:s25] =	ssyncset.done $0x0  }
0x80: {  	[sflag:s25] =	ssyncadd.s32 $0xFFFFE000  }
0x81: {  	_ =	swait.ge [sflag:s29], $0x2000  }
0x82: {  	s26 =	sadd.s32 $0x1, s26;
	[sflag:s29] =	ssyncset.done $0x0  }
0x83: {  	p0 =	sne.s32 s26, s13;
	s31 =	sor.u32 $0x1C07, s6;
	[sflag:s29] =	ssyncadd.s32 $0xFFFFE000  }
.Ltmp1:
0x84: {  	s30 =	sshrl.u32 s7, $0x3;
	[bflag:$0x0] =	sbarrier.arrive $0xFFFF;
	(pc) =	sbr.rel @p0 .LBB2_1-.Ltmp1, $4  }
0x85: {  	[hbm:s12], [sflag:s31] =	dma.local [spmem:s30], $0xA00  }
0x86: {  	_ =	swait.ge [sflag:s16], $0xA00  }
0x87: {  	[sflag:s16] =	ssyncset.done $0x0  }
0x88: {  	[sflag:s16] =	ssyncadd.s32 $0xFFFFF600  }
0x89: {  	_ =	sfence.sel $0x180000  }
0x8a: {  	[bflag:$0x0] =	sbarrier.arrive $0xFFFF  }
0x8b: {  	_ =	strace $0x90000050  }
0x8c: {  	s0 =	stileid.u32;
	[bflag:$0x2] =	sbarrier.arrive $0xFFFF  }
0x8d: {  	p0 =	sne.s32 s0, $0x0;
	s0 =	rddreg [dreg:$0x3]  }
0x8e: {  	s0 =	sadd.s32 @!p0 $0x100000, s0  }
0x8f: {  	[sflag:s0] =	ssyncadd.tile.s32 @!p0 $0x1;
	_ =	shalt  }
.Lfunc_end2:
_tile_overlayer_lowered:
.L_overlay_start_2:
0x90: {  	(tag) =	ssettag $0x2  }
0x91: {  	s0 =	rddreg [dreg:$0x0];
	s2 =	stileid.u32  }
0x92: {  	s1 =	rddreg [dreg:$0x1];
	p0 =	sne.s32 s2, $0x0  }
0x93: {  	s3 =	rddreg [dreg:$0x2];
	[bflag:$0x3] =	sbarrier.arrive $0xFFFF;
	s2 =	simm.s32 @!p0 $0x1C07  }
0x94: {  	[timem:s3], [sflag:s2] =	dma.local @!p0 [hbm:s0], s1  }
0x95: {  	s0 =	simm.s32 @!p0 $0x7  }
0x96: {  	_ =	swait.ge @!p0 [sflag:s0], s1  }
0x97: {  	s1 =	ssub.s32 @!p0 $0x0, s1;
	[sflag:s0] =	ssyncset.done @!p0 $0x0  }
0x98: {  	[sflag:s0] =	ssyncadd.s32 @!p0 s1  }
0x99: {  	[bflag:$0x3] =	sbarrier.arrive $0xFFFF  }
0x9a: {  	_ =	shalt  }

</sc_bundles>
